<compile_context>
chip_gen: v7x
topology: tpu7x:2x2x1
jax: 0.10.2.dev20260603
libtpu: 0.0.44.dev20260713+nightly
codegen_flags: <defaults>
</compile_context>

<pallas_src>
import functools

import jax
import jax.numpy as jnp
from jax import lax
from jax.experimental import pallas as pl
from jax.experimental.pallas import tpu as pltpu
from jax.experimental.pallas import tpu_sc as plsc

N = 10000
D1 = 128
D2 = 64
E = 320000
NC = 2
NS = 16
CH = 128
C0 = 120
C1 = 40
NCHMAX = C0
NROW = NS * (C0 + C1)
NROWP = NS * C0 + NS * C1 + (NCHMAX - C1)
EPAD = NROW * CH
R = 10112
RPT = R // NS

_mesh = plsc.VectorSubcoreMesh(core_axis_name="c", subcore_axis_name="s")


def _zero_bf16(ref, rows, width):
    z = jnp.zeros((32,), jnp.bfloat16)
    for i in range(rows):
        for k in range(width // 32):
            ref[i, pl.ds(k * 32, 32)] = z


def _chunk_start(c, s, c0, c1):
    return pl.multiple_of(jnp.where(c == 1, s * c0, NS * c0 + s * c1), 8)


def _n_chunks(c, c0, c1):
    return jnp.where(c == 1, c0, c1)


def _deg_body(dst_hbm, deg_out, idx_v, ones_v, zb, deg_sh):
    c = lax.axis_index("c")
    s = lax.axis_index("s")

    pltpu.sync_copy(dst_hbm.at[pl.ds(_chunk_start(c, s, C0, C1), C0)], idx_v)
    one = jnp.ones((16,), jnp.float32)
    zero = jnp.zeros((16,), jnp.float32)
    for k in range(CH // 16):
        ones_v[pl.ds(k * 16, 16)] = one
    for k in range(640 // 16):
        zb[pl.ds(k * 16, 16)] = zero

    row0 = pl.multiple_of(s * RPT, 8)
    pltpu.sync_copy(zb.at[pl.ds(0, RPT)], deg_sh.at[pl.ds(row0, RPT)])
    plsc.subcore_barrier()

    def body(j, carry):
        pltpu.sync_copy(ones_v, deg_sh.at[idx_v.at[j]], add=True)
        return carry

    lax.fori_loop(0, _n_chunks(c, C0, C1), body, 0)
    plsc.subcore_barrier()

    pltpu.sync_copy(deg_sh.at[pl.ds(row0, RPT)], zb.at[pl.ds(0, RPT)])
    pltpu.sync_copy(zb.at[pl.ds(0, RPT)], deg_out.at[c, pl.ds(row0, RPT)])


_deg_call = functools.partial(
    pl.kernel,
    out_type=jax.ShapeDtypeStruct((NC, R), jnp.float32),
    mesh=_mesh,
    scratch_types=[
        pltpu.VMEM((C0, CH), jnp.int32),
        pltpu.VMEM((CH,), jnp.float32),
        pltpu.VMEM((640,), jnp.float32),
        pltpu.VMEM_SHARED((R,), jnp.float32),
    ],
    compiler_params=pltpu.CompilerParams(use_tc_tiling_on_sc=False),
)(_deg_body)


def _agg_body(D, c0, c1, nout, g_hbm, src_hbm, dst_hbm, acc_out, sidx, didx,
              rows, zb, acc_sh, semg, semg2):
    c = lax.axis_index("c")
    s = lax.axis_index("s")
    row0 = pl.multiple_of(s * RPT, 8)

    def work():
        start = _chunk_start(c, s, c0, c1)
        pltpu.sync_copy(src_hbm.at[pl.ds(start, c0)], sidx)
        pltpu.sync_copy(dst_hbm.at[pl.ds(start, c0)], didx)

        _zero_bf16(zb, 16, D)
        def zbody(k, carry):
            pltpu.sync_copy(zb, acc_sh.at[pl.ds(row0 + k * 16, 16)])
            return carry
        lax.fori_loop(0, RPT // 16, zbody, 0)
        pltpu.sync_copy(zb.at[pl.ds(0, RPT % 16)],
                        acc_sh.at[pl.ds(row0 + (RPT // 16) * 16, RPT % 16)])

    if c1 > 0:
        work()
    else:
        pl.when(c == 1)(work)
    plsc.subcore_barrier()

    def body(k, carry):
        j0 = 2 * k
        j1 = j0 + 1
        cp0 = pltpu.async_copy(g_hbm.at[sidx.at[j0]], rows.at[0], semg)
        cp1 = pltpu.async_copy(g_hbm.at[sidx.at[j1]], rows.at[1], semg2)
        cp0.wait()
        pltpu.sync_copy(rows.at[0], acc_sh.at[didx.at[j0]], add=True)
        cp1.wait()
        pltpu.sync_copy(rows.at[1], acc_sh.at[didx.at[j1]], add=True)
        return carry

    lax.fori_loop(0, _n_chunks(c, c0, c1) // 2, body, 0)
    plsc.subcore_barrier()

    def copyout():
        def obody(k, carry):
            pltpu.sync_copy(acc_sh.at[pl.ds(row0 + k * CH, CH)], rows.at[0])
            if nout == 1:
                pltpu.sync_copy(rows.at[0],
                                acc_out.at[pl.ds(row0 + k * CH, CH)])
            else:
                pltpu.sync_copy(rows.at[0],
                                acc_out.at[c, pl.ds(row0 + k * CH, CH)])
            return carry
        lax.fori_loop(0, RPT // CH, obody, 0)
        tail = RPT % CH
        trow = row0 + (RPT // CH) * CH
        pltpu.sync_copy(acc_sh.at[pl.ds(trow, tail)], rows.at[0, pl.ds(0, tail)])
        if nout == 1:
            pltpu.sync_copy(rows.at[0, pl.ds(0, tail)],
                            acc_out.at[pl.ds(trow, tail)])
        else:
            pltpu.sync_copy(rows.at[0, pl.ds(0, tail)],
                            acc_out.at[c, pl.ds(trow, tail)])

    if c1 > 0:
        copyout()
    else:
        pl.when(c == 1)(copyout)


def _make_agg(D, c0, c1, nout):
    oshape = (R, D) if nout == 1 else (NC, R, D)
    return functools.partial(
        pl.kernel,
        out_type=jax.ShapeDtypeStruct(oshape, jnp.bfloat16),
        mesh=_mesh,
        scratch_types=[
            pltpu.VMEM((c0, CH), jnp.int32),
            pltpu.VMEM((c0, CH), jnp.int32),
            pltpu.VMEM((2, CH, D), jnp.bfloat16),
            pltpu.VMEM((16, D), jnp.bfloat16),
            pltpu.VMEM_SHARED((R, D), jnp.bfloat16),
            pltpu.SemaphoreType.DMA,
            pltpu.SemaphoreType.DMA,
        ],
        compiler_params=pltpu.CompilerParams(use_tc_tiling_on_sc=False),
    )(functools.partial(_agg_body, D, c0, c1, nout))


_agg128 = _make_agg(D1, 152, 8, NC)
_agg64 = _make_agg(D2, C0, C1, NC)


def _t0_body(deg_ref, dis_ref):
    deg = deg_ref[0:1, :] + deg_ref[1:2, :] + 1.0
    dis_ref[...] = lax.rsqrt(deg)


def _t0(deg2):
    return pl.pallas_call(
        _t0_body,
        out_shape=jax.ShapeDtypeStruct((1, R), jnp.float32),
    )(deg2)


_BR = 1000
_NB = N // _BR


def _t1_body(x_ref, w_ref, dis_ref, o_ref):
    mm = jnp.dot(x_ref[...], w_ref[...],
                 preferred_element_type=jnp.float32) * dis_ref[...]
    o_ref[...] = mm.astype(jnp.bfloat16)


def _t1(x, W1, dis_col):
    return pl.pallas_call(
        _t1_body,
        grid=(_NB,),
        in_specs=[
            pl.BlockSpec((_BR, D1), lambda i: (i, 0)),
            pl.BlockSpec((D1, D1), lambda i: (0, 0)),
            pl.BlockSpec((_BR, 1), lambda i: (i, 0)),
        ],
        out_specs=pl.BlockSpec((_BR, D1), lambda i: (i, 0)),
        out_shape=jax.ShapeDtypeStruct((N, D1), jnp.bfloat16),
    )(x, W1, dis_col)


def _t2_body(p_ref, g_ref, dis_ref, b_ref, w_ref, o_ref):
    dis = dis_ref[...]
    acc = p_ref[0].astype(jnp.float32) + p_ref[1].astype(jnp.float32)
    z = dis * (acc + g_ref[...].astype(jnp.float32)) + b_ref[...]
    h = jnp.maximum(z, 0.0)
    mm = jnp.dot(h, w_ref[...], preferred_element_type=jnp.float32) * dis
    o_ref[...] = mm.astype(jnp.bfloat16)


def _t2(p1, g1, dis_col, b1, W2):
    return pl.pallas_call(
        _t2_body,
        grid=(_NB,),
        in_specs=[
            pl.BlockSpec((NC, _BR, D1), lambda i: (0, i, 0)),
            pl.BlockSpec((_BR, D1), lambda i: (i, 0)),
            pl.BlockSpec((_BR, 1), lambda i: (i, 0)),
            pl.BlockSpec((1, D1), lambda i: (0, 0)),
            pl.BlockSpec((D1, D2), lambda i: (0, 0)),
        ],
        out_specs=pl.BlockSpec((_BR, D2), lambda i: (i, 0)),
        out_shape=jax.ShapeDtypeStruct((N, D2), jnp.bfloat16),
    )(p1, g1, dis_col, b1.reshape(1, D1), W2)


def _t3_body(p_ref, g_ref, dis_ref, b_ref, o_ref):
    acc = (p_ref[0] + p_ref[1]).astype(jnp.float32)
    z = dis_ref[...] * (acc + g_ref[...].astype(jnp.float32)) + b_ref[...]
    m = jnp.max(z, axis=-1, keepdims=True)
    zs = z - m
    o_ref[...] = zs - jnp.log(jnp.sum(jnp.exp(zs), axis=-1, keepdims=True))


def _t3(p2, g2, dis_col, b2):
    return pl.pallas_call(
        _t3_body,
        grid=(_NB,),
        in_specs=[
            pl.BlockSpec((NC, _BR, D2), lambda i: (0, i, 0)),
            pl.BlockSpec((_BR, D2), lambda i: (i, 0)),
            pl.BlockSpec((_BR, 1), lambda i: (i, 0)),
            pl.BlockSpec((1, D2), lambda i: (0, 0)),
        ],
        out_specs=pl.BlockSpec((_BR, D2), lambda i: (i, 0)),
        out_shape=jax.ShapeDtypeStruct((N, D2), jnp.float32),
    )(p2, g2, dis_col, b2.reshape(1, D2))


def _pack(flat, fill, c0, c1):
    tp = NS * c0 + NS * c1 + (c0 - c1) - NROW
    a = jnp.concatenate([flat, jnp.full((tp * CH,), fill, jnp.int32)])
    return a.reshape(NROW + tp, CH)


def kernel(x, edge_index, W1, b1, W2, b2):
    src = edge_index[0].astype(jnp.int32)
    dst = edge_index[1].astype(jnp.int32)
    pad = EPAD - E
    flat_src = jnp.concatenate([src, jnp.zeros((pad,), jnp.int32)])
    flat_dst = jnp.concatenate([dst, jnp.full((pad,), N, jnp.int32)])
    s128 = _pack(flat_src, 0, 152, 8)
    d128 = _pack(flat_dst, N, 152, 8)
    s64 = _pack(flat_src, 0, C0, C1)
    d64 = _pack(flat_dst, N, C0, C1)

    deg2 = _deg_call(d64)
    dis_col = _t0(deg2).reshape(R, 1)
    g1 = _t1(x, W1, dis_col[:N])
    p1 = _agg128(g1, s128, d128)
    g2 = _t2(p1, g1, dis_col[:N], b1, W2)
    p2 = _agg64(g2, s64, d64)
    return _t3(p2, g2, dis_col[:N], b2)

# --- scband reference (transcript-rebuilt; emitter-appended) ---
"""Pipeline reference for scband-gcn-23055384445762 (READ-ONLY COPY).

The authoritative reference and input builder live on the scoring server;
editing this copy changes nothing except your own understanding.
"""

import jax, jax.numpy as jnp
import numpy as np

N_NODES = 10000
D_FEAT = 128
HIDDEN = 128
N_CLASSES = 64
N_EDGES = 320000


def setup_inputs(seed: int = 0) -> dict:
    key = jax.random.key(seed)
    k1, k2, k3, k4, k5, k6 = jax.random.split(key, 6)
    x = jax.random.normal(k1, (N_NODES, D_FEAT), dtype=jnp.float32)
    edge_index = jax.random.randint(k2, (2, N_EDGES), 0, N_NODES, dtype=jnp.int64)
    # GCNConv weights (glorot-like init) and biases, per init_kwargs
    s1 = (6.0 / (D_FEAT + HIDDEN)) ** 0.5
    W1 = jax.random.uniform(k3, (D_FEAT, HIDDEN), minval=-s1, maxval=s1, dtype=jnp.float32)
    b1 = jnp.zeros((HIDDEN,), dtype=jnp.float32)
    s2 = (6.0 / (HIDDEN + N_CLASSES)) ** 0.5
    W2 = jax.random.uniform(k4, (HIDDEN, N_CLASSES), minval=-s2, maxval=s2, dtype=jnp.float32)
    b2 = jnp.zeros((N_CLASSES,), dtype=jnp.float32)
    return {"x": x, "edge_index": edge_index, "W1": W1, "b1": b1, "W2": W2, "b2": b2}


def _gcn_conv(h, W, b, src, dst, deg_inv_sqrt, n_nodes):
    # h: [N, in]; W: [in, out]
    h = h @ W
    norm = deg_inv_sqrt[src] * deg_inv_sqrt[dst]  # symmetric normalization
    msg = h[src] * norm[:, None]                  # gather + scale
    out = jax.ops.segment_sum(msg, dst, num_segments=n_nodes)  # scatter-add
    return out + b


def reference(x, edge_index, W1, b1, W2, b2):
    n_nodes = x.shape[0]
    # add self loops (GCNConv normalize=True default behavior)
    loop = jnp.arange(n_nodes, dtype=edge_index.dtype)
    src = jnp.concatenate([edge_index[0], loop])
    dst = jnp.concatenate([edge_index[1], loop])
    # degree with self loops, edge weight = 1
    deg = jax.ops.segment_sum(jnp.ones_like(src, dtype=x.dtype), dst, num_segments=n_nodes)
    deg_inv_sqrt = jnp.where(deg > 0, deg ** -0.5, 0.0)
    # layer 1 + relu (dropout=0.0 is identity)
    h = _gcn_conv(x, W1, b1, src, dst, deg_inv_sqrt, n_nodes)
    h = jax.nn.relu(h)
    # layer 2
    h = _gcn_conv(h, W2, b2, src, dst, deg_inv_sqrt, n_nodes)
    return jax.nn.log_softmax(h, axis=-1)

if __name__ == "__main__":
    import jax
    _d = setup_inputs()
    print(jax.jit(kernel)(*tuple(_d.values())))

</pallas_src>

<mosaic_0001>
#map = affine_map<(d0, d1) -> (0, 0)>
#map1 = affine_map<(d0, d1) -> (0, 0, 0)>
module attributes {stable_mosaic.version = 14 : i64} {
  func.func @_agg_body(%arg0: i32, %arg1: i32, %arg2: memref<10000x128xbf16, #tpu.memory_space<hbm>>, %arg3: memref<2704x128xi32, #tpu.memory_space<hbm>>, %arg4: memref<2704x128xi32, #tpu.memory_space<hbm>>, %arg5: memref<2x10112x128xbf16, #tpu.memory_space<hbm>>, %arg6: memref<152x128xi32, #tpu.memory_space<vmem>>, %arg7: memref<152x128xi32, #tpu.memory_space<vmem>>, %arg8: memref<2x128x128xbf16, #tpu.memory_space<vmem>>, %arg9: memref<16x128xbf16, #tpu.memory_space<vmem>>, %arg10: memref<10112x128xbf16, #tpu.memory_space<vmem_shared>>, %arg11: memref<!tpu.dma_semaphore, #tpu.memory_space<semaphore_mem>>, %arg12: memref<!tpu.dma_semaphore, #tpu.memory_space<semaphore_mem>>) attributes {dimension_semantics = [#tpu.dimension_semantics<core_parallel>, #tpu.dimension_semantics<subcore_parallel>], iteration_bounds = array<i64: 2, 16>, scalar_prefetch = 0 : i64, scratch_operands = 7 : i64, tpu.core_type = #tpu.core_type<sc_vector_subcore>, window_params = [{transform_indices = #map}, {transform_indices = #map}, {transform_indices = #map}, {transform_indices = #map1}]} {
    %mul3A = arith.constant 632 : i32
    %mul3A_0 = arith.muli %arg1, %mul3A : i32
    %multiple_of3A = tpu.assume_multiple %mul3A_0, 8 : i32
    %eq3A = arith.constant 1 : i32
    %eq3A_1 = arith.cmpi eq, %arg0, %eq3A : i32
    %mul3A_2 = arith.constant 152 : i32
    %mul3A_3 = arith.muli %arg1, %mul3A_2 : i32
    %mul3A_4 = arith.constant 8 : i32
    %mul3A_5 = arith.muli %arg1, %mul3A_4 : i32
    %add3A = arith.constant 2432 : i32
    %add3A_6 = arith.addi %add3A, %mul3A_5 : i32
    %select_n3A = arith.select %eq3A_1, %mul3A_3, %add3A_6 : i32
    %multiple_of3A_7 = tpu.assume_multiple %select_n3A, 8 : i32
    "tpu.region"() ({
      %run_scoped3A_440 = tpu.sem_alloc : memref<!tpu.dma_semaphore, #tpu.memory_space<semaphore_mem>>
      %dma_start3A = arith.constant 0 : i32
      %dma_start3A_441 = tpu.memref_slice %arg3[%multiple_of3A_7, %dma_start3A] : memref<2704x128xi32, #tpu.memory_space<hbm>> -> memref<152x128xi32, #tpu.memory_space<hbm>>
      %dma_start3A_442 = arith.constant 0 : i32
      %dma_start3A_443 = tpu.memref_slice %arg3[%multiple_of3A_7, %dma_start3A_442] : memref<2704x128xi32, #tpu.memory_space<hbm>> -> memref<152x128xi32, #tpu.memory_space<hbm>>
      tpu.enqueue_dma source(%dma_start3A_443 : memref<152x128xi32, #tpu.memory_space<hbm>>) target(%arg6 : memref<152x128xi32, #tpu.memory_space<vmem>>) target_semaphore(%run_scoped3A_440 : memref<!tpu.dma_semaphore, #tpu.memory_space<semaphore_mem>>)
      %dma_wait3A = arith.constant 0 : i32
      %dma_wait3A_444 = tpu.memref_slice %arg3[%multiple_of3A_7, %dma_wait3A] : memref<2704x128xi32, #tpu.memory_space<hbm>> -> memref<152x128xi32, #tpu.memory_space<hbm>>
      %dma_wait3A_445 = arith.constant 0 : i32
      %dma_wait3A_446 = tpu.memref_slice %arg3[%multiple_of3A_7, %dma_wait3A_445] : memref<2704x128xi32, #tpu.memory_space<hbm>> -> memref<152x128xi32, #tpu.memory_space<hbm>>
      tpu.wait_dma2 semaphore(%run_scoped3A_440 : memref<!tpu.dma_semaphore, #tpu.memory_space<semaphore_mem>>) src(%dma_wait3A_446 : memref<152x128xi32, #tpu.memory_space<hbm>>) dst(%arg6 : memref<152x128xi32, #tpu.memory_space<vmem>>)
      tpu.yield
    }) : () -> ()
    "tpu.region"() ({
      %run_scoped3A_440 = tpu.sem_alloc : memref<!tpu.dma_semaphore, #tpu.memory_space<semaphore_mem>>
      %dma_start3A = arith.constant 0 : i32
      %dma_start3A_441 = tpu.memref_slice %arg4[%multiple_of3A_7, %dma_start3A] : memref<2704x128xi32, #tpu.memory_space<hbm>> -> memref<152x128xi32, #tpu.memory_space<hbm>>
      %dma_start3A_442 = arith.constant 0 : i32
      %dma_start3A_443 = tpu.memref_slice %arg4[%multiple_of3A_7, %dma_start3A_442] : memref<2704x128xi32, #tpu.memory_space<hbm>> -> memref<152x128xi32, #tpu.memory_space<hbm>>
      tpu.enqueue_dma source(%dma_start3A_443 : memref<152x128xi32, #tpu.memory_space<hbm>>) target(%arg7 : memref<152x128xi32, #tpu.memory_space<vmem>>) target_semaphore(%run_scoped3A_440 : memref<!tpu.dma_semaphore, #tpu.memory_space<semaphore_mem>>)
      %dma_wait3A = arith.constant 0 : i32
      %dma_wait3A_444 = tpu.memref_slice %arg4[%multiple_of3A_7, %dma_wait3A] : memref<2704x128xi32, #tpu.memory_space<hbm>> -> memref<152x128xi32, #tpu.memory_space<hbm>>
      %dma_wait3A_445 = arith.constant 0 : i32
      %dma_wait3A_446 = tpu.memref_slice %arg4[%multiple_of3A_7, %dma_wait3A_445] : memref<2704x128xi32, #tpu.memory_space<hbm>> -> memref<152x128xi32, #tpu.memory_space<hbm>>
      tpu.wait_dma2 semaphore(%run_scoped3A_440 : memref<!tpu.dma_semaphore, #tpu.memory_space<semaphore_mem>>) src(%dma_wait3A_446 : memref<152x128xi32, #tpu.memory_space<hbm>>) dst(%arg7 : memref<152x128xi32, #tpu.memory_space<vmem>>)
      tpu.yield
    }) : () -> ()
    %broadcast_in_dim3A = arith.constant 0.000000e+00 : bf16
    %broadcast_in_dim3A_8 = vector.broadcast %broadcast_in_dim3A : bf16 to vector<32xbf16>
    %swap3A = arith.constant 0 : i32
    %swap3A_9 = arith.index_cast %swap3A : i32 to index
    %swap3A_10 = arith.constant 0 : index
    %swap3A_11 = tpu.vector_load %arg9[%swap3A_9, %swap3A_10] {strides = array<i32>} : memref<16x128xbf16, #tpu.memory_space<vmem>>, vector<1x32xbf16>,
    %swap3A_12 = vector.shape_cast %swap3A_11 : vector<1x32xbf16> to vector<32xbf16>
    %swap3A_13 = vector.shape_cast %broadcast_in_dim3A_8 : vector<32xbf16> to vector<1x32xbf16>
    tpu.vector_store %arg9[%swap3A_9, %swap3A_10], %swap3A_13 {strides = array<i32>} : memref<16x128xbf16, #tpu.memory_space<vmem>>, vector<1x32xbf16>,
    %swap3A_14 = arith.constant 0 : i32
    %swap3A_15 = arith.index_cast %swap3A_14 : i32 to index
    %swap3A_16 = arith.constant 32 : index
    %swap3A_17 = tpu.vector_load %arg9[%swap3A_15, %swap3A_16] {strides = array<i32>} : memref<16x128xbf16, #tpu.memory_space<vmem>>, vector<1x32xbf16>,
    %swap3A_18 = vector.shape_cast %swap3A_17 : vector<1x32xbf16> to vector<32xbf16>
    %swap3A_19 = vector.shape_cast %broadcast_in_dim3A_8 : vector<32xbf16> to vector<1x32xbf16>
    tpu.vector_store %arg9[%swap3A_15, %swap3A_16], %swap3A_19 {strides = array<i32>} : memref<16x128xbf16, #tpu.memory_space<vmem>>, vector<1x32xbf16>,
    %swap3A_20 = arith.constant 0 : i32
    %swap3A_21 = arith.index_cast %swap3A_20 : i32 to index
    %swap3A_22 = arith.constant 64 : index
    %swap3A_23 = tpu.vector_load %arg9[%swap3A_21, %swap3A_22] {strides = array<i32>} : memref<16x128xbf16, #tpu.memory_space<vmem>>, vector<1x32xbf16>,
    %swap3A_24 = vector.shape_cast %swap3A_23 : vector<1x32xbf16> to vector<32xbf16>
    %swap3A_25 = vector.shape_cast %broadcast_in_dim3A_8 : vector<32xbf16> to vector<1x32xbf16>
    tpu.vector_store %arg9[%swap3A_21, %swap3A_22], %swap3A_25 {strides = array<i32>} : memref<16x128xbf16, #tpu.memory_space<vmem>>, vector<1x32xbf16>,
    %swap3A_26 = arith.constant 0 : i32
    %swap3A_27 = arith.index_cast %swap3A_26 : i32 to index
    %swap3A_28 = arith.constant 96 : index
    %swap3A_29 = tpu.vector_load %arg9[%swap3A_27, %swap3A_28] {strides = array<i32>} : memref<16x128xbf16, #tpu.memory_space<vmem>>, vector<1x32xbf16>,
    %swap3A_30 = vector.shape_cast %swap3A_29 : vector<1x32xbf16> to vector<32xbf16>
    %swap3A_31 = vector.shape_cast %broadcast_in_dim3A_8 : vector<32xbf16> to vector<1x32xbf16>
    tpu.vector_store %arg9[%swap3A_27, %swap3A_28], %swap3A_31 {strides = array<i32>} : memref<16x128xbf16, #tpu.memory_space<vmem>>, vector<1x32xbf16>,
    %swap3A_32 = arith.constant 1 : i32
    %swap3A_33 = arith.index_cast %swap3A_32 : i32 to index
    %swap3A_34 = arith.constant 0 : index
    %swap3A_35 = tpu.vector_load %arg9[%swap3A_33, %swap3A_34] {strides = array<i32>} : memref<16x128xbf16, #tpu.memory_space<vmem>>, vector<1x32xbf16>,
    %swap3A_36 = vector.shape_cast %swap3A_35 : vector<1x32xbf16> to vector<32xbf16>
    %swap3A_37 = vector.shape_cast %broadcast_in_dim3A_8 : vector<32xbf16> to vector<1x32xbf16>
    tpu.vector_store %arg9[%swap3A_33, %swap3A_34], %swap3A_37 {strides = array<i32>} : memref<16x128xbf16, #tpu.memory_space<vmem>>, vector<1x32xbf16>,
    %swap3A_38 = arith.constant 1 : i32
    %swap3A_39 = arith.index_cast %swap3A_38 : i32 to index
    %swap3A_40 = arith.constant 32 : index
    %swap3A_41 = tpu.vector_load %arg9[%swap3A_39, %swap3A_40] {strides = array<i32>} : memref<16x128xbf16, #tpu.memory_space<vmem>>, vector<1x32xbf16>,
    %swap3A_42 = vector.shape_cast %swap3A_41 : vector<1x32xbf16> to vector<32xbf16>
    %swap3A_43 = vector.shape_cast %broadcast_in_dim3A_8 : vector<32xbf16> to vector<1x32xbf16>
    tpu.vector_store %arg9[%swap3A_39, %swap3A_40], %swap3A_43 {strides = array<i32>} : memref<16x128xbf16, #tpu.memory_space<vmem>>, vector<1x32xbf16>,
    %swap3A_44 = arith.constant 1 : i32
    %swap3A_45 = arith.index_cast %swap3A_44 : i32 to index
    %swap3A_46 = arith.constant 64 : index
    %swap3A_47 = tpu.vector_load %arg9[%swap3A_45, %swap3A_46] {strides = array<i32>} : memref<16x128xbf16, #tpu.memory_space<vmem>>, vector<1x32xbf16>,
    %swap3A_48 = vector.shape_cast %swap3A_47 : vector<1x32xbf16> to vector<32xbf16>
    %swap3A_49 = vector.shape_cast %broadcast_in_dim3A_8 : vector<32xbf16> to vector<1x32xbf16>
    tpu.vector_store %arg9[%swap3A_45, %swap3A_46], %swap3A_49 {strides = array<i32>} : memref<16x128xbf16, #tpu.memory_space<vmem>>, vector<1x32xbf16>,
    %swap3A_50 = arith.constant 1 : i32
    %swap3A_51 = arith.index_cast %swap3A_50 : i32 to index
    %swap3A_52 = arith.constant 96 : index
    %swap3A_53 = tpu.vector_load %arg9[%swap3A_51, %swap3A_52] {strides = array<i32>} : memref<16x128xbf16, #tpu.memory_space<vmem>>, vector<1x32xbf16>,
    %swap3A_54 = vector.shape_cast %swap3A_53 : vector<1x32xbf16> to vector<32xbf16>
    %swap3A_55 = vector.shape_cast %broadcast_in_dim3A_8 : vector<32xbf16> to vector<1x32xbf16>
    tpu.vector_store %arg9[%swap3A_51, %swap3A_52], %swap3A_55 {strides = array<i32>} : memref<16x128xbf16, #tpu.memory_space<vmem>>, vector<1x32xbf16>,
    %swap3A_56 = arith.constant 2 : i32
    %swap3A_57 = arith.index_cast %swap3A_56 : i32 to index
    %swap3A_58 = arith.constant 0 : index
    %swap3A_59 = tpu.vector_load %arg9[%swap3A_57, %swap3A_58] {strides = array<i32>} : memref<16x128xbf16, #tpu.memory_space<vmem>>, vector<1x32xbf16>,
    %swap3A_60 = vector.shape_cast %swap3A_59 : vector<1x32xbf16> to vector<32xbf16>
    %swap3A_61 = vector.shape_cast %broadcast_in_dim3A_8 : vector<32xbf16> to vector<1x32xbf16>
    tpu.vector_store %arg9[%swap3A_57, %swap3A_58], %swap3A_61 {strides = array<i32>} : memref<16x128xbf16, #tpu.memory_space<vmem>>, vector<1x32xbf16>,
    %swap3A_62 = arith.constant 2 : i32
    %swap3A_63 = arith.index_cast %swap3A_62 : i32 to index
    %swap3A_64 = arith.constant 32 : index
    %swap3A_65 = tpu.vector_load %arg9[%swap3A_63, %swap3A_64] {strides = array<i32>} : memref<16x128xbf16, #tpu.memory_space<vmem>>, vector<1x32xbf16>,
    %swap3A_66 = vector.shape_cast %swap3A_65 : vector<1x32xbf16> to vector<32xbf16>
    %swap3A_67 = vector.shape_cast %broadcast_in_dim3A_8 : vector<32xbf16> to vector<1x32xbf16>
    tpu.vector_store %arg9[%swap3A_63, %swap3A_64], %swap3A_67 {strides = array<i32>} : memref<16x128xbf16, #tpu.memory_space<vmem>>, vector<1x32xbf16>,
    %swap3A_68 = arith.constant 2 : i32
    %swap3A_69 = arith.index_cast %swap3A_68 : i32 to index
    %swap3A_70 = arith.constant 64 : index
    %swap3A_71 = tpu.vector_load %arg9[%swap3A_69, %swap3A_70] {strides = array<i32>} : memref<16x128xbf16, #tpu.memory_space<vmem>>, vector<1x32xbf16>,
    %swap3A_72 = vector.shape_cast %swap3A_71 : vector<1x32xbf16> to vector<32xbf16>
    %swap3A_73 = vector.shape_cast %broadcast_in_dim3A_8 : vector<32xbf16> to vector<1x32xbf16>
    tpu.vector_store %arg9[%swap3A_69, %swap3A_70], %swap3A_73 {strides = array<i32>} : memref<16x128xbf16, #tpu.memory_space<vmem>>, vector<1x32xbf16>,
    %swap3A_74 = arith.constant 2 : i32
    %swap3A_75 = arith.index_cast %swap3A_74 : i32 to index
    %swap3A_76 = arith.constant 96 : index
    %swap3A_77 = tpu.vector_load %arg9[%swap3A_75, %swap3A_76] {strides = array<i32>} : memref<16x128xbf16, #tpu.memory_space<vmem>>, vector<1x32xbf16>,
    %swap3A_78 = vector.shape_cast %swap3A_77 : vector<1x32xbf16> to vector<32xbf16>
    %swap3A_79 = vector.shape_cast %broadcast_in_dim3A_8 : vector<32xbf16> to vector<1x32xbf16>
    tpu.vector_store %arg9[%swap3A_75, %swap3A_76], %swap3A_79 {strides = array<i32>} : memref<16x128xbf16, #tpu.memory_space<vmem>>, vector<1x32xbf16>,
    %swap3A_80 = arith.constant 3 : i32
    %swap3A_81 = arith.index_cast %swap3A_80 : i32 to index
    %swap3A_82 = arith.constant 0 : index
    %swap3A_83 = tpu.vector_load %arg9[%swap3A_81, %swap3A_82] {strides = array<i32>} : memref<16x128xbf16, #tpu.memory_space<vmem>>, vector<1x32xbf16>,
    %swap3A_84 = vector.shape_cast %swap3A_83 : vector<1x32xbf16> to vector<32xbf16>
    %swap3A_85 = vector.shape_cast %broadcast_in_dim3A_8 : vector<32xbf16> to vector<1x32xbf16>
    tpu.vector_store %arg9[%swap3A_81, %swap3A_82], %swap3A_85 {strides = array<i32>} : memref<16x128xbf16, #tpu.memory_space<vmem>>, vector<1x32xbf16>,
    %swap3A_86 = arith.constant 3 : i32
    %swap3A_87 = arith.index_cast %swap3A_86 : i32 to index
    %swap3A_88 = arith.constant 32 : index
    %swap3A_89 = tpu.vector_load %arg9[%swap3A_87, %swap3A_88] {strides = array<i32>} : memref<16x128xbf16, #tpu.memory_space<vmem>>, vector<1x32xbf16>,
    %swap3A_90 = vector.shape_cast %swap3A_89 : vector<1x32xbf16> to vector<32xbf16>
    %swap3A_91 = vector.shape_cast %broadcast_in_dim3A_8 : vector<32xbf16> to vector<1x32xbf16>
    tpu.vector_store %arg9[%swap3A_87, %swap3A_88], %swap3A_91 {strides = array<i32>} : memref<16x128xbf16, #tpu.memory_space<vmem>>, vector<1x32xbf16>,
    %swap3A_92 = arith.constant 3 : i32
    %swap3A_93 = arith.index_cast %swap3A_92 : i32 to index
    %swap3A_94 = arith.constant 64 : index
    %swap3A_95 = tpu.vector_load %arg9[%swap3A_93, %swap3A_94] {strides = array<i32>} : memref<16x128xbf16, #tpu.memory_space<vmem>>, vector<1x32xbf16>,
    %swap3A_96 = vector.shape_cast %swap3A_95 : vector<1x32xbf16> to vector<32xbf16>
    %swap3A_97 = vector.shape_cast %broadcast_in_dim3A_8 : vector<32xbf16> to vector<1x32xbf16>
    tpu.vector_store %arg9[%swap3A_93, %swap3A_94], %swap3A_97 {strides = array<i32>} : memref<16x128xbf16, #tpu.memory_space<vmem>>, vector<1x32xbf16>,
    %swap3A_98 = arith.constant 3 : i32
    %swap3A_99 = arith.index_cast %swap3A_98 : i32 to index
    %swap3A_100 = arith.constant 96 : index
    %swap3A_101 = tpu.vector_load %arg9[%swap3A_99, %swap3A_100] {strides = array<i32>} : memref<16x128xbf16, #tpu.memory_space<vmem>>, vector<1x32xbf16>,
    %swap3A_102 = vector.shape_cast %swap3A_101 : vector<1x32xbf16> to vector<32xbf16>
    %swap3A_103 = vector.shape_cast %broadcast_in_dim3A_8 : vector<32xbf16> to vector<1x32xbf16>
    tpu.vector_store %arg9[%swap3A_99, %swap3A_100], %swap3A_103 {strides = array<i32>} : memref<16x128xbf16, #tpu.memory_space<vmem>>, vector<1x32xbf16>,
    %swap3A_104 = arith.constant 4 : i32
    %swap3A_105 = arith.index_cast %swap3A_104 : i32 to index
    %swap3A_106 = arith.constant 0 : index
    %swap3A_107 = tpu.vector_load %arg9[%swap3A_105, %swap3A_106] {strides = array<i32>} : memref<16x128xbf16, #tpu.memory_space<vmem>>, vector<1x32xbf16>,
    %swap3A_108 = vector.shape_cast %swap3A_107 : vector<1x32xbf16> to vector<32xbf16>
    %swap3A_109 = vector.shape_cast %broadcast_in_dim3A_8 : vector<32xbf16> to vector<1x32xbf16>
    tpu.vector_store %arg9[%swap3A_105, %swap3A_106], %swap3A_109 {strides = array<i32>} : memref<16x128xbf16, #tpu.memory_space<vmem>>, vector<1x32xbf16>,
    %swap3A_110 = arith.constant 4 : i32
    %swap3A_111 = arith.index_cast %swap3A_110 : i32 to index
    %swap3A_112 = arith.constant 32 : index
    %swap3A_113 = tpu.vector_load %arg9[%swap3A_111, %swap3A_112] {strides = array<i32>} : memref<16x128xbf16, #tpu.memory_space<vmem>>, vector<1x32xbf16>,
    %swap3A_114 = vector.shape_cast %swap3A_113 : vector<1x32xbf16> to vector<32xbf16>
    %swap3A_115 = vector.shape_cast %broadcast_in_dim3A_8 : vector<32xbf16> to vector<1x32xbf16>
    tpu.vector_store %arg9[%swap3A_111, %swap3A_112], %swap3A_115 {strides = array<i32>} : memref<16x128xbf16, #tpu.memory_space<vmem>>, vector<1x32xbf16>,
    %swap3A_116 = arith.constant 4 : i32
    %swap3A_117 = arith.index_cast %swap3A_116 : i32 to index
    %swap3A_118 = arith.constant 64 : index
    %swap3A_119 = tpu.vector_load %arg9[%swap3A_117, %swap3A_118] {strides = array<i32>} : memref<16x128xbf16, #tpu.memory_space<vmem>>, vector<1x32xbf16>,
    %swap3A_120 = vector.shape_cast %swap3A_119 : vector<1x32xbf16> to vector<32xbf16>
    %swap3A_121 = vector.shape_cast %broadcast_in_dim3A_8 : vector<32xbf16> to vector<1x32xbf16>
    tpu.vector_store %arg9[%swap3A_117, %swap3A_118], %swap3A_121 {strides = array<i32>} : memref<16x128xbf16, #tpu.memory_space<vmem>>, vector<1x32xbf16>,
    %swap3A_122 = arith.constant 4 : i32
    %swap3A_123 = arith.index_cast %swap3A_122 : i32 to index
    %swap3A_124 = arith.constant 96 : index
    %swap3A_125 = tpu.vector_load %arg9[%swap3A_123, %swap3A_124] {strides = array<i32>} : memref<16x128xbf16, #tpu.memory_space<vmem>>, vector<1x32xbf16>,
    %swap3A_126 = vector.shape_cast %swap3A_125 : vector<1x32xbf16> to vector<32xbf16>
    %swap3A_127 = vector.shape_cast %broadcast_in_dim3A_8 : vector<32xbf16> to vector<1x32xbf16>
    tpu.vector_store %arg9[%swap3A_123, %swap3A_124], %swap3A_127 {strides = array<i32>} : memref<16x128xbf16, #tpu.memory_space<vmem>>, vector<1x32xbf16>,
    %swap3A_128 = arith.constant 5 : i32
    %swap3A_129 = arith.index_cast %swap3A_128 : i32 to index
    %swap3A_130 = arith.constant 0 : index
    %swap3A_131 = tpu.vector_load %arg9[%swap3A_129, %swap3A_130] {strides = array<i32>} : memref<16x128xbf16, #tpu.memory_space<vmem>>, vector<1x32xbf16>,
    %swap3A_132 = vector.shape_cast %swap3A_131 : vector<1x32xbf16> to vector<32xbf16>
    %swap3A_133 = vector.shape_cast %broadcast_in_dim3A_8 : vector<32xbf16> to vector<1x32xbf16>
    tpu.vector_store %arg9[%swap3A_129, %swap3A_130], %swap3A_133 {strides = array<i32>} : memref<16x128xbf16, #tpu.memory_space<vmem>>, vector<1x32xbf16>,
    %swap3A_134 = arith.constant 5 : i32
    %swap3A_135 = arith.index_cast %swap3A_134 : i32 to index
    %swap3A_136 = arith.constant 32 : index
    %swap3A_137 = tpu.vector_load %arg9[%swap3A_135, %swap3A_136] {strides = array<i32>} : memref<16x128xbf16, #tpu.memory_space<vmem>>, vector<1x32xbf16>,
    %swap3A_138 = vector.shape_cast %swap3A_137 : vector<1x32xbf16> to vector<32xbf16>
    %swap3A_139 = vector.shape_cast %broadcast_in_dim3A_8 : vector<32xbf16> to vector<1x32xbf16>
    tpu.vector_store %arg9[%swap3A_135, %swap3A_136], %swap3A_139 {strides = array<i32>} : memref<16x128xbf16, #tpu.memory_space<vmem>>, vector<1x32xbf16>,
    %swap3A_140 = arith.constant 5 : i32
    %swap3A_141 = arith.index_cast %swap3A_140 : i32 to index
    %swap3A_142 = arith.constant 64 : index
    %swap3A_143 = tpu.vector_load %arg9[%swap3A_141, %swap3A_142] {strides = array<i32>} : memref<16x128xbf16, #tpu.memory_space<vmem>>, vector<1x32xbf16>,
    %swap3A_144 = vector.shape_cast %swap3A_143 : vector<1x32xbf16> to vector<32xbf16>
    %swap3A_145 = vector.shape_cast %broadcast_in_dim3A_8 : vector<32xbf16> to vector<1x32xbf16>
    tpu.vector_store %arg9[%swap3A_141, %swap3A_142], %swap3A_145 {strides = array<i32>} : memref<16x128xbf16, #tpu.memory_space<vmem>>, vector<1x32xbf16>,
    %swap3A_146 = arith.constant 5 : i32
    %swap3A_147 = arith.index_cast %swap3A_146 : i32 to index
    %swap3A_148 = arith.constant 96 : index
    %swap3A_149 = tpu.vector_load %arg9[%swap3A_147, %swap3A_148] {strides = array<i32>} : memref<16x128xbf16, #tpu.memory_space<vmem>>, vector<1x32xbf16>,
    %swap3A_150 = vector.shape_cast %swap3A_149 : vector<1x32xbf16> to vector<32xbf16>
    %swap3A_151 = vector.shape_cast %broadcast_in_dim3A_8 : vector<32xbf16> to vector<1x32xbf16>
    tpu.vector_store %arg9[%swap3A_147, %swap3A_148], %swap3A_151 {strides = array<i32>} : memref<16x128xbf16, #tpu.memory_space<vmem>>, vector<1x32xbf16>,
    %swap3A_152 = arith.constant 6 : i32
    %swap3A_153 = arith.index_cast %swap3A_152 : i32 to index
    %swap3A_154 = arith.constant 0 : index
    %swap3A_155 = tpu.vector_load %arg9[%swap3A_153, %swap3A_154] {strides = array<i32>} : memref<16x128xbf16, #tpu.memory_space<vmem>>, vector<1x32xbf16>,
    %swap3A_156 = vector.shape_cast %swap3A_155 : vector<1x32xbf16> to vector<32xbf16>
    %swap3A_157 = vector.shape_cast %broadcast_in_dim3A_8 : vector<32xbf16> to vector<1x32xbf16>
    tpu.vector_store %arg9[%swap3A_153, %swap3A_154], %swap3A_157 {strides = array<i32>} : memref<16x128xbf16, #tpu.memory_space<vmem>>, vector<1x32xbf16>,
    %swap3A_158 = arith.constant 6 : i32
    %swap3A_159 = arith.index_cast %swap3A_158 : i32 to index
    %swap3A_160 = arith.constant 32 : index
    %swap3A_161 = tpu.vector_load %arg9[%swap3A_159, %swap3A_160] {strides = array<i32>} : memref<16x128xbf16, #tpu.memory_space<vmem>>, vector<1x32xbf16>,
    %swap3A_162 = vector.shape_cast %swap3A_161 : vector<1x32xbf16> to vector<32xbf16>
    %swap3A_163 = vector.shape_cast %broadcast_in_dim3A_8 : vector<32xbf16> to vector<1x32xbf16>
    tpu.vector_store %arg9[%swap3A_159, %swap3A_160], %swap3A_163 {strides = array<i32>} : memref<16x128xbf16, #tpu.memory_space<vmem>>, vector<1x32xbf16>,
    %swap3A_164 = arith.constant 6 : i32
    %swap3A_165 = arith.index_cast %swap3A_164 : i32 to index
    %swap3A_166 = arith.constant 64 : index
    %swap3A_167 = tpu.vector_load %arg9[%swap3A_165, %swap3A_166] {strides = array<i32>} : memref<16x128xbf16, #tpu.memory_space<vmem>>, vector<1x32xbf16>,
    %swap3A_168 = vector.shape_cast %swap3A_167 : vector<1x32xbf16> to vector<32xbf16>
    %swap3A_169 = vector.shape_cast %broadcast_in_dim3A_8 : vector<32xbf16> to vector<1x32xbf16>
    tpu.vector_store %arg9[%swap3A_165, %swap3A_166], %swap3A_169 {strides = array<i32>} : memref<16x128xbf16, #tpu.memory_space<vmem>>, vector<1x32xbf16>,
    %swap3A_170 = arith.constant 6 : i32
    %swap3A_171 = arith.index_cast %swap3A_170 : i32 to index
    %swap3A_172 = arith.constant 96 : index
    %swap3A_173 = tpu.vector_load %arg9[%swap3A_171, %swap3A_172] {strides = array<i32>} : memref<16x128xbf16, #tpu.memory_space<vmem>>, vector<1x32xbf16>,
    %swap3A_174 = vector.shape_cast %swap3A_173 : vector<1x32xbf16> to vector<32xbf16>
    %swap3A_175 = vector.shape_cast %broadcast_in_dim3A_8 : vector<32xbf16> to vector<1x32xbf16>
    tpu.vector_store %arg9[%swap3A_171, %swap3A_172], %swap3A_175 {strides = array<i32>} : memref<16x128xbf16, #tpu.memory_space<vmem>>, vector<1x32xbf16>,
    %swap3A_176 = arith.constant 7 : i32
    %swap3A_177 = arith.index_cast %swap3A_176 : i32 to index
    %swap3A_178 = arith.constant 0 : index
    %swap3A_179 = tpu.vector_load %arg9[%swap3A_177, %swap3A_178] {strides = array<i32>} : memref<16x128xbf16, #tpu.memory_space<vmem>>, vector<1x32xbf16>,
    %swap3A_180 = vector.shape_cast %swap3A_179 : vector<1x32xbf16> to vector<32xbf16>
    %swap3A_181 = vector.shape_cast %broadcast_in_dim3A_8 : vector<32xbf16> to vector<1x32xbf16>
    tpu.vector_store %arg9[%swap3A_177, %swap3A_178], %swap3A_181 {strides = array<i32>} : memref<16x128xbf16, #tpu.memory_space<vmem>>, vector<1x32xbf16>,
    %swap3A_182 = arith.constant 7 : i32
    %swap3A_183 = arith.index_cast %swap3A_182 : i32 to index
    %swap3A_184 = arith.constant 32 : index
    %swap3A_185 = tpu.vector_load %arg9[%swap3A_183, %swap3A_184] {strides = array<i32>} : memref<16x128xbf16, #tpu.memory_space<vmem>>, vector<1x32xbf16>,
    %swap3A_186 = vector.shape_cast %swap3A_185 : vector<1x32xbf16> to vector<32xbf16>
    %swap3A_187 = vector.shape_cast %broadcast_in_dim3A_8 : vector<32xbf16> to vector<1x32xbf16>
    tpu.vector_store %arg9[%swap3A_183, %swap3A_184], %swap3A_187 {strides = array<i32>} : memref<16x128xbf16, #tpu.memory_space<vmem>>, vector<1x32xbf16>,
    %swap3A_188 = arith.constant 7 : i32
    %swap3A_189 = arith.index_cast %swap3A_188 : i32 to index
    %swap3A_190 = arith.constant 64 : index
    %swap3A_191 = tpu.vector_load %arg9[%swap3A_189, %swap3A_190] {strides = array<i32>} : memref<16x128xbf16, #tpu.memory_space<vmem>>, vector<1x32xbf16>,
    %swap3A_192 = vector.shape_cast %swap3A_191 : vector<1x32xbf16> to vector<32xbf16>
    %swap3A_193 = vector.shape_cast %broadcast_in_dim3A_8 : vector<32xbf16> to vector<1x32xbf16>
    tpu.vector_store %arg9[%swap3A_189, %swap3A_190], %swap3A_193 {strides = array<i32>} : memref<16x128xbf16, #tpu.memory_space<vmem>>, vector<1x32xbf16>,
    %swap3A_194 = arith.constant 7 : i32
    %swap3A_195 = arith.index_cast %swap3A_194 : i32 to index
    %swap3A_196 = arith.constant 96 : index
    %swap3A_197 = tpu.vector_load %arg9[%swap3A_195, %swap3A_196] {strides = array<i32>} : memref<16x128xbf16, #tpu.memory_space<vmem>>, vector<1x32xbf16>,
    %swap3A_198 = vector.shape_cast %swap3A_197 : vector<1x32xbf16> to vector<32xbf16>
    %swap3A_199 = vector.shape_cast %broadcast_in_dim3A_8 : vector<32xbf16> to vector<1x32xbf16>
    tpu.vector_store %arg9[%swap3A_195, %swap3A_196], %swap3A_199 {strides = array<i32>} : memref<16x128xbf16, #tpu.memory_space<vmem>>, vector<1x32xbf16>,
    %swap3A_200 = arith.constant 8 : i32
    %swap3A_201 = arith.index_cast %swap3A_200 : i32 to index
    %swap3A_202 = arith.constant 0 : index
    %swap3A_203 = tpu.vector_load %arg9[%swap3A_201, %swap3A_202] {strides = array<i32>} : memref<16x128xbf16, #tpu.memory_space<vmem>>, vector<1x32xbf16>,
    %swap3A_204 = vector.shape_cast %swap3A_203 : vector<1x32xbf16> to vector<32xbf16>
    %swap3A_205 = vector.shape_cast %broadcast_in_dim3A_8 : vector<32xbf16> to vector<1x32xbf16>
    tpu.vector_store %arg9[%swap3A_201, %swap3A_202], %swap3A_205 {strides = array<i32>} : memref<16x128xbf16, #tpu.memory_space<vmem>>, vector<1x32xbf16>,
    %swap3A_206 = arith.constant 8 : i32
    %swap3A_207 = arith.index_cast %swap3A_206 : i32 to index
    %swap3A_208 = arith.constant 32 : index
    %swap3A_209 = tpu.vector_load %arg9[%swap3A_207, %swap3A_208] {strides = array<i32>} : memref<16x128xbf16, #tpu.memory_space<vmem>>, vector<1x32xbf16>,
    %swap3A_210 = vector.shape_cast %swap3A_209 : vector<1x32xbf16> to vector<32xbf16>
    %swap3A_211 = vector.shape_cast %broadcast_in_dim3A_8 : vector<32xbf16> to vector<1x32xbf16>
    tpu.vector_store %arg9[%swap3A_207, %swap3A_208], %swap3A_211 {strides = array<i32>} : memref<16x128xbf16, #tpu.memory_space<vmem>>, vector<1x32xbf16>,
    %swap3A_212 = arith.constant 8 : i32
    %swap3A_213 = arith.index_cast %swap3A_212 : i32 to index
    %swap3A_214 = arith.constant 64 : index
    %swap3A_215 = tpu.vector_load %arg9[%swap3A_213, %swap3A_214] {strides = array<i32>} : memref<16x128xbf16, #tpu.memory_space<vmem>>, vector<1x32xbf16>,
    %swap3A_216 = vector.shape_cast %swap3A_215 : vector<1x32xbf16> to vector<32xbf16>
    %swap3A_217 = vector.shape_cast %broadcast_in_dim3A_8 : vector<32xbf16> to vector<1x32xbf16>
    tpu.vector_store %arg9[%swap3A_213, %swap3A_214], %swap3A_217 {strides = array<i32>} : memref<16x128xbf16, #tpu.memory_space<vmem>>, vector<1x32xbf16>,
    %swap3A_218 = arith.constant 8 : i32
    %swap3A_219 = arith.index_cast %swap3A_218 : i32 to index
    %swap3A_220 = arith.constant 96 : index
    %swap3A_221 = tpu.vector_load %arg9[%swap3A_219, %swap3A_220] {strides = array<i32>} : memref<16x128xbf16, #tpu.memory_space<vmem>>, vector<1x32xbf16>,
    %swap3A_222 = vector.shape_cast %swap3A_221 : vector<1x32xbf16> to vector<32xbf16>
    %swap3A_223 = vector.shape_cast %broadcast_in_dim3A_8 : vector<32xbf16> to vector<1x32xbf16>
    tpu.vector_store %arg9[%swap3A_219, %swap3A_220], %swap3A_223 {strides = array<i32>} : memref<16x128xbf16, #tpu.memory_space<vmem>>, vector<1x32xbf16>,
    %swap3A_224 = arith.constant 9 : i32
    %swap3A_225 = arith.index_cast %swap3A_224 : i32 to index
    %swap3A_226 = arith.constant 0 : index
    %swap3A_227 = tpu.vector_load %arg9[%swap3A_225, %swap3A_226] {strides = array<i32>} : memref<16x128xbf16, #tpu.memory_space<vmem>>, vector<1x32xbf16>,
    %swap3A_228 = vector.shape_cast %swap3A_227 : vector<1x32xbf16> to vector<32xbf16>
    %swap3A_229 = vector.shape_cast %broadcast_in_dim3A_8 : vector<32xbf16> to vector<1x32xbf16>
    tpu.vector_store %arg9[%swap3A_225, %swap3A_226], %swap3A_229 {strides = array<i32>} : memref<16x128xbf16, #tpu.memory_space<vmem>>, vector<1x32xbf16>,
    %swap3A_230 = arith.constant 9 : i32
    %swap3A_231 = arith.index_cast %swap3A_230 : i32 to index
    %swap3A_232 = arith.constant 32 : index
    %swap3A_233 = tpu.vector_load %arg9[%swap3A_231, %swap3A_232] {strides = array<i32>} : memref<16x128xbf16, #tpu.memory_space<vmem>>, vector<1x32xbf16>,
    %swap3A_234 = vector.shape_cast %swap3A_233 : vector<1x32xbf16> to vector<32xbf16>
    %swap3A_235 = vector.shape_cast %broadcast_in_dim3A_8 : vector<32xbf16> to vector<1x32xbf16>
    tpu.vector_store %arg9[%swap3A_231, %swap3A_232], %swap3A_235 {strides = array<i32>} : memref<16x128xbf16, #tpu.memory_space<vmem>>, vector<1x32xbf16>,
    %swap3A_236 = arith.constant 9 : i32
    %swap3A_237 = arith.index_cast %swap3A_236 : i32 to index
    %swap3A_238 = arith.constant 64 : index
    %swap3A_239 = tpu.vector_load %arg9[%swap3A_237, %swap3A_238] {strides = array<i32>} : memref<16x128xbf16, #tpu.memory_space<vmem>>, vector<1x32xbf16>,
    %swap3A_240 = vector.shape_cast %swap3A_239 : vector<1x32xbf16> to vector<32xbf16>
    %swap3A_241 = vector.shape_cast %broadcast_in_dim3A_8 : vector<32xbf16> to vector<1x32xbf16>
    tpu.vector_store %arg9[%swap3A_237, %swap3A_238], %swap3A_241 {strides = array<i32>} : memref<16x128xbf16, #tpu.memory_space<vmem>>, vector<1x32xbf16>,
    %swap3A_242 = arith.constant 9 : i32
    %swap3A_243 = arith.index_cast %swap3A_242 : i32 to index
    %swap3A_244 = arith.constant 96 : index
    %swap3A_245 = tpu.vector_load %arg9[%swap3A_243, %swap3A_244] {strides = array<i32>} : memref<16x128xbf16, #tpu.memory_space<vmem>>, vector<1x32xbf16>,
    %swap3A_246 = vector.shape_cast %swap3A_245 : vector<1x32xbf16> to vector<32xbf16>
    %swap3A_247 = vector.shape_cast %broadcast_in_dim3A_8 : vector<32xbf16> to vector<1x32xbf16>
    tpu.vector_store %arg9[%swap3A_243, %swap3A_244], %swap3A_247 {strides = array<i32>} : memref<16x128xbf16, #tpu.memory_space<vmem>>, vector<1x32xbf16>,
    %swap3A_248 = arith.constant 10 : i32
    %swap3A_249 = arith.index_cast %swap3A_248 : i32 to index
    %swap3A_250 = arith.constant 0 : index
    %swap3A_251 = tpu.vector_load %arg9[%swap3A_249, %swap3A_250] {strides = array<i32>} : memref<16x128xbf16, #tpu.memory_space<vmem>>, vector<1x32xbf16>,
    %swap3A_252 = vector.shape_cast %swap3A_251 : vector<1x32xbf16> to vector<32xbf16>
    %swap3A_253 = vector.shape_cast %broadcast_in_dim3A_8 : vector<32xbf16> to vector<1x32xbf16>
    tpu.vector_store %arg9[%swap3A_249, %swap3A_250], %swap3A_253 {strides = array<i32>} : memref<16x128xbf16, #tpu.memory_space<vmem>>, vector<1x32xbf16>,
    %swap3A_254 = arith.constant 10 : i32
    %swap3A_255 = arith.index_cast %swap3A_254 : i32 to index
    %swap3A_256 = arith.constant 32 : index
    %swap3A_257 = tpu.vector_load %arg9[%swap3A_255, %swap3A_256] {strides = array<i32>} : memref<16x128xbf16, #tpu.memory_space<vmem>>, vector<1x32xbf16>,
    %swap3A_258 = vector.shape_cast %swap3A_257 : vector<1x32xbf16> to vector<32xbf16>
    %swap3A_259 = vector.shape_cast %broadcast_in_dim3A_8 : vector<32xbf16> to vector<1x32xbf16>
    tpu.vector_store %arg9[%swap3A_255, %swap3A_256], %swap3A_259 {strides = array<i32>} : memref<16x128xbf16, #tpu.memory_space<vmem>>, vector<1x32xbf16>,
    %swap3A_260 = arith.constant 10 : i32
    %swap3A_261 = arith.index_cast %swap3A_260 : i32 to index
    %swap3A_262 = arith.constant 64 : index
    %swap3A_263 = tpu.vector_load %arg9[%swap3A_261, %swap3A_262] {strides = array<i32>} : memref<16x128xbf16, #tpu.memory_space<vmem>>, vector<1x32xbf16>,
    %swap3A_264 = vector.shape_cast %swap3A_263 : vector<1x32xbf16> to vector<32xbf16>
    %swap3A_265 = vector.shape_cast %broadcast_in_dim3A_8 : vector<32xbf16> to vector<1x32xbf16>
    tpu.vector_store %arg9[%swap3A_261, %swap3A_262], %swap3A_265 {strides = array<i32>} : memref<16x128xbf16, #tpu.memory_space<vmem>>, vector<1x32xbf16>,
    %swap3A_266 = arith.constant 10 : i32
    %swap3A_267 = arith.index_cast %swap3A_266 : i32 to index
    %swap3A_268 = arith.constant 96 : index
    %swap3A_269 = tpu.vector_load %arg9[%swap3A_267, %swap3A_268] {strides = array<i32>} : memref<16x128xbf16, #tpu.memory_space<vmem>>, vector<1x32xbf16>,
    %swap3A_270 = vector.shape_cast %swap3A_269 : vector<1x32xbf16> to vector<32xbf16>
    %swap3A_271 = vector.shape_cast %broadcast_in_dim3A_8 : vector<32xbf16> to vector<1x32xbf16>
    tpu.vector_store %arg9[%swap3A_267, %swap3A_268], %swap3A_271 {strides = array<i32>} : memref<16x128xbf16, #tpu.memory_space<vmem>>, vector<1x32xbf16>,
    %swap3A_272 = arith.constant 11 : i32
    %swap3A_273 = arith.index_cast %swap3A_272 : i32 to index
    %swap3A_274 = arith.constant 0 : index
    %swap3A_275 = tpu.vector_load %arg9[%swap3A_273, %swap3A_274] {strides = array<i32>} : memref<16x128xbf16, #tpu.memory_space<vmem>>, vector<1x32xbf16>,
    %swap3A_276 = vector.shape_cast %swap3A_275 : vector<1x32xbf16> to vector<32xbf16>
    %swap3A_277 = vector.shape_cast %broadcast_in_dim3A_8 : vector<32xbf16> to vector<1x32xbf16>
    tpu.vector_store %arg9[%swap3A_273, %swap3A_274], %swap3A_277 {strides = array<i32>} : memref<16x128xbf16, #tpu.memory_space<vmem>>, vector<1x32xbf16>,
    %swap3A_278 = arith.constant 11 : i32
    %swap3A_279 = arith.index_cast %swap3A_278 : i32 to index
    %swap3A_280 = arith.constant 32 : index
    %swap3A_281 = tpu.vector_load %arg9[%swap3A_279, %swap3A_280] {strides = array<i32>} : memref<16x128xbf16, #tpu.memory_space<vmem>>, vector<1x32xbf16>,
    %swap3A_282 = vector.shape_cast %swap3A_281 : vector<1x32xbf16> to vector<32xbf16>
    %swap3A_283 = vector.shape_cast %broadcast_in_dim3A_8 : vector<32xbf16> to vector<1x32xbf16>
    tpu.vector_store %arg9[%swap3A_279, %swap3A_280], %swap3A_283 {strides = array<i32>} : memref<16x128xbf16, #tpu.memory_space<vmem>>, vector<1x32xbf16>,
    %swap3A_284 = arith.constant 11 : i32
    %swap3A_285 = arith.index_cast %swap3A_284 : i32 to index
    %swap3A_286 = arith.constant 64 : index
    %swap3A_287 = tpu.vector_load %arg9[%swap3A_285, %swap3A_286] {strides = array<i32>} : memref<16x128xbf16, #tpu.memory_space<vmem>>, vector<1x32xbf16>,
    %swap3A_288 = vector.shape_cast %swap3A_287 : vector<1x32xbf16> to vector<32xbf16>
    %swap3A_289 = vector.shape_cast %broadcast_in_dim3A_8 : vector<32xbf16> to vector<1x32xbf16>
    tpu.vector_store %arg9[%swap3A_285, %swap3A_286], %swap3A_289 {strides = array<i32>} : memref<16x128xbf16, #tpu.memory_space<vmem>>, vector<1x32xbf16>,
    %swap3A_290 = arith.constant 11 : i32
    %swap3A_291 = arith.index_cast %swap3A_290 : i32 to index
    %swap3A_292 = arith.constant 96 : index
    %swap3A_293 = tpu.vector_load %arg9[%swap3A_291, %swap3A_292] {strides = array<i32>} : memref<16x128xbf16, #tpu.memory_space<vmem>>, vector<1x32xbf16>,
    %swap3A_294 = vector.shape_cast %swap3A_293 : vector<1x32xbf16> to vector<32xbf16>
    %swap3A_295 = vector.shape_cast %broadcast_in_dim3A_8 : vector<32xbf16> to vector<1x32xbf16>
    tpu.vector_store %arg9[%swap3A_291, %swap3A_292], %swap3A_295 {strides = array<i32>} : memref<16x128xbf16, #tpu.memory_space<vmem>>, vector<1x32xbf16>,
    %swap3A_296 = arith.constant 12 : i32
    %swap3A_297 = arith.index_cast %swap3A_296 : i32 to index
    %swap3A_298 = arith.constant 0 : index
    %swap3A_299 = tpu.vector_load %arg9[%swap3A_297, %swap3A_298] {strides = array<i32>} : memref<16x128xbf16, #tpu.memory_space<vmem>>, vector<1x32xbf16>,
    %swap3A_300 = vector.shape_cast %swap3A_299 : vector<1x32xbf16> to vector<32xbf16>
    %swap3A_301 = vector.shape_cast %broadcast_in_dim3A_8 : vector<32xbf16> to vector<1x32xbf16>
    tpu.vector_store %arg9[%swap3A_297, %swap3A_298], %swap3A_301 {strides = array<i32>} : memref<16x128xbf16, #tpu.memory_space<vmem>>, vector<1x32xbf16>,
    %swap3A_302 = arith.constant 12 : i32
    %swap3A_303 = arith.index_cast %swap3A_302 : i32 to index
    %swap3A_304 = arith.constant 32 : index
    %swap3A_305 = tpu.vector_load %arg9[%swap3A_303, %swap3A_304] {strides = array<i32>} : memref<16x128xbf16, #tpu.memory_space<vmem>>, vector<1x32xbf16>,
    %swap3A_306 = vector.shape_cast %swap3A_305 : vector<1x32xbf16> to vector<32xbf16>
    %swap3A_307 = vector.shape_cast %broadcast_in_dim3A_8 : vector<32xbf16> to vector<1x32xbf16>
    tpu.vector_store %arg9[%swap3A_303, %swap3A_304], %swap3A_307 {strides = array<i32>} : memref<16x128xbf16, #tpu.memory_space<vmem>>, vector<1x32xbf16>,
    %swap3A_308 = arith.constant 12 : i32
    %swap3A_309 = arith.index_cast %swap3A_308 : i32 to index
    %swap3A_310 = arith.constant 64 : index
    %swap3A_311 = tpu.vector_load %arg9[%swap3A_309, %swap3A_310] {strides = array<i32>} : memref<16x128xbf16, #tpu.memory_space<vmem>>, vector<1x32xbf16>,
    %swap3A_312 = vector.shape_cast %swap3A_311 : vector<1x32xbf16> to vector<32xbf16>
    %swap3A_313 = vector.shape_cast %broadcast_in_dim3A_8 : vector<32xbf16> to vector<1x32xbf16>
    tpu.vector_store %arg9[%swap3A_309, %swap3A_310], %swap3A_313 {strides = array<i32>} : memref<16x128xbf16, #tpu.memory_space<vmem>>, vector<1x32xbf16>,
    %swap3A_314 = arith.constant 12 : i32
    %swap3A_315 = arith.index_cast %swap3A_314 : i32 to index
    %swap3A_316 = arith.constant 96 : index
    %swap3A_317 = tpu.vector_load %arg9[%swap3A_315, %swap3A_316] {strides = array<i32>} : memref<16x128xbf16, #tpu.memory_space<vmem>>, vector<1x32xbf16>,
    %swap3A_318 = vector.shape_cast %swap3A_317 : vector<1x32xbf16> to vector<32xbf16>
    %swap3A_319 = vector.shape_cast %broadcast_in_dim3A_8 : vector<32xbf16> to vector<1x32xbf16>
    tpu.vector_store %arg9[%swap3A_315, %swap3A_316], %swap3A_319 {strides = array<i32>} : memref<16x128xbf16, #tpu.memory_space<vmem>>, vector<1x32xbf16>,
    %swap3A_320 = arith.constant 13 : i32
    %swap3A_321 = arith.index_cast %swap3A_320 : i32 to index
    %swap3A_322 = arith.constant 0 : index
    %swap3A_323 = tpu.vector_load %arg9[%swap3A_321, %swap3A_322] {strides = array<i32>} : memref<16x128xbf16, #tpu.memory_space<vmem>>, vector<1x32xbf16>,
    %swap3A_324 = vector.shape_cast %swap3A_323 : vector<1x32xbf16> to vector<32xbf16>
    %swap3A_325 = vector.shape_cast %broadcast_in_dim3A_8 : vector<32xbf16> to vector<1x32xbf16>
    tpu.vector_store %arg9[%swap3A_321, %swap3A_322], %swap3A_325 {strides = array<i32>} : memref<16x128xbf16, #tpu.memory_space<vmem>>, vector<1x32xbf16>,
    %swap3A_326 = arith.constant 13 : i32
    %swap3A_327 = arith.index_cast %swap3A_326 : i32 to index
    %swap3A_328 = arith.constant 32 : index
    %swap3A_329 = tpu.vector_load %arg9[%swap3A_327, %swap3A_328] {strides = array<i32>} : memref<16x128xbf16, #tpu.memory_space<vmem>>, vector<1x32xbf16>,
    %swap3A_330 = vector.shape_cast %swap3A_329 : vector<1x32xbf16> to vector<32xbf16>
    %swap3A_331 = vector.shape_cast %broadcast_in_dim3A_8 : vector<32xbf16> to vector<1x32xbf16>
    tpu.vector_store %arg9[%swap3A_327, %swap3A_328], %swap3A_331 {strides = array<i32>} : memref<16x128xbf16, #tpu.memory_space<vmem>>, vector<1x32xbf16>,
    %swap3A_332 = arith.constant 13 : i32
    %swap3A_333 = arith.index_cast %swap3A_332 : i32 to index
    %swap3A_334 = arith.constant 64 : index
    %swap3A_335 = tpu.vector_load %arg9[%swap3A_333, %swap3A_334] {strides = array<i32>} : memref<16x128xbf16, #tpu.memory_space<vmem>>, vector<1x32xbf16>,
    %swap3A_336 = vector.shape_cast %swap3A_335 : vector<1x32xbf16> to vector<32xbf16>
    %swap3A_337 = vector.shape_cast %broadcast_in_dim3A_8 : vector<32xbf16> to vector<1x32xbf16>
    tpu.vector_store %arg9[%swap3A_333, %swap3A_334], %swap3A_337 {strides = array<i32>} : memref<16x128xbf16, #tpu.memory_space<vmem>>, vector<1x32xbf16>,
    %swap3A_338 = arith.constant 13 : i32
    %swap3A_339 = arith.index_cast %swap3A_338 : i32 to index
    %swap3A_340 = arith.constant 96 : index
    %swap3A_341 = tpu.vector_load %arg9[%swap3A_339, %swap3A_340] {strides = array<i32>} : memref<16x128xbf16, #tpu.memory_space<vmem>>, vector<1x32xbf16>,
    %swap3A_342 = vector.shape_cast %swap3A_341 : vector<1x32xbf16> to vector<32xbf16>
    %swap3A_343 = vector.shape_cast %broadcast_in_dim3A_8 : vector<32xbf16> to vector<1x32xbf16>
    tpu.vector_store %arg9[%swap3A_339, %swap3A_340], %swap3A_343 {strides = array<i32>} : memref<16x128xbf16, #tpu.memory_space<vmem>>, vector<1x32xbf16>,
    %swap3A_344 = arith.constant 14 : i32
    %swap3A_345 = arith.index_cast %swap3A_344 : i32 to index
    %swap3A_346 = arith.constant 0 : index
    %swap3A_347 = tpu.vector_load %arg9[%swap3A_345, %swap3A_346] {strides = array<i32>} : memref<16x128xbf16, #tpu.memory_space<vmem>>, vector<1x32xbf16>,
    %swap3A_348 = vector.shape_cast %swap3A_347 : vector<1x32xbf16> to vector<32xbf16>
    %swap3A_349 = vector.shape_cast %broadcast_in_dim3A_8 : vector<32xbf16> to vector<1x32xbf16>
    tpu.vector_store %arg9[%swap3A_345, %swap3A_346], %swap3A_349 {strides = array<i32>} : memref<16x128xbf16, #tpu.memory_space<vmem>>, vector<1x32xbf16>,
    %swap3A_350 = arith.constant 14 : i32
    %swap3A_351 = arith.index_cast %swap3A_350 : i32 to index
    %swap3A_352 = arith.constant 32 : index
    %swap3A_353 = tpu.vector_load %arg9[%swap3A_351, %swap3A_352] {strides = array<i32>} : memref<16x128xbf16, #tpu.memory_space<vmem>>, vector<1x32xbf16>,
    %swap3A_354 = vector.shape_cast %swap3A_353 : vector<1x32xbf16> to vector<32xbf16>
    %swap3A_355 = vector.shape_cast %broadcast_in_dim3A_8 : vector<32xbf16> to vector<1x32xbf16>
    tpu.vector_store %arg9[%swap3A_351, %swap3A_352], %swap3A_355 {strides = array<i32>} : memref<16x128xbf16, #tpu.memory_space<vmem>>, vector<1x32xbf16>,
    %swap3A_356 = arith.constant 14 : i32
    %swap3A_357 = arith.index_cast %swap3A_356 : i32 to index
    %swap3A_358 = arith.constant 64 : index
    %swap3A_359 = tpu.vector_load %arg9[%swap3A_357, %swap3A_358] {strides = array<i32>} : memref<16x128xbf16, #tpu.memory_space<vmem>>, vector<1x32xbf16>,
    %swap3A_360 = vector.shape_cast %swap3A_359 : vector<1x32xbf16> to vector<32xbf16>
    %swap3A_361 = vector.shape_cast %broadcast_in_dim3A_8 : vector<32xbf16> to vector<1x32xbf16>
    tpu.vector_store %arg9[%swap3A_357, %swap3A_358], %swap3A_361 {strides = array<i32>} : memref<16x128xbf16, #tpu.memory_space<vmem>>, vector<1x32xbf16>,
    %swap3A_362 = arith.constant 14 : i32
    %swap3A_363 = arith.index_cast %swap3A_362 : i32 to index
    %swap3A_364 = arith.constant 96 : index
    %swap3A_365 = tpu.vector_load %arg9[%swap3A_363, %swap3A_364] {strides = array<i32>} : memref<16x128xbf16, #tpu.memory_space<vmem>>, vector<1x32xbf16>,
    %swap3A_366 = vector.shape_cast %swap3A_365 : vector<1x32xbf16> to vector<32xbf16>
    %swap3A_367 = vector.shape_cast %broadcast_in_dim3A_8 : vector<32xbf16> to vector<1x32xbf16>
    tpu.vector_store %arg9[%swap3A_363, %swap3A_364], %swap3A_367 {strides = array<i32>} : memref<16x128xbf16, #tpu.memory_space<vmem>>, vector<1x32xbf16>,
    %swap3A_368 = arith.constant 15 : i32
    %swap3A_369 = arith.index_cast %swap3A_368 : i32 to index
    %swap3A_370 = arith.constant 0 : index
    %swap3A_371 = tpu.vector_load %arg9[%swap3A_369, %swap3A_370] {strides = array<i32>} : memref<16x128xbf16, #tpu.memory_space<vmem>>, vector<1x32xbf16>,
    %swap3A_372 = vector.shape_cast %swap3A_371 : vector<1x32xbf16> to vector<32xbf16>
    %swap3A_373 = vector.shape_cast %broadcast_in_dim3A_8 : vector<32xbf16> to vector<1x32xbf16>
    tpu.vector_store %arg9[%swap3A_369, %swap3A_370], %swap3A_373 {strides = array<i32>} : memref<16x128xbf16, #tpu.memory_space<vmem>>, vector<1x32xbf16>,
    %swap3A_374 = arith.constant 15 : i32
    %swap3A_375 = arith.index_cast %swap3A_374 : i32 to index
    %swap3A_376 = arith.constant 32 : index
    %swap3A_377 = tpu.vector_load %arg9[%swap3A_375, %swap3A_376] {strides = array<i32>} : memref<16x128xbf16, #tpu.memory_space<vmem>>, vector<1x32xbf16>,
    %swap3A_378 = vector.shape_cast %swap3A_377 : vector<1x32xbf16> to vector<32xbf16>
    %swap3A_379 = vector.shape_cast %broadcast_in_dim3A_8 : vector<32xbf16> to vector<1x32xbf16>
    tpu.vector_store %arg9[%swap3A_375, %swap3A_376], %swap3A_379 {strides = array<i32>} : memref<16x128xbf16, #tpu.memory_space<vmem>>, vector<1x32xbf16>,
    %swap3A_380 = arith.constant 15 : i32
    %swap3A_381 = arith.index_cast %swap3A_380 : i32 to index
    %swap3A_382 = arith.constant 64 : index
    %swap3A_383 = tpu.vector_load %arg9[%swap3A_381, %swap3A_382] {strides = array<i32>} : memref<16x128xbf16, #tpu.memory_space<vmem>>, vector<1x32xbf16>,
    %swap3A_384 = vector.shape_cast %swap3A_383 : vector<1x32xbf16> to vector<32xbf16>
    %swap3A_385 = vector.shape_cast %broadcast_in_dim3A_8 : vector<32xbf16> to vector<1x32xbf16>
    tpu.vector_store %arg9[%swap3A_381, %swap3A_382], %swap3A_385 {strides = array<i32>} : memref<16x128xbf16, #tpu.memory_space<vmem>>, vector<1x32xbf16>,
    %swap3A_386 = arith.constant 15 : i32
    %swap3A_387 = arith.index_cast %swap3A_386 : i32 to index
    %swap3A_388 = arith.constant 96 : index
    %swap3A_389 = tpu.vector_load %arg9[%swap3A_387, %swap3A_388] {strides = array<i32>} : memref<16x128xbf16, #tpu.memory_space<vmem>>, vector<1x32xbf16>,
    %swap3A_390 = vector.shape_cast %swap3A_389 : vector<1x32xbf16> to vector<32xbf16>
    %swap3A_391 = vector.shape_cast %broadcast_in_dim3A_8 : vector<32xbf16> to vector<1x32xbf16>
    tpu.vector_store %arg9[%swap3A_387, %swap3A_388], %swap3A_391 {strides = array<i32>} : memref<16x128xbf16, #tpu.memory_space<vmem>>, vector<1x32xbf16>,
    %scan3A = arith.constant 0 : i32
    %scan3A_392 = arith.constant 0 : i32
    %scan3A_393 = arith.constant 39 : i32
    %scan3A_394 = arith.addi %scan3A_392, %scan3A_393 : i32
    %scan3A_395 = arith.constant 1 : i32
    scf.for %scan3A_440 = %scan3A_392 to %scan3A_394 step %scan3A_395  : i32 {
      %mul3A_441 = arith.constant 16 : i32
      %mul3A_442 = arith.muli %scan3A_440, %mul3A_441 : i32
      %add3A_443 = arith.addi %multiple_of3A, %mul3A_442 : i32
      "tpu.region"() ({
        %run_scoped3A_444 = tpu.sem_alloc : memref<!tpu.dma_semaphore, #tpu.memory_space<semaphore_mem>>
        %dma_start3A = arith.constant 0 : i32
        %dma_start3A_445 = tpu.memref_slice %arg10[%add3A_443, %dma_start3A] : memref<10112x128xbf16, #tpu.memory_space<vmem_shared>> -> memref<16x128xbf16, #tpu.memory_space<vmem_shared>>
        %dma_start3A_446 = arith.constant 0 : i32
        %dma_start3A_447 = tpu.memref_slice %arg10[%add3A_443, %dma_start3A_446] : memref<10112x128xbf16, #tpu.memory_space<vmem_shared>> -> memref<16x128xbf16, #tpu.memory_space<vmem_shared>>
        tpu.enqueue_dma source(%arg9 : memref<16x128xbf16, #tpu.memory_space<vmem>>) target(%dma_start3A_447 : memref<16x128xbf16, #tpu.memory_space<vmem_shared>>) target_semaphore(%run_scoped3A_444 : memref<!tpu.dma_semaphore, #tpu.memory_space<semaphore_mem>>)
        %dma_wait3A = arith.constant 0 : i32
        %dma_wait3A_448 = tpu.memref_slice %arg10[%add3A_443, %dma_wait3A] : memref<10112x128xbf16, #tpu.memory_space<vmem_shared>> -> memref<16x128xbf16, #tpu.memory_space<vmem_shared>>
        %dma_wait3A_449 = arith.constant 0 : i32
        %dma_wait3A_450 = tpu.memref_slice %arg10[%add3A_443, %dma_wait3A_449] : memref<10112x128xbf16, #tpu.memory_space<vmem_shared>> -> memref<16x128xbf16, #tpu.memory_space<vmem_shared>>
        tpu.wait_dma2 semaphore(%run_scoped3A_444 : memref<!tpu.dma_semaphore, #tpu.memory_space<semaphore_mem>>) src(%arg9 : memref<16x128xbf16, #tpu.memory_space<vmem>>) dst(%dma_wait3A_450 : memref<16x128xbf16, #tpu.memory_space<vmem_shared>>)
        tpu.yield
      }) : () -> ()
    }
    %scan3A_396 = arith.constant 39 : i32
    %add3A_397 = arith.constant 624 : i32
    %add3A_398 = arith.addi %multiple_of3A, %add3A_397 : i32
    "tpu.region"() ({
      %run_scoped3A_440 = tpu.sem_alloc : memref<!tpu.dma_semaphore, #tpu.memory_space<semaphore_mem>>
      %dma_start3A = arith.constant 0 : i32
      %dma_start3A_441 = arith.constant 0 : i32
      %dma_start3A_442 = tpu.memref_slice %arg9[%dma_start3A, %dma_start3A_441] : memref<16x128xbf16, #tpu.memory_space<vmem>> -> memref<8x128xbf16, #tpu.memory_space<vmem>>
      %dma_start3A_443 = arith.constant 0 : i32
      %dma_start3A_444 = tpu.memref_slice %arg10[%add3A_398, %dma_start3A_443] : memref<10112x128xbf16, #tpu.memory_space<vmem_shared>> -> memref<8x128xbf16, #tpu.memory_space<vmem_shared>>
      %dma_start3A_445 = arith.constant 0 : i32
      %dma_start3A_446 = tpu.memref_slice %arg10[%add3A_398, %dma_start3A_445] : memref<10112x128xbf16, #tpu.memory_space<vmem_shared>> -> memref<8x128xbf16, #tpu.memory_space<vmem_shared>>
      %dma_start3A_447 = arith.constant 0 : i32
      %dma_start3A_448 = arith.constant 0 : i32
      %dma_start3A_449 = tpu.memref_slice %arg9[%dma_start3A_447, %dma_start3A_448] : memref<16x128xbf16, #tpu.memory_space<vmem>> -> memref<8x128xbf16, #tpu.memory_space<vmem>>
      tpu.enqueue_dma source(%dma_start3A_449 : memref<8x128xbf16, #tpu.memory_space<vmem>>) target(%dma_start3A_446 : memref<8x128xbf16, #tpu.memory_space<vmem_shared>>) target_semaphore(%run_scoped3A_440 : memref<!tpu.dma_semaphore, #tpu.memory_space<semaphore_mem>>)
      %dma_wait3A = arith.constant 0 : i32
      %dma_wait3A_450 = arith.constant 0 : i32
      %dma_wait3A_451 = tpu.memref_slice %arg9[%dma_wait3A, %dma_wait3A_450] : memref<16x128xbf16, #tpu.memory_space<vmem>> -> memref<8x128xbf16, #tpu.memory_space<vmem>>
      %dma_wait3A_452 = arith.constant 0 : i32
      %dma_wait3A_453 = tpu.memref_slice %arg10[%add3A_398, %dma_wait3A_452] : memref<10112x128xbf16, #tpu.memory_space<vmem_shared>> -> memref<8x128xbf16, #tpu.memory_space<vmem_shared>>
      %dma_wait3A_454 = arith.constant 0 : i32
      %dma_wait3A_455 = tpu.memref_slice %arg10[%add3A_398, %dma_wait3A_454] : memref<10112x128xbf16, #tpu.memory_space<vmem_shared>> -> memref<8x128xbf16, #tpu.memory_space<vmem_shared>>
      %dma_wait3A_456 = arith.constant 0 : i32
      %dma_wait3A_457 = arith.constant 0 : i32
      %dma_wait3A_458 = tpu.memref_slice %arg9[%dma_wait3A_456, %dma_wait3A_457] : memref<16x128xbf16, #tpu.memory_space<vmem>> -> memref<8x128xbf16, #tpu.memory_space<vmem>>
      tpu.wait_dma2 semaphore(%run_scoped3A_440 : memref<!tpu.dma_semaphore, #tpu.memory_space<semaphore_mem>>) src(%dma_wait3A_458 : memref<8x128xbf16, #tpu.memory_space<vmem>>) dst(%dma_wait3A_455 : memref<8x128xbf16, #tpu.memory_space<vmem_shared>>)
      tpu.yield
    }) : () -> ()
    %barrier3A = arith.constant 0 : index
    tpu.barrier barrier_id(%barrier3A)
    %eq3A_399 = arith.constant 1 : i32
    %eq3A_400 = arith.cmpi eq, %arg0, %eq3A_399 : i32
    %jit3A = arith.constant 152 : i32
    %jit3A_401 = arith.constant 8 : i32
    %select_n3A_402 = arith.select %eq3A_400, %jit3A, %jit3A_401 : i32
    %jit3A_403 = arith.constant 2 : i32
    %div3A = arith.divsi %select_n3A_402, %jit3A_403 : i32
    %sign3A = arith.constant 0 : i32
    %sign3A_404 = arith.cmpi sgt, %select_n3A_402, %sign3A : i32
    %sign3A_405 = arith.extui %sign3A_404 : i1 to i32
    %sign3A_406 = arith.constant 0 : i32
    %sign3A_407 = arith.cmpi slt, %select_n3A_402, %sign3A_406 : i32
    %sign3A_408 = arith.extui %sign3A_407 : i1 to i32
    %sign3A_409 = arith.subi %sign3A_405, %sign3A_408 : i32
    %sign3A_410 = arith.constant 0 : i32
    %sign3A_411 = arith.cmpi sgt, %jit3A_403, %sign3A_410 : i32
    %sign3A_412 = arith.extui %sign3A_411 : i1 to i32
    %sign3A_413 = arith.constant 0 : i32
    %sign3A_414 = arith.cmpi slt, %jit3A_403, %sign3A_413 : i32
    %sign3A_415 = arith.extui %sign3A_414 : i1 to i32
    %sign3A_416 = arith.subi %sign3A_412, %sign3A_415 : i32
    %ne3A = arith.cmpi ne, %sign3A_409, %sign3A_416 : i32
    %rem3A = arith.remsi %select_n3A_402, %jit3A_403 : i32
    %ne3A_417 = arith.constant 0 : i32
    %ne3A_418 = arith.cmpi ne, %rem3A, %ne3A_417 : i32
    %and3A = arith.andi %ne3A, %ne3A_418 : i1
    %sub3A = arith.constant 1 : i32
    %sub3A_419 = arith.subi %div3A, %sub3A : i32
    %select_n3A_420 = arith.select %and3A, %sub3A_419, %div3A : i32
    %while3A = arith.constant 0 : i32
    %while3A_421 = arith.constant 0 : i32
    %while3A_422 = arith.subi %select_n3A_420, %while3A_421 : i32
    %while3A_423 = arith.addi %while3A_421, %while3A_422 : i32
    %while3A_424 = arith.constant 1 : i32
    %while3A_425 = arith.divsi %while3A_422, %while3A_424 : i32
    %while3A_426 = arith.muli %while3A_425, %while3A_424 : i32
    %while3A_427 = arith.addi %while3A_421, %while3A_426 : i32
    %while3A_428 = arith.constant 1 : i32
    scf.for %while3A_440 = %while3A_421 to %while3A_427 step %while3A_428  : i32 {
      %mul3A_441 = arith.constant 2 : i32
      %mul3A_442 = arith.muli %mul3A_441, %while3A_440 : i32
      %add3A_443 = arith.constant 1 : i32
      %add3A_444 = arith.addi %mul3A_442, %add3A_443 : i32
      %dma_start3A = arith.constant 0 : i32
      %dma_start3A_445 = arith.constant 0 : i32
      %dma_start3A_446 = arith.constant 0 : i32
      %dma_start3A_447 = tpu.memref_slice %arg8[%dma_start3A, %dma_start3A_445, %dma_start3A_446] : memref<2x128x128xbf16, #tpu.memory_space<vmem>> -> memref<1x128x128xbf16, #tpu.memory_space<vmem>>
      %dma_start3A_448 = tpu.memref_squeeze %dma_start3A_447 : memref<1x128x128xbf16, #tpu.memory_space<vmem>> -> memref<128x128xbf16, #tpu.memory_space<vmem>>
      %dma_start3A_449 = arith.constant 0 : i32
      %dma_start3A_450 = tpu.memref_slice %arg6[%mul3A_442, %dma_start3A_449] : memref<152x128xi32, #tpu.memory_space<vmem>> -> memref<1x128xi32, #tpu.memory_space<vmem>>
      %dma_start3A_451 = tpu.memref_squeeze %dma_start3A_450 : memref<1x128xi32, #tpu.memory_space<vmem>> -> memref<128xi32, #tpu.memory_space<vmem>>
      %dma_start3A_452 = arith.constant 0 : i32
      %dma_start3A_453 = arith.constant 0 : i32
      %dma_start3A_454 = tpu.memref_slice %arg2[%dma_start3A_452, %dma_start3A_453] : memref<10000x128xbf16, #tpu.memory_space<hbm>> -> memref<10000x128xbf16, #tpu.memory_space<hbm>>
      tpu.enqueue_indirect_dma source(%dma_start3A_454 : memref<10000x128xbf16, #tpu.memory_space<hbm>>) target(%dma_start3A_448 : memref<128x128xbf16, #tpu.memory_space<vmem>>) offsets(%dma_start3A_451 : memref<128xi32, #tpu.memory_space<vmem>>) semaphore(%arg11 : memref<!tpu.dma_semaphore, #tpu.memory_space<semaphore_mem>>)
      %dma_start3A_455 = arith.constant 1 : i32
      %dma_start3A_456 = arith.constant 0 : i32
      %dma_start3A_457 = arith.constant 0 : i32
      %dma_start3A_458 = tpu.memref_slice %arg8[%dma_start3A_455, %dma_start3A_456, %dma_start3A_457] : memref<2x128x128xbf16, #tpu.memory_space<vmem>> -> memref<1x128x128xbf16, #tpu.memory_space<vmem>>
      %dma_start3A_459 = tpu.memref_squeeze %dma_start3A_458 : memref<1x128x128xbf16, #tpu.memory_space<vmem>> -> memref<128x128xbf16, #tpu.memory_space<vmem>>
      %dma_start3A_460 = arith.constant 0 : i32
      %dma_start3A_461 = tpu.memref_slice %arg6[%add3A_444, %dma_start3A_460] : memref<152x128xi32, #tpu.memory_space<vmem>> -> memref<1x128xi32, #tpu.memory_space<vmem>>
      %dma_start3A_462 = tpu.memref_squeeze %dma_start3A_461 : memref<1x128xi32, #tpu.memory_space<vmem>> -> memref<128xi32, #tpu.memory_space<vmem>>
      %dma_start3A_463 = arith.constant 0 : i32
      %dma_start3A_464 = arith.constant 0 : i32
      %dma_start3A_465 = tpu.memref_slice %arg2[%dma_start3A_463, %dma_start3A_464] : memref<10000x128xbf16, #tpu.memory_space<hbm>> -> memref<10000x128xbf16, #tpu.memory_space<hbm>>
      tpu.enqueue_indirect_dma source(%dma_start3A_465 : memref<10000x128xbf16, #tpu.memory_space<hbm>>) target(%dma_start3A_459 : memref<128x128xbf16, #tpu.memory_space<vmem>>) offsets(%dma_start3A_462 : memref<128xi32, #tpu.memory_space<vmem>>) semaphore(%arg12 : memref<!tpu.dma_semaphore, #tpu.memory_space<semaphore_mem>>)
      %dma_wait3A = arith.constant 0 : i32
      %dma_wait3A_466 = arith.constant 0 : i32
      %dma_wait3A_467 = arith.constant 0 : i32
      %dma_wait3A_468 = tpu.memref_slice %arg8[%dma_wait3A, %dma_wait3A_466, %dma_wait3A_467] : memref<2x128x128xbf16, #tpu.memory_space<vmem>> -> memref<1x128x128xbf16, #tpu.memory_space<vmem>>
      %dma_wait3A_469 = tpu.memref_squeeze %dma_wait3A_468 : memref<1x128x128xbf16, #tpu.memory_space<vmem>> -> memref<128x128xbf16, #tpu.memory_space<vmem>>
      %dma_wait3A_470 = arith.constant 0 : i32
      %dma_wait3A_471 = tpu.memref_slice %arg6[%mul3A_442, %dma_wait3A_470] : memref<152x128xi32, #tpu.memory_space<vmem>> -> memref<1x128xi32, #tpu.memory_space<vmem>>
      %dma_wait3A_472 = tpu.memref_squeeze %dma_wait3A_471 : memref<1x128xi32, #tpu.memory_space<vmem>> -> memref<128xi32, #tpu.memory_space<vmem>>
      %dma_wait3A_473 = arith.constant 0 : i32
      %dma_wait3A_474 = arith.constant 0 : i32
      %dma_wait3A_475 = tpu.memref_slice %arg2[%dma_wait3A_473, %dma_wait3A_474] : memref<10000x128xbf16, #tpu.memory_space<hbm>> -> memref<10000x128xbf16, #tpu.memory_space<hbm>>
      tpu.wait_indirect_dma semaphore(%arg11 : memref<!tpu.dma_semaphore, #tpu.memory_space<semaphore_mem>>) src(%dma_wait3A_475 : memref<10000x128xbf16, #tpu.memory_space<hbm>>) dst(%dma_wait3A_469 : memref<128x128xbf16, #tpu.memory_space<vmem>>)
      %run_scoped3A_476 = arith.constant 0 : i32
      "tpu.region"() ({
        %run_scoped3A_489 = tpu.sem_alloc : memref<!tpu.dma_semaphore, #tpu.memory_space<semaphore_mem>>
        %dma_start3A_490 = arith.constant 0 : i32
        %dma_start3A_491 = arith.constant 0 : i32
        %dma_start3A_492 = tpu.memref_slice %arg8[%run_scoped3A_476, %dma_start3A_490, %dma_start3A_491] : memref<2x128x128xbf16, #tpu.memory_space<vmem>> -> memref<1x128x128xbf16, #tpu.memory_space<vmem>>
        %dma_start3A_493 = tpu.memref_squeeze %dma_start3A_492 : memref<1x128x128xbf16, #tpu.memory_space<vmem>> -> memref<128x128xbf16, #tpu.memory_space<vmem>>
        %dma_start3A_494 = arith.constant 0 : i32
        %dma_start3A_495 = tpu.memref_slice %arg7[%mul3A_442, %dma_start3A_494] : memref<152x128xi32, #tpu.memory_space<vmem>> -> memref<1x128xi32, #tpu.memory_space<vmem>>
        %dma_start3A_496 = tpu.memref_squeeze %dma_start3A_495 : memref<1x128xi32, #tpu.memory_space<vmem>> -> memref<128xi32, #tpu.memory_space<vmem>>
        %dma_start3A_497 = arith.constant 0 : i32
        %dma_start3A_498 = arith.constant 0 : i32
        %dma_start3A_499 = tpu.memref_slice %arg10[%dma_start3A_497, %dma_start3A_498] : memref<10112x128xbf16, #tpu.memory_space<vmem_shared>> -> memref<10112x128xbf16, #tpu.memory_space<vmem_shared>>
        tpu.enqueue_indirect_dma source(%dma_start3A_493 : memref<128x128xbf16, #tpu.memory_space<vmem>>) target(%dma_start3A_499 : memref<10112x128xbf16, #tpu.memory_space<vmem_shared>>) offsets(%dma_start3A_496 : memref<128xi32, #tpu.memory_space<vmem>>) semaphore(%run_scoped3A_489 : memref<!tpu.dma_semaphore, #tpu.memory_space<semaphore_mem>>) {add = true}
        %dma_wait3A_500 = arith.constant 0 : i32
        %dma_wait3A_501 = arith.constant 0 : i32
        %dma_wait3A_502 = tpu.memref_slice %arg8[%run_scoped3A_476, %dma_wait3A_500, %dma_wait3A_501] : memref<2x128x128xbf16, #tpu.memory_space<vmem>> -> memref<1x128x128xbf16, #tpu.memory_space<vmem>>
        %dma_wait3A_503 = tpu.memref_squeeze %dma_wait3A_502 : memref<1x128x128xbf16, #tpu.memory_space<vmem>> -> memref<128x128xbf16, #tpu.memory_space<vmem>>
        %dma_wait3A_504 = arith.constant 0 : i32
        %dma_wait3A_505 = tpu.memref_slice %arg7[%mul3A_442, %dma_wait3A_504] : memref<152x128xi32, #tpu.memory_space<vmem>> -> memref<1x128xi32, #tpu.memory_space<vmem>>
        %dma_wait3A_506 = tpu.memref_squeeze %dma_wait3A_505 : memref<1x128xi32, #tpu.memory_space<vmem>> -> memref<128xi32, #tpu.memory_space<vmem>>
        %dma_wait3A_507 = arith.constant 0 : i32
        %dma_wait3A_508 = arith.constant 0 : i32
        %dma_wait3A_509 = tpu.memref_slice %arg10[%dma_wait3A_507, %dma_wait3A_508] : memref<10112x128xbf16, #tpu.memory_space<vmem_shared>> -> memref<10112x128xbf16, #tpu.memory_space<vmem_shared>>
        tpu.wait_indirect_dma semaphore(%run_scoped3A_489 : memref<!tpu.dma_semaphore, #tpu.memory_space<semaphore_mem>>) src(%dma_wait3A_503 : memref<128x128xbf16, #tpu.memory_space<vmem>>) dst(%dma_wait3A_509 : memref<10112x128xbf16, #tpu.memory_space<vmem_shared>>)
        tpu.yield
      }) : () -> ()
      %dma_wait3A_477 = arith.constant 1 : i32
      %dma_wait3A_478 = arith.constant 0 : i32
      %dma_wait3A_479 = arith.constant 0 : i32
      %dma_wait3A_480 = tpu.memref_slice %arg8[%dma_wait3A_477, %dma_wait3A_478, %dma_wait3A_479] : memref<2x128x128xbf16, #tpu.memory_space<vmem>> -> memref<1x128x128xbf16, #tpu.memory_space<vmem>>
      %dma_wait3A_481 = tpu.memref_squeeze %dma_wait3A_480 : memref<1x128x128xbf16, #tpu.memory_space<vmem>> -> memref<128x128xbf16, #tpu.memory_space<vmem>>
      %dma_wait3A_482 = arith.constant 0 : i32
      %dma_wait3A_483 = tpu.memref_slice %arg6[%add3A_444, %dma_wait3A_482] : memref<152x128xi32, #tpu.memory_space<vmem>> -> memref<1x128xi32, #tpu.memory_space<vmem>>
      %dma_wait3A_484 = tpu.memref_squeeze %dma_wait3A_483 : memref<1x128xi32, #tpu.memory_space<vmem>> -> memref<128xi32, #tpu.memory_space<vmem>>
      %dma_wait3A_485 = arith.constant 0 : i32
      %dma_wait3A_486 = arith.constant 0 : i32
      %dma_wait3A_487 = tpu.memref_slice %arg2[%dma_wait3A_485, %dma_wait3A_486] : memref<10000x128xbf16, #tpu.memory_space<hbm>> -> memref<10000x128xbf16, #tpu.memory_space<hbm>>
      tpu.wait_indirect_dma semaphore(%arg12 : memref<!tpu.dma_semaphore, #tpu.memory_space<semaphore_mem>>) src(%dma_wait3A_487 : memref<10000x128xbf16, #tpu.memory_space<hbm>>) dst(%dma_wait3A_481 : memref<128x128xbf16, #tpu.memory_space<vmem>>)
      %run_scoped3A_488 = arith.constant 1 : i32
      "tpu.region"() ({
        %run_scoped3A_489 = tpu.sem_alloc : memref<!tpu.dma_semaphore, #tpu.memory_space<semaphore_mem>>
        %dma_start3A_490 = arith.constant 0 : i32
        %dma_start3A_491 = arith.constant 0 : i32
        %dma_start3A_492 = tpu.memref_slice %arg8[%run_scoped3A_488, %dma_start3A_490, %dma_start3A_491] : memref<2x128x128xbf16, #tpu.memory_space<vmem>> -> memref<1x128x128xbf16, #tpu.memory_space<vmem>>
        %dma_start3A_493 = tpu.memref_squeeze %dma_start3A_492 : memref<1x128x128xbf16, #tpu.memory_space<vmem>> -> memref<128x128xbf16, #tpu.memory_space<vmem>>
        %dma_start3A_494 = arith.constant 0 : i32
        %dma_start3A_495 = tpu.memref_slice %arg7[%add3A_444, %dma_start3A_494] : memref<152x128xi32, #tpu.memory_space<vmem>> -> memref<1x128xi32, #tpu.memory_space<vmem>>
        %dma_start3A_496 = tpu.memref_squeeze %dma_start3A_495 : memref<1x128xi32, #tpu.memory_space<vmem>> -> memref<128xi32, #tpu.memory_space<vmem>>
        %dma_start3A_497 = arith.constant 0 : i32
        %dma_start3A_498 = arith.constant 0 : i32
        %dma_start3A_499 = tpu.memref_slice %arg10[%dma_start3A_497, %dma_start3A_498] : memref<10112x128xbf16, #tpu.memory_space<vmem_shared>> -> memref<10112x128xbf16, #tpu.memory_space<vmem_shared>>
        tpu.enqueue_indirect_dma source(%dma_start3A_493 : memref<128x128xbf16, #tpu.memory_space<vmem>>) target(%dma_start3A_499 : memref<10112x128xbf16, #tpu.memory_space<vmem_shared>>) offsets(%dma_start3A_496 : memref<128xi32, #tpu.memory_space<vmem>>) semaphore(%run_scoped3A_489 : memref<!tpu.dma_semaphore, #tpu.memory_space<semaphore_mem>>) {add = true}
        %dma_wait3A_500 = arith.constant 0 : i32
        %dma_wait3A_501 = arith.constant 0 : i32
        %dma_wait3A_502 = tpu.memref_slice %arg8[%run_scoped3A_488, %dma_wait3A_500, %dma_wait3A_501] : memref<2x128x128xbf16, #tpu.memory_space<vmem>> -> memref<1x128x128xbf16, #tpu.memory_space<vmem>>
        %dma_wait3A_503 = tpu.memref_squeeze %dma_wait3A_502 : memref<1x128x128xbf16, #tpu.memory_space<vmem>> -> memref<128x128xbf16, #tpu.memory_space<vmem>>
        %dma_wait3A_504 = arith.constant 0 : i32
        %dma_wait3A_505 = tpu.memref_slice %arg7[%add3A_444, %dma_wait3A_504] : memref<152x128xi32, #tpu.memory_space<vmem>> -> memref<1x128xi32, #tpu.memory_space<vmem>>
        %dma_wait3A_506 = tpu.memref_squeeze %dma_wait3A_505 : memref<1x128xi32, #tpu.memory_space<vmem>> -> memref<128xi32, #tpu.memory_space<vmem>>
        %dma_wait3A_507 = arith.constant 0 : i32
        %dma_wait3A_508 = arith.constant 0 : i32
        %dma_wait3A_509 = tpu.memref_slice %arg10[%dma_wait3A_507, %dma_wait3A_508] : memref<10112x128xbf16, #tpu.memory_space<vmem_shared>> -> memref<10112x128xbf16, #tpu.memory_space<vmem_shared>>
        tpu.wait_indirect_dma semaphore(%run_scoped3A_489 : memref<!tpu.dma_semaphore, #tpu.memory_space<semaphore_mem>>) src(%dma_wait3A_503 : memref<128x128xbf16, #tpu.memory_space<vmem>>) dst(%dma_wait3A_509 : memref<10112x128xbf16, #tpu.memory_space<vmem_shared>>)
        tpu.yield
      }) : () -> ()
    }
    %while3A_429 = arith.constant 1 : i32
    scf.for %while3A_440 = %while3A_427 to %while3A_423 step %while3A_429  : i32 {
      %mul3A_441 = arith.constant 2 : i32
      %mul3A_442 = arith.muli %mul3A_441, %while3A_440 : i32
      %add3A_443 = arith.constant 1 : i32
      %add3A_444 = arith.addi %mul3A_442, %add3A_443 : i32
      %dma_start3A = arith.constant 0 : i32
      %dma_start3A_445 = arith.constant 0 : i32
      %dma_start3A_446 = arith.constant 0 : i32
      %dma_start3A_447 = tpu.memref_slice %arg8[%dma_start3A, %dma_start3A_445, %dma_start3A_446] : memref<2x128x128xbf16, #tpu.memory_space<vmem>> -> memref<1x128x128xbf16, #tpu.memory_space<vmem>>
      %dma_start3A_448 = tpu.memref_squeeze %dma_start3A_447 : memref<1x128x128xbf16, #tpu.memory_space<vmem>> -> memref<128x128xbf16, #tpu.memory_space<vmem>>
      %dma_start3A_449 = arith.constant 0 : i32
      %dma_start3A_450 = tpu.memref_slice %arg6[%mul3A_442, %dma_start3A_449] : memref<152x128xi32, #tpu.memory_space<vmem>> -> memref<1x128xi32, #tpu.memory_space<vmem>>
      %dma_start3A_451 = tpu.memref_squeeze %dma_start3A_450 : memref<1x128xi32, #tpu.memory_space<vmem>> -> memref<128xi32, #tpu.memory_space<vmem>>
      %dma_start3A_452 = arith.constant 0 : i32
      %dma_start3A_453 = arith.constant 0 : i32
      %dma_start3A_454 = tpu.memref_slice %arg2[%dma_start3A_452, %dma_start3A_453] : memref<10000x128xbf16, #tpu.memory_space<hbm>> -> memref<10000x128xbf16, #tpu.memory_space<hbm>>
      tpu.enqueue_indirect_dma source(%dma_start3A_454 : memref<10000x128xbf16, #tpu.memory_space<hbm>>) target(%dma_start3A_448 : memref<128x128xbf16, #tpu.memory_space<vmem>>) offsets(%dma_start3A_451 : memref<128xi32, #tpu.memory_space<vmem>>) semaphore(%arg11 : memref<!tpu.dma_semaphore, #tpu.memory_space<semaphore_mem>>)
      %dma_start3A_455 = arith.constant 1 : i32
      %dma_start3A_456 = arith.constant 0 : i32
      %dma_start3A_457 = arith.constant 0 : i32
      %dma_start3A_458 = tpu.memref_slice %arg8[%dma_start3A_455, %dma_start3A_456, %dma_start3A_457] : memref<2x128x128xbf16, #tpu.memory_space<vmem>> -> memref<1x128x128xbf16, #tpu.memory_space<vmem>>
      %dma_start3A_459 = tpu.memref_squeeze %dma_start3A_458 : memref<1x128x128xbf16, #tpu.memory_space<vmem>> -> memref<128x128xbf16, #tpu.memory_space<vmem>>
      %dma_start3A_460 = arith.constant 0 : i32
      %dma_start3A_461 = tpu.memref_slice %arg6[%add3A_444, %dma_start3A_460] : memref<152x128xi32, #tpu.memory_space<vmem>> -> memref<1x128xi32, #tpu.memory_space<vmem>>
      %dma_start3A_462 = tpu.memref_squeeze %dma_start3A_461 : memref<1x128xi32, #tpu.memory_space<vmem>> -> memref<128xi32, #tpu.memory_space<vmem>>
      %dma_start3A_463 = arith.constant 0 : i32
      %dma_start3A_464 = arith.constant 0 : i32
      %dma_start3A_465 = tpu.memref_slice %arg2[%dma_start3A_463, %dma_start3A_464] : memref<10000x128xbf16, #tpu.memory_space<hbm>> -> memref<10000x128xbf16, #tpu.memory_space<hbm>>
      tpu.enqueue_indirect_dma source(%dma_start3A_465 : memref<10000x128xbf16, #tpu.memory_space<hbm>>) target(%dma_start3A_459 : memref<128x128xbf16, #tpu.memory_space<vmem>>) offsets(%dma_start3A_462 : memref<128xi32, #tpu.memory_space<vmem>>) semaphore(%arg12 : memref<!tpu.dma_semaphore, #tpu.memory_space<semaphore_mem>>)
      %dma_wait3A = arith.constant 0 : i32
      %dma_wait3A_466 = arith.constant 0 : i32
      %dma_wait3A_467 = arith.constant 0 : i32
      %dma_wait3A_468 = tpu.memref_slice %arg8[%dma_wait3A, %dma_wait3A_466, %dma_wait3A_467] : memref<2x128x128xbf16, #tpu.memory_space<vmem>> -> memref<1x128x128xbf16, #tpu.memory_space<vmem>>
      %dma_wait3A_469 = tpu.memref_squeeze %dma_wait3A_468 : memref<1x128x128xbf16, #tpu.memory_space<vmem>> -> memref<128x128xbf16, #tpu.memory_space<vmem>>
      %dma_wait3A_470 = arith.constant 0 : i32
      %dma_wait3A_471 = tpu.memref_slice %arg6[%mul3A_442, %dma_wait3A_470] : memref<152x128xi32, #tpu.memory_space<vmem>> -> memref<1x128xi32, #tpu.memory_space<vmem>>
      %dma_wait3A_472 = tpu.memref_squeeze %dma_wait3A_471 : memref<1x128xi32, #tpu.memory_space<vmem>> -> memref<128xi32, #tpu.memory_space<vmem>>
      %dma_wait3A_473 = arith.constant 0 : i32
      %dma_wait3A_474 = arith.constant 0 : i32
      %dma_wait3A_475 = tpu.memref_slice %arg2[%dma_wait3A_473, %dma_wait3A_474] : memref<10000x128xbf16, #tpu.memory_space<hbm>> -> memref<10000x128xbf16, #tpu.memory_space<hbm>>
      tpu.wait_indirect_dma semaphore(%arg11 : memref<!tpu.dma_semaphore, #tpu.memory_space<semaphore_mem>>) src(%dma_wait3A_475 : memref<10000x128xbf16, #tpu.memory_space<hbm>>) dst(%dma_wait3A_469 : memref<128x128xbf16, #tpu.memory_space<vmem>>)
      %run_scoped3A_476 = arith.constant 0 : i32
      "tpu.region"() ({
        %run_scoped3A_489 = tpu.sem_alloc : memref<!tpu.dma_semaphore, #tpu.memory_space<semaphore_mem>>
        %dma_start3A_490 = arith.constant 0 : i32
        %dma_start3A_491 = arith.constant 0 : i32
        %dma_start3A_492 = tpu.memref_slice %arg8[%run_scoped3A_476, %dma_start3A_490, %dma_start3A_491] : memref<2x128x128xbf16, #tpu.memory_space<vmem>> -> memref<1x128x128xbf16, #tpu.memory_space<vmem>>
        %dma_start3A_493 = tpu.memref_squeeze %dma_start3A_492 : memref<1x128x128xbf16, #tpu.memory_space<vmem>> -> memref<128x128xbf16, #tpu.memory_space<vmem>>
        %dma_start3A_494 = arith.constant 0 : i32
        %dma_start3A_495 = tpu.memref_slice %arg7[%mul3A_442, %dma_start3A_494] : memref<152x128xi32, #tpu.memory_space<vmem>> -> memref<1x128xi32, #tpu.memory_space<vmem>>
        %dma_start3A_496 = tpu.memref_squeeze %dma_start3A_495 : memref<1x128xi32, #tpu.memory_space<vmem>> -> memref<128xi32, #tpu.memory_space<vmem>>
        %dma_start3A_497 = arith.constant 0 : i32
        %dma_start3A_498 = arith.constant 0 : i32
        %dma_start3A_499 = tpu.memref_slice %arg10[%dma_start3A_497, %dma_start3A_498] : memref<10112x128xbf16, #tpu.memory_space<vmem_shared>> -> memref<10112x128xbf16, #tpu.memory_space<vmem_shared>>
        tpu.enqueue_indirect_dma source(%dma_start3A_493 : memref<128x128xbf16, #tpu.memory_space<vmem>>) target(%dma_start3A_499 : memref<10112x128xbf16, #tpu.memory_space<vmem_shared>>) offsets(%dma_start3A_496 : memref<128xi32, #tpu.memory_space<vmem>>) semaphore(%run_scoped3A_489 : memref<!tpu.dma_semaphore, #tpu.memory_space<semaphore_mem>>) {add = true}
        %dma_wait3A_500 = arith.constant 0 : i32
        %dma_wait3A_501 = arith.constant 0 : i32
        %dma_wait3A_502 = tpu.memref_slice %arg8[%run_scoped3A_476, %dma_wait3A_500, %dma_wait3A_501] : memref<2x128x128xbf16, #tpu.memory_space<vmem>> -> memref<1x128x128xbf16, #tpu.memory_space<vmem>>
        %dma_wait3A_503 = tpu.memref_squeeze %dma_wait3A_502 : memref<1x128x128xbf16, #tpu.memory_space<vmem>> -> memref<128x128xbf16, #tpu.memory_space<vmem>>
        %dma_wait3A_504 = arith.constant 0 : i32
        %dma_wait3A_505 = tpu.memref_slice %arg7[%mul3A_442, %dma_wait3A_504] : memref<152x128xi32, #tpu.memory_space<vmem>> -> memref<1x128xi32, #tpu.memory_space<vmem>>
        %dma_wait3A_506 = tpu.memref_squeeze %dma_wait3A_505 : memref<1x128xi32, #tpu.memory_space<vmem>> -> memref<128xi32, #tpu.memory_space<vmem>>
        %dma_wait3A_507 = arith.constant 0 : i32
        %dma_wait3A_508 = arith.constant 0 : i32
        %dma_wait3A_509 = tpu.memref_slice %arg10[%dma_wait3A_507, %dma_wait3A_508] : memref<10112x128xbf16, #tpu.memory_space<vmem_shared>> -> memref<10112x128xbf16, #tpu.memory_space<vmem_shared>>
        tpu.wait_indirect_dma semaphore(%run_scoped3A_489 : memref<!tpu.dma_semaphore, #tpu.memory_space<semaphore_mem>>) src(%dma_wait3A_503 : memref<128x128xbf16, #tpu.memory_space<vmem>>) dst(%dma_wait3A_509 : memref<10112x128xbf16, #tpu.memory_space<vmem_shared>>)
        tpu.yield
      }) : () -> ()
      %dma_wait3A_477 = arith.constant 1 : i32
      %dma_wait3A_478 = arith.constant 0 : i32
      %dma_wait3A_479 = arith.constant 0 : i32
      %dma_wait3A_480 = tpu.memref_slice %arg8[%dma_wait3A_477, %dma_wait3A_478, %dma_wait3A_479] : memref<2x128x128xbf16, #tpu.memory_space<vmem>> -> memref<1x128x128xbf16, #tpu.memory_space<vmem>>
      %dma_wait3A_481 = tpu.memref_squeeze %dma_wait3A_480 : memref<1x128x128xbf16, #tpu.memory_space<vmem>> -> memref<128x128xbf16, #tpu.memory_space<vmem>>
      %dma_wait3A_482 = arith.constant 0 : i32
      %dma_wait3A_483 = tpu.memref_slice %arg6[%add3A_444, %dma_wait3A_482] : memref<152x128xi32, #tpu.memory_space<vmem>> -> memref<1x128xi32, #tpu.memory_space<vmem>>
      %dma_wait3A_484 = tpu.memref_squeeze %dma_wait3A_483 : memref<1x128xi32, #tpu.memory_space<vmem>> -> memref<128xi32, #tpu.memory_space<vmem>>
      %dma_wait3A_485 = arith.constant 0 : i32
      %dma_wait3A_486 = arith.constant 0 : i32
      %dma_wait3A_487 = tpu.memref_slice %arg2[%dma_wait3A_485, %dma_wait3A_486] : memref<10000x128xbf16, #tpu.memory_space<hbm>> -> memref<10000x128xbf16, #tpu.memory_space<hbm>>
      tpu.wait_indirect_dma semaphore(%arg12 : memref<!tpu.dma_semaphore, #tpu.memory_space<semaphore_mem>>) src(%dma_wait3A_487 : memref<10000x128xbf16, #tpu.memory_space<hbm>>) dst(%dma_wait3A_481 : memref<128x128xbf16, #tpu.memory_space<vmem>>)
      %run_scoped3A_488 = arith.constant 1 : i32
      "tpu.region"() ({
        %run_scoped3A_489 = tpu.sem_alloc : memref<!tpu.dma_semaphore, #tpu.memory_space<semaphore_mem>>
        %dma_start3A_490 = arith.constant 0 : i32
        %dma_start3A_491 = arith.constant 0 : i32
        %dma_start3A_492 = tpu.memref_slice %arg8[%run_scoped3A_488, %dma_start3A_490, %dma_start3A_491] : memref<2x128x128xbf16, #tpu.memory_space<vmem>> -> memref<1x128x128xbf16, #tpu.memory_space<vmem>>
        %dma_start3A_493 = tpu.memref_squeeze %dma_start3A_492 : memref<1x128x128xbf16, #tpu.memory_space<vmem>> -> memref<128x128xbf16, #tpu.memory_space<vmem>>
        %dma_start3A_494 = arith.constant 0 : i32
        %dma_start3A_495 = tpu.memref_slice %arg7[%add3A_444, %dma_start3A_494] : memref<152x128xi32, #tpu.memory_space<vmem>> -> memref<1x128xi32, #tpu.memory_space<vmem>>
        %dma_start3A_496 = tpu.memref_squeeze %dma_start3A_495 : memref<1x128xi32, #tpu.memory_space<vmem>> -> memref<128xi32, #tpu.memory_space<vmem>>
        %dma_start3A_497 = arith.constant 0 : i32
        %dma_start3A_498 = arith.constant 0 : i32
        %dma_start3A_499 = tpu.memref_slice %arg10[%dma_start3A_497, %dma_start3A_498] : memref<10112x128xbf16, #tpu.memory_space<vmem_shared>> -> memref<10112x128xbf16, #tpu.memory_space<vmem_shared>>
        tpu.enqueue_indirect_dma source(%dma_start3A_493 : memref<128x128xbf16, #tpu.memory_space<vmem>>) target(%dma_start3A_499 : memref<10112x128xbf16, #tpu.memory_space<vmem_shared>>) offsets(%dma_start3A_496 : memref<128xi32, #tpu.memory_space<vmem>>) semaphore(%run_scoped3A_489 : memref<!tpu.dma_semaphore, #tpu.memory_space<semaphore_mem>>) {add = true}
        %dma_wait3A_500 = arith.constant 0 : i32
        %dma_wait3A_501 = arith.constant 0 : i32
        %dma_wait3A_502 = tpu.memref_slice %arg8[%run_scoped3A_488, %dma_wait3A_500, %dma_wait3A_501] : memref<2x128x128xbf16, #tpu.memory_space<vmem>> -> memref<1x128x128xbf16, #tpu.memory_space<vmem>>
        %dma_wait3A_503 = tpu.memref_squeeze %dma_wait3A_502 : memref<1x128x128xbf16, #tpu.memory_space<vmem>> -> memref<128x128xbf16, #tpu.memory_space<vmem>>
        %dma_wait3A_504 = arith.constant 0 : i32
        %dma_wait3A_505 = tpu.memref_slice %arg7[%add3A_444, %dma_wait3A_504] : memref<152x128xi32, #tpu.memory_space<vmem>> -> memref<1x128xi32, #tpu.memory_space<vmem>>
        %dma_wait3A_506 = tpu.memref_squeeze %dma_wait3A_505 : memref<1x128xi32, #tpu.memory_space<vmem>> -> memref<128xi32, #tpu.memory_space<vmem>>
        %dma_wait3A_507 = arith.constant 0 : i32
        %dma_wait3A_508 = arith.constant 0 : i32
        %dma_wait3A_509 = tpu.memref_slice %arg10[%dma_wait3A_507, %dma_wait3A_508] : memref<10112x128xbf16, #tpu.memory_space<vmem_shared>> -> memref<10112x128xbf16, #tpu.memory_space<vmem_shared>>
        tpu.wait_indirect_dma semaphore(%run_scoped3A_489 : memref<!tpu.dma_semaphore, #tpu.memory_space<semaphore_mem>>) src(%dma_wait3A_503 : memref<128x128xbf16, #tpu.memory_space<vmem>>) dst(%dma_wait3A_509 : memref<10112x128xbf16, #tpu.memory_space<vmem_shared>>)
        tpu.yield
      }) : () -> ()
    }
    %barrier3A_430 = arith.constant 0 : index
    tpu.barrier barrier_id(%barrier3A_430)
    %scan3A_431 = arith.constant 0 : i32
    %scan3A_432 = arith.constant 0 : i32
    %scan3A_433 = arith.constant 4 : i32
    %scan3A_434 = arith.addi %scan3A_432, %scan3A_433 : i32
    %scan3A_435 = arith.constant 1 : i32
    scf.for %scan3A_440 = %scan3A_432 to %scan3A_434 step %scan3A_435  : i32 {
      %mul3A_441 = arith.constant 128 : i32
      %mul3A_442 = arith.muli %scan3A_440, %mul3A_441 : i32
      %add3A_443 = arith.addi %multiple_of3A, %mul3A_442 : i32
      %run_scoped3A_444 = arith.constant 0 : i32
      "tpu.region"() ({
        %run_scoped3A_449 = tpu.sem_alloc : memref<!tpu.dma_semaphore, #tpu.memory_space<semaphore_mem>>
        %dma_start3A = arith.constant 0 : i32
        %dma_start3A_450 = arith.constant 0 : i32
        %dma_start3A_451 = tpu.memref_slice %arg8[%run_scoped3A_444, %dma_start3A, %dma_start3A_450] : memref<2x128x128xbf16, #tpu.memory_space<vmem>> -> memref<1x128x128xbf16, #tpu.memory_space<vmem>>
        %dma_start3A_452 = tpu.memref_squeeze %dma_start3A_451 : memref<1x128x128xbf16, #tpu.memory_space<vmem>> -> memref<128x128xbf16, #tpu.memory_space<vmem>>
        %dma_start3A_453 = arith.constant 0 : i32
        %dma_start3A_454 = tpu.memref_slice %arg10[%add3A_443, %dma_start3A_453] : memref<10112x128xbf16, #tpu.memory_space<vmem_shared>> -> memref<128x128xbf16, #tpu.memory_space<vmem_shared>>
        %dma_start3A_455 = arith.constant 0 : i32
        %dma_start3A_456 = arith.constant 0 : i32
        %dma_start3A_457 = tpu.memref_slice %arg8[%run_scoped3A_444, %dma_start3A_455, %dma_start3A_456] : memref<2x128x128xbf16, #tpu.memory_space<vmem>> -> memref<1x128x128xbf16, #tpu.memory_space<vmem>>
        %dma_start3A_458 = tpu.memref_squeeze %dma_start3A_457 : memref<1x128x128xbf16, #tpu.memory_space<vmem>> -> memref<128x128xbf16, #tpu.memory_space<vmem>>
        %dma_start3A_459 = arith.constant 0 : i32
        %dma_start3A_460 = tpu.memref_slice %arg10[%add3A_443, %dma_start3A_459] : memref<10112x128xbf16, #tpu.memory_space<vmem_shared>> -> memref<128x128xbf16, #tpu.memory_space<vmem_shared>>
        tpu.enqueue_dma source(%dma_start3A_460 : memref<128x128xbf16, #tpu.memory_space<vmem_shared>>) target(%dma_start3A_458 : memref<128x128xbf16, #tpu.memory_space<vmem>>) target_semaphore(%run_scoped3A_449 : memref<!tpu.dma_semaphore, #tpu.memory_space<semaphore_mem>>)
        %dma_wait3A = arith.constant 0 : i32
        %dma_wait3A_461 = arith.constant 0 : i32
        %dma_wait3A_462 = tpu.memref_slice %arg8[%run_scoped3A_444, %dma_wait3A, %dma_wait3A_461] : memref<2x128x128xbf16, #tpu.memory_space<vmem>> -> memref<1x128x128xbf16, #tpu.memory_space<vmem>>
        %dma_wait3A_463 = tpu.memref_squeeze %dma_wait3A_462 : memref<1x128x128xbf16, #tpu.memory_space<vmem>> -> memref<128x128xbf16, #tpu.memory_space<vmem>>
        %dma_wait3A_464 = arith.constant 0 : i32
        %dma_wait3A_465 = tpu.memref_slice %arg10[%add3A_443, %dma_wait3A_464] : memref<10112x128xbf16, #tpu.memory_space<vmem_shared>> -> memref<128x128xbf16, #tpu.memory_space<vmem_shared>>
        %dma_wait3A_466 = arith.constant 0 : i32
        %dma_wait3A_467 = arith.constant 0 : i32
        %dma_wait3A_468 = tpu.memref_slice %arg8[%run_scoped3A_444, %dma_wait3A_466, %dma_wait3A_467] : memref<2x128x128xbf16, #tpu.memory_space<vmem>> -> memref<1x128x128xbf16, #tpu.memory_space<vmem>>
        %dma_wait3A_469 = tpu.memref_squeeze %dma_wait3A_468 : memref<1x128x128xbf16, #tpu.memory_space<vmem>> -> memref<128x128xbf16, #tpu.memory_space<vmem>>
        %dma_wait3A_470 = arith.constant 0 : i32
        %dma_wait3A_471 = tpu.memref_slice %arg10[%add3A_443, %dma_wait3A_470] : memref<10112x128xbf16, #tpu.memory_space<vmem_shared>> -> memref<128x128xbf16, #tpu.memory_space<vmem_shared>>
        tpu.wait_dma2 semaphore(%run_scoped3A_449 : memref<!tpu.dma_semaphore, #tpu.memory_space<semaphore_mem>>) src(%dma_wait3A_471 : memref<128x128xbf16, #tpu.memory_space<vmem_shared>>) dst(%dma_wait3A_469 : memref<128x128xbf16, #tpu.memory_space<vmem>>)
        tpu.yield
      }) : () -> ()
      %mul3A_445 = arith.constant 128 : i32
      %mul3A_446 = arith.muli %scan3A_440, %mul3A_445 : i32
      %add3A_447 = arith.addi %multiple_of3A, %mul3A_446 : i32
      %run_scoped3A_448 = arith.constant 0 : i32
      "tpu.region"() ({
        %run_scoped3A_449 = tpu.sem_alloc : memref<!tpu.dma_semaphore, #tpu.memory_space<semaphore_mem>>
        %dma_start3A = arith.constant 0 : i32
        %dma_start3A_450 = arith.constant 0 : i32
        %dma_start3A_451 = tpu.memref_slice %arg8[%run_scoped3A_448, %dma_start3A, %dma_start3A_450] : memref<2x128x128xbf16, #tpu.memory_space<vmem>> -> memref<1x128x128xbf16, #tpu.memory_space<vmem>>
        %dma_start3A_452 = tpu.memref_squeeze %dma_start3A_451 : memref<1x128x128xbf16, #tpu.memory_space<vmem>> -> memref<128x128xbf16, #tpu.memory_space<vmem>>
        %dma_start3A_453 = arith.constant 0 : i32
        %dma_start3A_454 = tpu.memref_slice %arg5[%arg0, %add3A_447, %dma_start3A_453] : memref<2x10112x128xbf16, #tpu.memory_space<hbm>> -> memref<1x128x128xbf16, #tpu.memory_space<hbm>>
        %dma_start3A_455 = tpu.memref_squeeze %dma_start3A_454 : memref<1x128x128xbf16, #tpu.memory_space<hbm>> -> memref<128x128xbf16, #tpu.memory_space<hbm>>
        %dma_start3A_456 = arith.constant 0 : i32
        %dma_start3A_457 = tpu.memref_slice %arg5[%arg0, %add3A_447, %dma_start3A_456] : memref<2x10112x128xbf16, #tpu.memory_space<hbm>> -> memref<1x128x128xbf16, #tpu.memory_space<hbm>>
        %dma_start3A_458 = tpu.memref_squeeze %dma_start3A_457 : memref<1x128x128xbf16, #tpu.memory_space<hbm>> -> memref<128x128xbf16, #tpu.memory_space<hbm>>
        %dma_start3A_459 = arith.constant 0 : i32
        %dma_start3A_460 = arith.constant 0 : i32
        %dma_start3A_461 = tpu.memref_slice %arg8[%run_scoped3A_448, %dma_start3A_459, %dma_start3A_460] : memref<2x128x128xbf16, #tpu.memory_space<vmem>> -> memref<1x128x128xbf16, #tpu.memory_space<vmem>>
        %dma_start3A_462 = tpu.memref_squeeze %dma_start3A_461 : memref<1x128x128xbf16, #tpu.memory_space<vmem>> -> memref<128x128xbf16, #tpu.memory_space<vmem>>
        tpu.enqueue_dma source(%dma_start3A_462 : memref<128x128xbf16, #tpu.memory_space<vmem>>) target(%dma_start3A_458 : memref<128x128xbf16, #tpu.memory_space<hbm>>) target_semaphore(%run_scoped3A_449 : memref<!tpu.dma_semaphore, #tpu.memory_space<semaphore_mem>>)
        %dma_wait3A = arith.constant 0 : i32
        %dma_wait3A_463 = arith.constant 0 : i32
        %dma_wait3A_464 = tpu.memref_slice %arg8[%run_scoped3A_448, %dma_wait3A, %dma_wait3A_463] : memref<2x128x128xbf16, #tpu.memory_space<vmem>> -> memref<1x128x128xbf16, #tpu.memory_space<vmem>>
        %dma_wait3A_465 = tpu.memref_squeeze %dma_wait3A_464 : memref<1x128x128xbf16, #tpu.memory_space<vmem>> -> memref<128x128xbf16, #tpu.memory_space<vmem>>
        %dma_wait3A_466 = arith.constant 0 : i32
        %dma_wait3A_467 = tpu.memref_slice %arg5[%arg0, %add3A_447, %dma_wait3A_466] : memref<2x10112x128xbf16, #tpu.memory_space<hbm>> -> memref<1x128x128xbf16, #tpu.memory_space<hbm>>
        %dma_wait3A_468 = tpu.memref_squeeze %dma_wait3A_467 : memref<1x128x128xbf16, #tpu.memory_space<hbm>> -> memref<128x128xbf16, #tpu.memory_space<hbm>>
        %dma_wait3A_469 = arith.constant 0 : i32
        %dma_wait3A_470 = tpu.memref_slice %arg5[%arg0, %add3A_447, %dma_wait3A_469] : memref<2x10112x128xbf16, #tpu.memory_space<hbm>> -> memref<1x128x128xbf16, #tpu.memory_space<hbm>>
        %dma_wait3A_471 = tpu.memref_squeeze %dma_wait3A_470 : memref<1x128x128xbf16, #tpu.memory_space<hbm>> -> memref<128x128xbf16, #tpu.memory_space<hbm>>
        %dma_wait3A_472 = arith.constant 0 : i32
        %dma_wait3A_473 = arith.constant 0 : i32
        %dma_wait3A_474 = tpu.memref_slice %arg8[%run_scoped3A_448, %dma_wait3A_472, %dma_wait3A_473] : memref<2x128x128xbf16, #tpu.memory_space<vmem>> -> memref<1x128x128xbf16, #tpu.memory_space<vmem>>
        %dma_wait3A_475 = tpu.memref_squeeze %dma_wait3A_474 : memref<1x128x128xbf16, #tpu.memory_space<vmem>> -> memref<128x128xbf16, #tpu.memory_space<vmem>>
        tpu.wait_dma2 semaphore(%run_scoped3A_449 : memref<!tpu.dma_semaphore, #tpu.memory_space<semaphore_mem>>) src(%dma_wait3A_475 : memref<128x128xbf16, #tpu.memory_space<vmem>>) dst(%dma_wait3A_471 : memref<128x128xbf16, #tpu.memory_space<hbm>>)
        tpu.yield
      }) : () -> ()
    }
    %scan3A_436 = arith.constant 4 : i32
    %add3A_437 = arith.constant 512 : i32
    %add3A_438 = arith.addi %multiple_of3A, %add3A_437 : i32
    %run_scoped3A = arith.constant 0 : i32
    "tpu.region"() ({
      %run_scoped3A_440 = tpu.sem_alloc : memref<!tpu.dma_semaphore, #tpu.memory_space<semaphore_mem>>
      %dma_start3A = arith.constant 0 : i32
      %dma_start3A_441 = arith.constant 0 : i32
      %dma_start3A_442 = tpu.memref_slice %arg8[%run_scoped3A, %dma_start3A, %dma_start3A_441] : memref<2x128x128xbf16, #tpu.memory_space<vmem>> -> memref<1x120x128xbf16, #tpu.memory_space<vmem>>
      %dma_start3A_443 = tpu.memref_squeeze %dma_start3A_442 : memref<1x120x128xbf16, #tpu.memory_space<vmem>> -> memref<120x128xbf16, #tpu.memory_space<vmem>>
      %dma_start3A_444 = arith.constant 0 : i32
      %dma_start3A_445 = tpu.memref_slice %arg10[%add3A_438, %dma_start3A_444] : memref<10112x128xbf16, #tpu.memory_space<vmem_shared>> -> memref<120x128xbf16, #tpu.memory_space<vmem_shared>>
      %dma_start3A_446 = arith.constant 0 : i32
      %dma_start3A_447 = arith.constant 0 : i32
      %dma_start3A_448 = tpu.memref_slice %arg8[%run_scoped3A, %dma_start3A_446, %dma_start3A_447] : memref<2x128x128xbf16, #tpu.memory_space<vmem>> -> memref<1x120x128xbf16, #tpu.memory_space<vmem>>
      %dma_start3A_449 = tpu.memref_squeeze %dma_start3A_448 : memref<1x120x128xbf16, #tpu.memory_space<vmem>> -> memref<120x128xbf16, #tpu.memory_space<vmem>>
      %dma_start3A_450 = arith.constant 0 : i32
      %dma_start3A_451 = tpu.memref_slice %arg10[%add3A_438, %dma_start3A_450] : memref<10112x128xbf16, #tpu.memory_space<vmem_shared>> -> memref<120x128xbf16, #tpu.memory_space<vmem_shared>>
      tpu.enqueue_dma source(%dma_start3A_451 : memref<120x128xbf16, #tpu.memory_space<vmem_shared>>) target(%dma_start3A_449 : memref<120x128xbf16, #tpu.memory_space<vmem>>) target_semaphore(%run_scoped3A_440 : memref<!tpu.dma_semaphore, #tpu.memory_space<semaphore_mem>>)
      %dma_wait3A = arith.constant 0 : i32
      %dma_wait3A_452 = arith.constant 0 : i32
      %dma_wait3A_453 = tpu.memref_slice %arg8[%run_scoped3A, %dma_wait3A, %dma_wait3A_452] : memref<2x128x128xbf16, #tpu.memory_space<vmem>> -> memref<1x120x128xbf16, #tpu.memory_space<vmem>>
      %dma_wait3A_454 = tpu.memref_squeeze %dma_wait3A_453 : memref<1x120x128xbf16, #tpu.memory_space<vmem>> -> memref<120x128xbf16, #tpu.memory_space<vmem>>
      %dma_wait3A_455 = arith.constant 0 : i32
      %dma_wait3A_456 = tpu.memref_slice %arg10[%add3A_438, %dma_wait3A_455] : memref<10112x128xbf16, #tpu.memory_space<vmem_shared>> -> memref<120x128xbf16, #tpu.memory_space<vmem_shared>>
      %dma_wait3A_457 = arith.constant 0 : i32
      %dma_wait3A_458 = arith.constant 0 : i32
      %dma_wait3A_459 = tpu.memref_slice %arg8[%run_scoped3A, %dma_wait3A_457, %dma_wait3A_458] : memref<2x128x128xbf16, #tpu.memory_space<vmem>> -> memref<1x120x128xbf16, #tpu.memory_space<vmem>>
      %dma_wait3A_460 = tpu.memref_squeeze %dma_wait3A_459 : memref<1x120x128xbf16, #tpu.memory_space<vmem>> -> memref<120x128xbf16, #tpu.memory_space<vmem>>
      %dma_wait3A_461 = arith.constant 0 : i32
      %dma_wait3A_462 = tpu.memref_slice %arg10[%add3A_438, %dma_wait3A_461] : memref<10112x128xbf16, #tpu.memory_space<vmem_shared>> -> memref<120x128xbf16, #tpu.memory_space<vmem_shared>>
      tpu.wait_dma2 semaphore(%run_scoped3A_440 : memref<!tpu.dma_semaphore, #tpu.memory_space<semaphore_mem>>) src(%dma_wait3A_462 : memref<120x128xbf16, #tpu.memory_space<vmem_shared>>) dst(%dma_wait3A_460 : memref<120x128xbf16, #tpu.memory_space<vmem>>)
      tpu.yield
    }) : () -> ()
    %run_scoped3A_439 = arith.constant 0 : i32
    "tpu.region"() ({
      %run_scoped3A_440 = tpu.sem_alloc : memref<!tpu.dma_semaphore, #tpu.memory_space<semaphore_mem>>
      %dma_start3A = arith.constant 0 : i32
      %dma_start3A_441 = arith.constant 0 : i32
      %dma_start3A_442 = tpu.memref_slice %arg8[%run_scoped3A_439, %dma_start3A, %dma_start3A_441] : memref<2x128x128xbf16, #tpu.memory_space<vmem>> -> memref<1x120x128xbf16, #tpu.memory_space<vmem>>
      %dma_start3A_443 = tpu.memref_squeeze %dma_start3A_442 : memref<1x120x128xbf16, #tpu.memory_space<vmem>> -> memref<120x128xbf16, #tpu.memory_space<vmem>>
      %dma_start3A_444 = arith.constant 0 : i32
      %dma_start3A_445 = tpu.memref_slice %arg5[%arg0, %add3A_438, %dma_start3A_444] : memref<2x10112x128xbf16, #tpu.memory_space<hbm>> -> memref<1x120x128xbf16, #tpu.memory_space<hbm>>
      %dma_start3A_446 = tpu.memref_squeeze %dma_start3A_445 : memref<1x120x128xbf16, #tpu.memory_space<hbm>> -> memref<120x128xbf16, #tpu.memory_space<hbm>>
      %dma_start3A_447 = arith.constant 0 : i32
      %dma_start3A_448 = tpu.memref_slice %arg5[%arg0, %add3A_438, %dma_start3A_447] : memref<2x10112x128xbf16, #tpu.memory_space<hbm>> -> memref<1x120x128xbf16, #tpu.memory_space<hbm>>
      %dma_start3A_449 = tpu.memref_squeeze %dma_start3A_448 : memref<1x120x128xbf16, #tpu.memory_space<hbm>> -> memref<120x128xbf16, #tpu.memory_space<hbm>>
      %dma_start3A_450 = arith.constant 0 : i32
      %dma_start3A_451 = arith.constant 0 : i32
      %dma_start3A_452 = tpu.memref_slice %arg8[%run_scoped3A_439, %dma_start3A_450, %dma_start3A_451] : memref<2x128x128xbf16, #tpu.memory_space<vmem>> -> memref<1x120x128xbf16, #tpu.memory_space<vmem>>
      %dma_start3A_453 = tpu.memref_squeeze %dma_start3A_452 : memref<1x120x128xbf16, #tpu.memory_space<vmem>> -> memref<120x128xbf16, #tpu.memory_space<vmem>>
      tpu.enqueue_dma source(%dma_start3A_453 : memref<120x128xbf16, #tpu.memory_space<vmem>>) target(%dma_start3A_449 : memref<120x128xbf16, #tpu.memory_space<hbm>>) target_semaphore(%run_scoped3A_440 : memref<!tpu.dma_semaphore, #tpu.memory_space<semaphore_mem>>)
      %dma_wait3A = arith.constant 0 : i32
      %dma_wait3A_454 = arith.constant 0 : i32
      %dma_wait3A_455 = tpu.memref_slice %arg8[%run_scoped3A_439, %dma_wait3A, %dma_wait3A_454] : memref<2x128x128xbf16, #tpu.memory_space<vmem>> -> memref<1x120x128xbf16, #tpu.memory_space<vmem>>
      %dma_wait3A_456 = tpu.memref_squeeze %dma_wait3A_455 : memref<1x120x128xbf16, #tpu.memory_space<vmem>> -> memref<120x128xbf16, #tpu.memory_space<vmem>>
      %dma_wait3A_457 = arith.constant 0 : i32
      %dma_wait3A_458 = tpu.memref_slice %arg5[%arg0, %add3A_438, %dma_wait3A_457] : memref<2x10112x128xbf16, #tpu.memory_space<hbm>> -> memref<1x120x128xbf16, #tpu.memory_space<hbm>>
      %dma_wait3A_459 = tpu.memref_squeeze %dma_wait3A_458 : memref<1x120x128xbf16, #tpu.memory_space<hbm>> -> memref<120x128xbf16, #tpu.memory_space<hbm>>
      %dma_wait3A_460 = arith.constant 0 : i32
      %dma_wait3A_461 = tpu.memref_slice %arg5[%arg0, %add3A_438, %dma_wait3A_460] : memref<2x10112x128xbf16, #tpu.memory_space<hbm>> -> memref<1x120x128xbf16, #tpu.memory_space<hbm>>
      %dma_wait3A_462 = tpu.memref_squeeze %dma_wait3A_461 : memref<1x120x128xbf16, #tpu.memory_space<hbm>> -> memref<120x128xbf16, #tpu.memory_space<hbm>>
      %dma_wait3A_463 = arith.constant 0 : i32
      %dma_wait3A_464 = arith.constant 0 : i32
      %dma_wait3A_465 = tpu.memref_slice %arg8[%run_scoped3A_439, %dma_wait3A_463, %dma_wait3A_464] : memref<2x128x128xbf16, #tpu.memory_space<vmem>> -> memref<1x120x128xbf16, #tpu.memory_space<vmem>>
      %dma_wait3A_466 = tpu.memref_squeeze %dma_wait3A_465 : memref<1x120x128xbf16, #tpu.memory_space<vmem>> -> memref<120x128xbf16, #tpu.memory_space<vmem>>
      tpu.wait_dma2 semaphore(%run_scoped3A_440 : memref<!tpu.dma_semaphore, #tpu.memory_space<semaphore_mem>>) src(%dma_wait3A_466 : memref<120x128xbf16, #tpu.memory_space<vmem>>) dst(%dma_wait3A_462 : memref<120x128xbf16, #tpu.memory_space<hbm>>)
      tpu.yield
    }) : () -> ()
    return
  }
}

#map = affine_map<(d0, d1) -> (0, 0)>
#map1 = affine_map<(d0, d1) -> (0, 0, 0)>
module attributes {stable_mosaic.version = 14 : i64} {
  func.func @_agg_body(%arg0: i32, %arg1: i32, %arg2: memref<10000x64xbf16, #tpu.memory_space<hbm>>, %arg3: memref<2640x128xi32, #tpu.memory_space<hbm>>, %arg4: memref<2640x128xi32, #tpu.memory_space<hbm>>, %arg5: memref<2x10112x64xbf16, #tpu.memory_space<hbm>>, %arg6: memref<120x128xi32, #tpu.memory_space<vmem>>, %arg7: memref<120x128xi32, #tpu.memory_space<vmem>>, %arg8: memref<2x128x64xbf16, #tpu.memory_space<vmem>>, %arg9: memref<16x64xbf16, #tpu.memory_space<vmem>>, %arg10: memref<10112x64xbf16, #tpu.memory_space<vmem_shared>>, %arg11: memref<!tpu.dma_semaphore, #tpu.memory_space<semaphore_mem>>, %arg12: memref<!tpu.dma_semaphore, #tpu.memory_space<semaphore_mem>>) attributes {dimension_semantics = [#tpu.dimension_semantics<core_parallel>, #tpu.dimension_semantics<subcore_parallel>], iteration_bounds = array<i64: 2, 16>, scalar_prefetch = 0 : i64, scratch_operands = 7 : i64, tpu.core_type = #tpu.core_type<sc_vector_subcore>, window_params = [{transform_indices = #map}, {transform_indices = #map}, {transform_indices = #map}, {transform_indices = #map1}]} {
    %mul3A = arith.constant 632 : i32
    %mul3A_0 = arith.muli %arg1, %mul3A : i32
    %multiple_of3A = tpu.assume_multiple %mul3A_0, 8 : i32
    %eq3A = arith.constant 1 : i32
    %eq3A_1 = arith.cmpi eq, %arg0, %eq3A : i32
    %mul3A_2 = arith.constant 120 : i32
    %mul3A_3 = arith.muli %arg1, %mul3A_2 : i32
    %mul3A_4 = arith.constant 40 : i32
    %mul3A_5 = arith.muli %arg1, %mul3A_4 : i32
    %add3A = arith.constant 1920 : i32
    %add3A_6 = arith.addi %add3A, %mul3A_5 : i32
    %select_n3A = arith.select %eq3A_1, %mul3A_3, %add3A_6 : i32
    %multiple_of3A_7 = tpu.assume_multiple %select_n3A, 8 : i32
    "tpu.region"() ({
      %run_scoped3A_248 = tpu.sem_alloc : memref<!tpu.dma_semaphore, #tpu.memory_space<semaphore_mem>>
      %dma_start3A = arith.constant 0 : i32
      %dma_start3A_249 = tpu.memref_slice %arg3[%multiple_of3A_7, %dma_start3A] : memref<2640x128xi32, #tpu.memory_space<hbm>> -> memref<120x128xi32, #tpu.memory_space<hbm>>
      %dma_start3A_250 = arith.constant 0 : i32
      %dma_start3A_251 = tpu.memref_slice %arg3[%multiple_of3A_7, %dma_start3A_250] : memref<2640x128xi32, #tpu.memory_space<hbm>> -> memref<120x128xi32, #tpu.memory_space<hbm>>
      tpu.enqueue_dma source(%dma_start3A_251 : memref<120x128xi32, #tpu.memory_space<hbm>>) target(%arg6 : memref<120x128xi32, #tpu.memory_space<vmem>>) target_semaphore(%run_scoped3A_248 : memref<!tpu.dma_semaphore, #tpu.memory_space<semaphore_mem>>)
      %dma_wait3A = arith.constant 0 : i32
      %dma_wait3A_252 = tpu.memref_slice %arg3[%multiple_of3A_7, %dma_wait3A] : memref<2640x128xi32, #tpu.memory_space<hbm>> -> memref<120x128xi32, #tpu.memory_space<hbm>>
      %dma_wait3A_253 = arith.constant 0 : i32
      %dma_wait3A_254 = tpu.memref_slice %arg3[%multiple_of3A_7, %dma_wait3A_253] : memref<2640x128xi32, #tpu.memory_space<hbm>> -> memref<120x128xi32, #tpu.memory_space<hbm>>
      tpu.wait_dma2 semaphore(%run_scoped3A_248 : memref<!tpu.dma_semaphore, #tpu.memory_space<semaphore_mem>>) src(%dma_wait3A_254 : memref<120x128xi32, #tpu.memory_space<hbm>>) dst(%arg6 : memref<120x128xi32, #tpu.memory_space<vmem>>)
      tpu.yield
    }) : () -> ()
    "tpu.region"() ({
      %run_scoped3A_248 = tpu.sem_alloc : memref<!tpu.dma_semaphore, #tpu.memory_space<semaphore_mem>>
      %dma_start3A = arith.constant 0 : i32
      %dma_start3A_249 = tpu.memref_slice %arg4[%multiple_of3A_7, %dma_start3A] : memref<2640x128xi32, #tpu.memory_space<hbm>> -> memref<120x128xi32, #tpu.memory_space<hbm>>
      %dma_start3A_250 = arith.constant 0 : i32
      %dma_start3A_251 = tpu.memref_slice %arg4[%multiple_of3A_7, %dma_start3A_250] : memref<2640x128xi32, #tpu.memory_space<hbm>> -> memref<120x128xi32, #tpu.memory_space<hbm>>
      tpu.enqueue_dma source(%dma_start3A_251 : memref<120x128xi32, #tpu.memory_space<hbm>>) target(%arg7 : memref<120x128xi32, #tpu.memory_space<vmem>>) target_semaphore(%run_scoped3A_248 : memref<!tpu.dma_semaphore, #tpu.memory_space<semaphore_mem>>)
      %dma_wait3A = arith.constant 0 : i32
      %dma_wait3A_252 = tpu.memref_slice %arg4[%multiple_of3A_7, %dma_wait3A] : memref<2640x128xi32, #tpu.memory_space<hbm>> -> memref<120x128xi32, #tpu.memory_space<hbm>>
      %dma_wait3A_253 = arith.constant 0 : i32
      %dma_wait3A_254 = tpu.memref_slice %arg4[%multiple_of3A_7, %dma_wait3A_253] : memref<2640x128xi32, #tpu.memory_space<hbm>> -> memref<120x128xi32, #tpu.memory_space<hbm>>
      tpu.wait_dma2 semaphore(%run_scoped3A_248 : memref<!tpu.dma_semaphore, #tpu.memory_space<semaphore_mem>>) src(%dma_wait3A_254 : memref<120x128xi32, #tpu.memory_space<hbm>>) dst(%arg7 : memref<120x128xi32, #tpu.memory_space<vmem>>)
      tpu.yield
    }) : () -> ()
    %broadcast_in_dim3A = arith.constant 0.000000e+00 : bf16
    %broadcast_in_dim3A_8 = vector.broadcast %broadcast_in_dim3A : bf16 to vector<32xbf16>
    %swap3A = arith.constant 0 : i32
    %swap3A_9 = arith.index_cast %swap3A : i32 to index
    %swap3A_10 = arith.constant 0 : index
    %swap3A_11 = tpu.vector_load %arg9[%swap3A_9, %swap3A_10] {strides = array<i32>} : memref<16x64xbf16, #tpu.memory_space<vmem>>, vector<1x32xbf16>,
    %swap3A_12 = vector.shape_cast %swap3A_11 : vector<1x32xbf16> to vector<32xbf16>
    %swap3A_13 = vector.shape_cast %broadcast_in_dim3A_8 : vector<32xbf16> to vector<1x32xbf16>
    tpu.vector_store %arg9[%swap3A_9, %swap3A_10], %swap3A_13 {strides = array<i32>} : memref<16x64xbf16, #tpu.memory_space<vmem>>, vector<1x32xbf16>,
    %swap3A_14 = arith.constant 0 : i32
    %swap3A_15 = arith.index_cast %swap3A_14 : i32 to index
    %swap3A_16 = arith.constant 32 : index
    %swap3A_17 = tpu.vector_load %arg9[%swap3A_15, %swap3A_16] {strides = array<i32>} : memref<16x64xbf16, #tpu.memory_space<vmem>>, vector<1x32xbf16>,
    %swap3A_18 = vector.shape_cast %swap3A_17 : vector<1x32xbf16> to vector<32xbf16>
    %swap3A_19 = vector.shape_cast %broadcast_in_dim3A_8 : vector<32xbf16> to vector<1x32xbf16>
    tpu.vector_store %arg9[%swap3A_15, %swap3A_16], %swap3A_19 {strides = array<i32>} : memref<16x64xbf16, #tpu.memory_space<vmem>>, vector<1x32xbf16>,
    %swap3A_20 = arith.constant 1 : i32
    %swap3A_21 = arith.index_cast %swap3A_20 : i32 to index
    %swap3A_22 = arith.constant 0 : index
    %swap3A_23 = tpu.vector_load %arg9[%swap3A_21, %swap3A_22] {strides = array<i32>} : memref<16x64xbf16, #tpu.memory_space<vmem>>, vector<1x32xbf16>,
    %swap3A_24 = vector.shape_cast %swap3A_23 : vector<1x32xbf16> to vector<32xbf16>
    %swap3A_25 = vector.shape_cast %broadcast_in_dim3A_8 : vector<32xbf16> to vector<1x32xbf16>
    tpu.vector_store %arg9[%swap3A_21, %swap3A_22], %swap3A_25 {strides = array<i32>} : memref<16x64xbf16, #tpu.memory_space<vmem>>, vector<1x32xbf16>,
    %swap3A_26 = arith.constant 1 : i32
    %swap3A_27 = arith.index_cast %swap3A_26 : i32 to index
    %swap3A_28 = arith.constant 32 : index
    %swap3A_29 = tpu.vector_load %arg9[%swap3A_27, %swap3A_28] {strides = array<i32>} : memref<16x64xbf16, #tpu.memory_space<vmem>>, vector<1x32xbf16>,
    %swap3A_30 = vector.shape_cast %swap3A_29 : vector<1x32xbf16> to vector<32xbf16>
    %swap3A_31 = vector.shape_cast %broadcast_in_dim3A_8 : vector<32xbf16> to vector<1x32xbf16>
    tpu.vector_store %arg9[%swap3A_27, %swap3A_28], %swap3A_31 {strides = array<i32>} : memref<16x64xbf16, #tpu.memory_space<vmem>>, vector<1x32xbf16>,
    %swap3A_32 = arith.constant 2 : i32
    %swap3A_33 = arith.index_cast %swap3A_32 : i32 to index
    %swap3A_34 = arith.constant 0 : index
    %swap3A_35 = tpu.vector_load %arg9[%swap3A_33, %swap3A_34] {strides = array<i32>} : memref<16x64xbf16, #tpu.memory_space<vmem>>, vector<1x32xbf16>,
    %swap3A_36 = vector.shape_cast %swap3A_35 : vector<1x32xbf16> to vector<32xbf16>
    %swap3A_37 = vector.shape_cast %broadcast_in_dim3A_8 : vector<32xbf16> to vector<1x32xbf16>
    tpu.vector_store %arg9[%swap3A_33, %swap3A_34], %swap3A_37 {strides = array<i32>} : memref<16x64xbf16, #tpu.memory_space<vmem>>, vector<1x32xbf16>,
    %swap3A_38 = arith.constant 2 : i32
    %swap3A_39 = arith.index_cast %swap3A_38 : i32 to index
    %swap3A_40 = arith.constant 32 : index
    %swap3A_41 = tpu.vector_load %arg9[%swap3A_39, %swap3A_40] {strides = array<i32>} : memref<16x64xbf16, #tpu.memory_space<vmem>>, vector<1x32xbf16>,
    %swap3A_42 = vector.shape_cast %swap3A_41 : vector<1x32xbf16> to vector<32xbf16>
    %swap3A_43 = vector.shape_cast %broadcast_in_dim3A_8 : vector<32xbf16> to vector<1x32xbf16>
    tpu.vector_store %arg9[%swap3A_39, %swap3A_40], %swap3A_43 {strides = array<i32>} : memref<16x64xbf16, #tpu.memory_space<vmem>>, vector<1x32xbf16>,
    %swap3A_44 = arith.constant 3 : i32
    %swap3A_45 = arith.index_cast %swap3A_44 : i32 to index
    %swap3A_46 = arith.constant 0 : index
    %swap3A_47 = tpu.vector_load %arg9[%swap3A_45, %swap3A_46] {strides = array<i32>} : memref<16x64xbf16, #tpu.memory_space<vmem>>, vector<1x32xbf16>,
    %swap3A_48 = vector.shape_cast %swap3A_47 : vector<1x32xbf16> to vector<32xbf16>
    %swap3A_49 = vector.shape_cast %broadcast_in_dim3A_8 : vector<32xbf16> to vector<1x32xbf16>
    tpu.vector_store %arg9[%swap3A_45, %swap3A_46], %swap3A_49 {strides = array<i32>} : memref<16x64xbf16, #tpu.memory_space<vmem>>, vector<1x32xbf16>,
    %swap3A_50 = arith.constant 3 : i32
    %swap3A_51 = arith.index_cast %swap3A_50 : i32 to index
    %swap3A_52 = arith.constant 32 : index
    %swap3A_53 = tpu.vector_load %arg9[%swap3A_51, %swap3A_52] {strides = array<i32>} : memref<16x64xbf16, #tpu.memory_space<vmem>>, vector<1x32xbf16>,
    %swap3A_54 = vector.shape_cast %swap3A_53 : vector<1x32xbf16> to vector<32xbf16>
    %swap3A_55 = vector.shape_cast %broadcast_in_dim3A_8 : vector<32xbf16> to vector<1x32xbf16>
    tpu.vector_store %arg9[%swap3A_51, %swap3A_52], %swap3A_55 {strides = array<i32>} : memref<16x64xbf16, #tpu.memory_space<vmem>>, vector<1x32xbf16>,
    %swap3A_56 = arith.constant 4 : i32
    %swap3A_57 = arith.index_cast %swap3A_56 : i32 to index
    %swap3A_58 = arith.constant 0 : index
    %swap3A_59 = tpu.vector_load %arg9[%swap3A_57, %swap3A_58] {strides = array<i32>} : memref<16x64xbf16, #tpu.memory_space<vmem>>, vector<1x32xbf16>,
    %swap3A_60 = vector.shape_cast %swap3A_59 : vector<1x32xbf16> to vector<32xbf16>
    %swap3A_61 = vector.shape_cast %broadcast_in_dim3A_8 : vector<32xbf16> to vector<1x32xbf16>
    tpu.vector_store %arg9[%swap3A_57, %swap3A_58], %swap3A_61 {strides = array<i32>} : memref<16x64xbf16, #tpu.memory_space<vmem>>, vector<1x32xbf16>,
    %swap3A_62 = arith.constant 4 : i32
    %swap3A_63 = arith.index_cast %swap3A_62 : i32 to index
    %swap3A_64 = arith.constant 32 : index
    %swap3A_65 = tpu.vector_load %arg9[%swap3A_63, %swap3A_64] {strides = array<i32>} : memref<16x64xbf16, #tpu.memory_space<vmem>>, vector<1x32xbf16>,
    %swap3A_66 = vector.shape_cast %swap3A_65 : vector<1x32xbf16> to vector<32xbf16>
    %swap3A_67 = vector.shape_cast %broadcast_in_dim3A_8 : vector<32xbf16> to vector<1x32xbf16>
    tpu.vector_store %arg9[%swap3A_63, %swap3A_64], %swap3A_67 {strides = array<i32>} : memref<16x64xbf16, #tpu.memory_space<vmem>>, vector<1x32xbf16>,
    %swap3A_68 = arith.constant 5 : i32
    %swap3A_69 = arith.index_cast %swap3A_68 : i32 to index
    %swap3A_70 = arith.constant 0 : index
    %swap3A_71 = tpu.vector_load %arg9[%swap3A_69, %swap3A_70] {strides = array<i32>} : memref<16x64xbf16, #tpu.memory_space<vmem>>, vector<1x32xbf16>,
    %swap3A_72 = vector.shape_cast %swap3A_71 : vector<1x32xbf16> to vector<32xbf16>
    %swap3A_73 = vector.shape_cast %broadcast_in_dim3A_8 : vector<32xbf16> to vector<1x32xbf16>
    tpu.vector_store %arg9[%swap3A_69, %swap3A_70], %swap3A_73 {strides = array<i32>} : memref<16x64xbf16, #tpu.memory_space<vmem>>, vector<1x32xbf16>,
    %swap3A_74 = arith.constant 5 : i32
    %swap3A_75 = arith.index_cast %swap3A_74 : i32 to index
    %swap3A_76 = arith.constant 32 : index
    %swap3A_77 = tpu.vector_load %arg9[%swap3A_75, %swap3A_76] {strides = array<i32>} : memref<16x64xbf16, #tpu.memory_space<vmem>>, vector<1x32xbf16>,
    %swap3A_78 = vector.shape_cast %swap3A_77 : vector<1x32xbf16> to vector<32xbf16>
    %swap3A_79 = vector.shape_cast %broadcast_in_dim3A_8 : vector<32xbf16> to vector<1x32xbf16>
    tpu.vector_store %arg9[%swap3A_75, %swap3A_76], %swap3A_79 {strides = array<i32>} : memref<16x64xbf16, #tpu.memory_space<vmem>>, vector<1x32xbf16>,
    %swap3A_80 = arith.constant 6 : i32
    %swap3A_81 = arith.index_cast %swap3A_80 : i32 to index
    %swap3A_82 = arith.constant 0 : index
    %swap3A_83 = tpu.vector_load %arg9[%swap3A_81, %swap3A_82] {strides = array<i32>} : memref<16x64xbf16, #tpu.memory_space<vmem>>, vector<1x32xbf16>,
    %swap3A_84 = vector.shape_cast %swap3A_83 : vector<1x32xbf16> to vector<32xbf16>
    %swap3A_85 = vector.shape_cast %broadcast_in_dim3A_8 : vector<32xbf16> to vector<1x32xbf16>
    tpu.vector_store %arg9[%swap3A_81, %swap3A_82], %swap3A_85 {strides = array<i32>} : memref<16x64xbf16, #tpu.memory_space<vmem>>, vector<1x32xbf16>,
    %swap3A_86 = arith.constant 6 : i32
    %swap3A_87 = arith.index_cast %swap3A_86 : i32 to index
    %swap3A_88 = arith.constant 32 : index
    %swap3A_89 = tpu.vector_load %arg9[%swap3A_87, %swap3A_88] {strides = array<i32>} : memref<16x64xbf16, #tpu.memory_space<vmem>>, vector<1x32xbf16>,
    %swap3A_90 = vector.shape_cast %swap3A_89 : vector<1x32xbf16> to vector<32xbf16>
    %swap3A_91 = vector.shape_cast %broadcast_in_dim3A_8 : vector<32xbf16> to vector<1x32xbf16>
    tpu.vector_store %arg9[%swap3A_87, %swap3A_88], %swap3A_91 {strides = array<i32>} : memref<16x64xbf16, #tpu.memory_space<vmem>>, vector<1x32xbf16>,
    %swap3A_92 = arith.constant 7 : i32
    %swap3A_93 = arith.index_cast %swap3A_92 : i32 to index
    %swap3A_94 = arith.constant 0 : index
    %swap3A_95 = tpu.vector_load %arg9[%swap3A_93, %swap3A_94] {strides = array<i32>} : memref<16x64xbf16, #tpu.memory_space<vmem>>, vector<1x32xbf16>,
    %swap3A_96 = vector.shape_cast %swap3A_95 : vector<1x32xbf16> to vector<32xbf16>
    %swap3A_97 = vector.shape_cast %broadcast_in_dim3A_8 : vector<32xbf16> to vector<1x32xbf16>
    tpu.vector_store %arg9[%swap3A_93, %swap3A_94], %swap3A_97 {strides = array<i32>} : memref<16x64xbf16, #tpu.memory_space<vmem>>, vector<1x32xbf16>,
    %swap3A_98 = arith.constant 7 : i32
    %swap3A_99 = arith.index_cast %swap3A_98 : i32 to index
    %swap3A_100 = arith.constant 32 : index
    %swap3A_101 = tpu.vector_load %arg9[%swap3A_99, %swap3A_100] {strides = array<i32>} : memref<16x64xbf16, #tpu.memory_space<vmem>>, vector<1x32xbf16>,
    %swap3A_102 = vector.shape_cast %swap3A_101 : vector<1x32xbf16> to vector<32xbf16>
    %swap3A_103 = vector.shape_cast %broadcast_in_dim3A_8 : vector<32xbf16> to vector<1x32xbf16>
    tpu.vector_store %arg9[%swap3A_99, %swap3A_100], %swap3A_103 {strides = array<i32>} : memref<16x64xbf16, #tpu.memory_space<vmem>>, vector<1x32xbf16>,
    %swap3A_104 = arith.constant 8 : i32
    %swap3A_105 = arith.index_cast %swap3A_104 : i32 to index
    %swap3A_106 = arith.constant 0 : index
    %swap3A_107 = tpu.vector_load %arg9[%swap3A_105, %swap3A_106] {strides = array<i32>} : memref<16x64xbf16, #tpu.memory_space<vmem>>, vector<1x32xbf16>,
    %swap3A_108 = vector.shape_cast %swap3A_107 : vector<1x32xbf16> to vector<32xbf16>
    %swap3A_109 = vector.shape_cast %broadcast_in_dim3A_8 : vector<32xbf16> to vector<1x32xbf16>
    tpu.vector_store %arg9[%swap3A_105, %swap3A_106], %swap3A_109 {strides = array<i32>} : memref<16x64xbf16, #tpu.memory_space<vmem>>, vector<1x32xbf16>,
    %swap3A_110 = arith.constant 8 : i32
    %swap3A_111 = arith.index_cast %swap3A_110 : i32 to index
    %swap3A_112 = arith.constant 32 : index
    %swap3A_113 = tpu.vector_load %arg9[%swap3A_111, %swap3A_112] {strides = array<i32>} : memref<16x64xbf16, #tpu.memory_space<vmem>>, vector<1x32xbf16>,
    %swap3A_114 = vector.shape_cast %swap3A_113 : vector<1x32xbf16> to vector<32xbf16>
    %swap3A_115 = vector.shape_cast %broadcast_in_dim3A_8 : vector<32xbf16> to vector<1x32xbf16>
    tpu.vector_store %arg9[%swap3A_111, %swap3A_112], %swap3A_115 {strides = array<i32>} : memref<16x64xbf16, #tpu.memory_space<vmem>>, vector<1x32xbf16>,
    %swap3A_116 = arith.constant 9 : i32
    %swap3A_117 = arith.index_cast %swap3A_116 : i32 to index
    %swap3A_118 = arith.constant 0 : index
    %swap3A_119 = tpu.vector_load %arg9[%swap3A_117, %swap3A_118] {strides = array<i32>} : memref<16x64xbf16, #tpu.memory_space<vmem>>, vector<1x32xbf16>,
    %swap3A_120 = vector.shape_cast %swap3A_119 : vector<1x32xbf16> to vector<32xbf16>
    %swap3A_121 = vector.shape_cast %broadcast_in_dim3A_8 : vector<32xbf16> to vector<1x32xbf16>
    tpu.vector_store %arg9[%swap3A_117, %swap3A_118], %swap3A_121 {strides = array<i32>} : memref<16x64xbf16, #tpu.memory_space<vmem>>, vector<1x32xbf16>,
    %swap3A_122 = arith.constant 9 : i32
    %swap3A_123 = arith.index_cast %swap3A_122 : i32 to index
    %swap3A_124 = arith.constant 32 : index
    %swap3A_125 = tpu.vector_load %arg9[%swap3A_123, %swap3A_124] {strides = array<i32>} : memref<16x64xbf16, #tpu.memory_space<vmem>>, vector<1x32xbf16>,
    %swap3A_126 = vector.shape_cast %swap3A_125 : vector<1x32xbf16> to vector<32xbf16>
    %swap3A_127 = vector.shape_cast %broadcast_in_dim3A_8 : vector<32xbf16> to vector<1x32xbf16>
    tpu.vector_store %arg9[%swap3A_123, %swap3A_124], %swap3A_127 {strides = array<i32>} : memref<16x64xbf16, #tpu.memory_space<vmem>>, vector<1x32xbf16>,
    %swap3A_128 = arith.constant 10 : i32
    %swap3A_129 = arith.index_cast %swap3A_128 : i32 to index
    %swap3A_130 = arith.constant 0 : index
    %swap3A_131 = tpu.vector_load %arg9[%swap3A_129, %swap3A_130] {strides = array<i32>} : memref<16x64xbf16, #tpu.memory_space<vmem>>, vector<1x32xbf16>,
    %swap3A_132 = vector.shape_cast %swap3A_131 : vector<1x32xbf16> to vector<32xbf16>
    %swap3A_133 = vector.shape_cast %broadcast_in_dim3A_8 : vector<32xbf16> to vector<1x32xbf16>
    tpu.vector_store %arg9[%swap3A_129, %swap3A_130], %swap3A_133 {strides = array<i32>} : memref<16x64xbf16, #tpu.memory_space<vmem>>, vector<1x32xbf16>,
    %swap3A_134 = arith.constant 10 : i32
    %swap3A_135 = arith.index_cast %swap3A_134 : i32 to index
    %swap3A_136 = arith.constant 32 : index
    %swap3A_137 = tpu.vector_load %arg9[%swap3A_135, %swap3A_136] {strides = array<i32>} : memref<16x64xbf16, #tpu.memory_space<vmem>>, vector<1x32xbf16>,
    %swap3A_138 = vector.shape_cast %swap3A_137 : vector<1x32xbf16> to vector<32xbf16>
    %swap3A_139 = vector.shape_cast %broadcast_in_dim3A_8 : vector<32xbf16> to vector<1x32xbf16>
    tpu.vector_store %arg9[%swap3A_135, %swap3A_136], %swap3A_139 {strides = array<i32>} : memref<16x64xbf16, #tpu.memory_space<vmem>>, vector<1x32xbf16>,
    %swap3A_140 = arith.constant 11 : i32
    %swap3A_141 = arith.index_cast %swap3A_140 : i32 to index
    %swap3A_142 = arith.constant 0 : index
    %swap3A_143 = tpu.vector_load %arg9[%swap3A_141, %swap3A_142] {strides = array<i32>} : memref<16x64xbf16, #tpu.memory_space<vmem>>, vector<1x32xbf16>,
    %swap3A_144 = vector.shape_cast %swap3A_143 : vector<1x32xbf16> to vector<32xbf16>
    %swap3A_145 = vector.shape_cast %broadcast_in_dim3A_8 : vector<32xbf16> to vector<1x32xbf16>
    tpu.vector_store %arg9[%swap3A_141, %swap3A_142], %swap3A_145 {strides = array<i32>} : memref<16x64xbf16, #tpu.memory_space<vmem>>, vector<1x32xbf16>,
    %swap3A_146 = arith.constant 11 : i32
    %swap3A_147 = arith.index_cast %swap3A_146 : i32 to index
    %swap3A_148 = arith.constant 32 : index
    %swap3A_149 = tpu.vector_load %arg9[%swap3A_147, %swap3A_148] {strides = array<i32>} : memref<16x64xbf16, #tpu.memory_space<vmem>>, vector<1x32xbf16>,
    %swap3A_150 = vector.shape_cast %swap3A_149 : vector<1x32xbf16> to vector<32xbf16>
    %swap3A_151 = vector.shape_cast %broadcast_in_dim3A_8 : vector<32xbf16> to vector<1x32xbf16>
    tpu.vector_store %arg9[%swap3A_147, %swap3A_148], %swap3A_151 {strides = array<i32>} : memref<16x64xbf16, #tpu.memory_space<vmem>>, vector<1x32xbf16>,
    %swap3A_152 = arith.constant 12 : i32
    %swap3A_153 = arith.index_cast %swap3A_152 : i32 to index
    %swap3A_154 = arith.constant 0 : index
    %swap3A_155 = tpu.vector_load %arg9[%swap3A_153, %swap3A_154] {strides = array<i32>} : memref<16x64xbf16, #tpu.memory_space<vmem>>, vector<1x32xbf16>,
    %swap3A_156 = vector.shape_cast %swap3A_155 : vector<1x32xbf16> to vector<32xbf16>
    %swap3A_157 = vector.shape_cast %broadcast_in_dim3A_8 : vector<32xbf16> to vector<1x32xbf16>
    tpu.vector_store %arg9[%swap3A_153, %swap3A_154], %swap3A_157 {strides = array<i32>} : memref<16x64xbf16, #tpu.memory_space<vmem>>, vector<1x32xbf16>,
    %swap3A_158 = arith.constant 12 : i32
    %swap3A_159 = arith.index_cast %swap3A_158 : i32 to index
    %swap3A_160 = arith.constant 32 : index
    %swap3A_161 = tpu.vector_load %arg9[%swap3A_159, %swap3A_160] {strides = array<i32>} : memref<16x64xbf16, #tpu.memory_space<vmem>>, vector<1x32xbf16>,
    %swap3A_162 = vector.shape_cast %swap3A_161 : vector<1x32xbf16> to vector<32xbf16>
    %swap3A_163 = vector.shape_cast %broadcast_in_dim3A_8 : vector<32xbf16> to vector<1x32xbf16>
    tpu.vector_store %arg9[%swap3A_159, %swap3A_160], %swap3A_163 {strides = array<i32>} : memref<16x64xbf16, #tpu.memory_space<vmem>>, vector<1x32xbf16>,
    %swap3A_164 = arith.constant 13 : i32
    %swap3A_165 = arith.index_cast %swap3A_164 : i32 to index
    %swap3A_166 = arith.constant 0 : index
    %swap3A_167 = tpu.vector_load %arg9[%swap3A_165, %swap3A_166] {strides = array<i32>} : memref<16x64xbf16, #tpu.memory_space<vmem>>, vector<1x32xbf16>,
    %swap3A_168 = vector.shape_cast %swap3A_167 : vector<1x32xbf16> to vector<32xbf16>
    %swap3A_169 = vector.shape_cast %broadcast_in_dim3A_8 : vector<32xbf16> to vector<1x32xbf16>
    tpu.vector_store %arg9[%swap3A_165, %swap3A_166], %swap3A_169 {strides = array<i32>} : memref<16x64xbf16, #tpu.memory_space<vmem>>, vector<1x32xbf16>,
    %swap3A_170 = arith.constant 13 : i32
    %swap3A_171 = arith.index_cast %swap3A_170 : i32 to index
    %swap3A_172 = arith.constant 32 : index
    %swap3A_173 = tpu.vector_load %arg9[%swap3A_171, %swap3A_172] {strides = array<i32>} : memref<16x64xbf16, #tpu.memory_space<vmem>>, vector<1x32xbf16>,
    %swap3A_174 = vector.shape_cast %swap3A_173 : vector<1x32xbf16> to vector<32xbf16>
    %swap3A_175 = vector.shape_cast %broadcast_in_dim3A_8 : vector<32xbf16> to vector<1x32xbf16>
    tpu.vector_store %arg9[%swap3A_171, %swap3A_172], %swap3A_175 {strides = array<i32>} : memref<16x64xbf16, #tpu.memory_space<vmem>>, vector<1x32xbf16>,
    %swap3A_176 = arith.constant 14 : i32
    %swap3A_177 = arith.index_cast %swap3A_176 : i32 to index
    %swap3A_178 = arith.constant 0 : index
    %swap3A_179 = tpu.vector_load %arg9[%swap3A_177, %swap3A_178] {strides = array<i32>} : memref<16x64xbf16, #tpu.memory_space<vmem>>, vector<1x32xbf16>,
    %swap3A_180 = vector.shape_cast %swap3A_179 : vector<1x32xbf16> to vector<32xbf16>
    %swap3A_181 = vector.shape_cast %broadcast_in_dim3A_8 : vector<32xbf16> to vector<1x32xbf16>
    tpu.vector_store %arg9[%swap3A_177, %swap3A_178], %swap3A_181 {strides = array<i32>} : memref<16x64xbf16, #tpu.memory_space<vmem>>, vector<1x32xbf16>,
    %swap3A_182 = arith.constant 14 : i32
    %swap3A_183 = arith.index_cast %swap3A_182 : i32 to index
    %swap3A_184 = arith.constant 32 : index
    %swap3A_185 = tpu.vector_load %arg9[%swap3A_183, %swap3A_184] {strides = array<i32>} : memref<16x64xbf16, #tpu.memory_space<vmem>>, vector<1x32xbf16>,
    %swap3A_186 = vector.shape_cast %swap3A_185 : vector<1x32xbf16> to vector<32xbf16>
    %swap3A_187 = vector.shape_cast %broadcast_in_dim3A_8 : vector<32xbf16> to vector<1x32xbf16>
    tpu.vector_store %arg9[%swap3A_183, %swap3A_184], %swap3A_187 {strides = array<i32>} : memref<16x64xbf16, #tpu.memory_space<vmem>>, vector<1x32xbf16>,
    %swap3A_188 = arith.constant 15 : i32
    %swap3A_189 = arith.index_cast %swap3A_188 : i32 to index
    %swap3A_190 = arith.constant 0 : index
    %swap3A_191 = tpu.vector_load %arg9[%swap3A_189, %swap3A_190] {strides = array<i32>} : memref<16x64xbf16, #tpu.memory_space<vmem>>, vector<1x32xbf16>,
    %swap3A_192 = vector.shape_cast %swap3A_191 : vector<1x32xbf16> to vector<32xbf16>
    %swap3A_193 = vector.shape_cast %broadcast_in_dim3A_8 : vector<32xbf16> to vector<1x32xbf16>
    tpu.vector_store %arg9[%swap3A_189, %swap3A_190], %swap3A_193 {strides = array<i32>} : memref<16x64xbf16, #tpu.memory_space<vmem>>, vector<1x32xbf16>,
    %swap3A_194 = arith.constant 15 : i32
    %swap3A_195 = arith.index_cast %swap3A_194 : i32 to index
    %swap3A_196 = arith.constant 32 : index
    %swap3A_197 = tpu.vector_load %arg9[%swap3A_195, %swap3A_196] {strides = array<i32>} : memref<16x64xbf16, #tpu.memory_space<vmem>>, vector<1x32xbf16>,
    %swap3A_198 = vector.shape_cast %swap3A_197 : vector<1x32xbf16> to vector<32xbf16>
    %swap3A_199 = vector.shape_cast %broadcast_in_dim3A_8 : vector<32xbf16> to vector<1x32xbf16>
    tpu.vector_store %arg9[%swap3A_195, %swap3A_196], %swap3A_199 {strides = array<i32>} : memref<16x64xbf16, #tpu.memory_space<vmem>>, vector<1x32xbf16>,
    %scan3A = arith.constant 0 : i32
    %scan3A_200 = arith.constant 0 : i32
    %scan3A_201 = arith.constant 39 : i32
    %scan3A_202 = arith.addi %scan3A_200, %scan3A_201 : i32
    %scan3A_203 = arith.constant 1 : i32
    scf.for %scan3A_248 = %scan3A_200 to %scan3A_202 step %scan3A_203  : i32 {
      %mul3A_249 = arith.constant 16 : i32
      %mul3A_250 = arith.muli %scan3A_248, %mul3A_249 : i32
      %add3A_251 = arith.addi %multiple_of3A, %mul3A_250 : i32
      "tpu.region"() ({
        %run_scoped3A_252 = tpu.sem_alloc : memref<!tpu.dma_semaphore, #tpu.memory_space<semaphore_mem>>
        %dma_start3A = arith.constant 0 : i32
        %dma_start3A_253 = tpu.memref_slice %arg10[%add3A_251, %dma_start3A] : memref<10112x64xbf16, #tpu.memory_space<vmem_shared>> -> memref<16x64xbf16, #tpu.memory_space<vmem_shared>>
        %dma_start3A_254 = arith.constant 0 : i32
        %dma_start3A_255 = tpu.memref_slice %arg10[%add3A_251, %dma_start3A_254] : memref<10112x64xbf16, #tpu.memory_space<vmem_shared>> -> memref<16x64xbf16, #tpu.memory_space<vmem_shared>>
        tpu.enqueue_dma source(%arg9 : memref<16x64xbf16, #tpu.memory_space<vmem>>) target(%dma_start3A_255 : memref<16x64xbf16, #tpu.memory_space<vmem_shared>>) target_semaphore(%run_scoped3A_252 : memref<!tpu.dma_semaphore, #tpu.memory_space<semaphore_mem>>)
        %dma_wait3A = arith.constant 0 : i32
        %dma_wait3A_256 = tpu.memref_slice %arg10[%add3A_251, %dma_wait3A] : memref<10112x64xbf16, #tpu.memory_space<vmem_shared>> -> memref<16x64xbf16, #tpu.memory_space<vmem_shared>>
        %dma_wait3A_257 = arith.constant 0 : i32
        %dma_wait3A_258 = tpu.memref_slice %arg10[%add3A_251, %dma_wait3A_257] : memref<10112x64xbf16, #tpu.memory_space<vmem_shared>> -> memref<16x64xbf16, #tpu.memory_space<vmem_shared>>
        tpu.wait_dma2 semaphore(%run_scoped3A_252 : memref<!tpu.dma_semaphore, #tpu.memory_space<semaphore_mem>>) src(%arg9 : memref<16x64xbf16, #tpu.memory_space<vmem>>) dst(%dma_wait3A_258 : memref<16x64xbf16, #tpu.memory_space<vmem_shared>>)
        tpu.yield
      }) : () -> ()
    }
    %scan3A_204 = arith.constant 39 : i32
    %add3A_205 = arith.constant 624 : i32
    %add3A_206 = arith.addi %multiple_of3A, %add3A_205 : i32
    "tpu.region"() ({
      %run_scoped3A_248 = tpu.sem_alloc : memref<!tpu.dma_semaphore, #tpu.memory_space<semaphore_mem>>
      %dma_start3A = arith.constant 0 : i32
      %dma_start3A_249 = arith.constant 0 : i32
      %dma_start3A_250 = tpu.memref_slice %arg9[%dma_start3A, %dma_start3A_249] : memref<16x64xbf16, #tpu.memory_space<vmem>> -> memref<8x64xbf16, #tpu.memory_space<vmem>>
      %dma_start3A_251 = arith.constant 0 : i32
      %dma_start3A_252 = tpu.memref_slice %arg10[%add3A_206, %dma_start3A_251] : memref<10112x64xbf16, #tpu.memory_space<vmem_shared>> -> memref<8x64xbf16, #tpu.memory_space<vmem_shared>>
      %dma_start3A_253 = arith.constant 0 : i32
      %dma_start3A_254 = tpu.memref_slice %arg10[%add3A_206, %dma_start3A_253] : memref<10112x64xbf16, #tpu.memory_space<vmem_shared>> -> memref<8x64xbf16, #tpu.memory_space<vmem_shared>>
      %dma_start3A_255 = arith.constant 0 : i32
      %dma_start3A_256 = arith.constant 0 : i32
      %dma_start3A_257 = tpu.memref_slice %arg9[%dma_start3A_255, %dma_start3A_256] : memref<16x64xbf16, #tpu.memory_space<vmem>> -> memref<8x64xbf16, #tpu.memory_space<vmem>>
      tpu.enqueue_dma source(%dma_start3A_257 : memref<8x64xbf16, #tpu.memory_space<vmem>>) target(%dma_start3A_254 : memref<8x64xbf16, #tpu.memory_space<vmem_shared>>) target_semaphore(%run_scoped3A_248 : memref<!tpu.dma_semaphore, #tpu.memory_space<semaphore_mem>>)
      %dma_wait3A = arith.constant 0 : i32
      %dma_wait3A_258 = arith.constant 0 : i32
      %dma_wait3A_259 = tpu.memref_slice %arg9[%dma_wait3A, %dma_wait3A_258] : memref<16x64xbf16, #tpu.memory_space<vmem>> -> memref<8x64xbf16, #tpu.memory_space<vmem>>
      %dma_wait3A_260 = arith.constant 0 : i32
      %dma_wait3A_261 = tpu.memref_slice %arg10[%add3A_206, %dma_wait3A_260] : memref<10112x64xbf16, #tpu.memory_space<vmem_shared>> -> memref<8x64xbf16, #tpu.memory_space<vmem_shared>>
      %dma_wait3A_262 = arith.constant 0 : i32
      %dma_wait3A_263 = tpu.memref_slice %arg10[%add3A_206, %dma_wait3A_262] : memref<10112x64xbf16, #tpu.memory_space<vmem_shared>> -> memref<8x64xbf16, #tpu.memory_space<vmem_shared>>
      %dma_wait3A_264 = arith.constant 0 : i32
      %dma_wait3A_265 = arith.constant 0 : i32
      %dma_wait3A_266 = tpu.memref_slice %arg9[%dma_wait3A_264, %dma_wait3A_265] : memref<16x64xbf16, #tpu.memory_space<vmem>> -> memref<8x64xbf16, #tpu.memory_space<vmem>>
      tpu.wait_dma2 semaphore(%run_scoped3A_248 : memref<!tpu.dma_semaphore, #tpu.memory_space<semaphore_mem>>) src(%dma_wait3A_266 : memref<8x64xbf16, #tpu.memory_space<vmem>>) dst(%dma_wait3A_263 : memref<8x64xbf16, #tpu.memory_space<vmem_shared>>)
      tpu.yield
    }) : () -> ()
    %barrier3A = arith.constant 0 : index
    tpu.barrier barrier_id(%barrier3A)
    %eq3A_207 = arith.constant 1 : i32
    %eq3A_208 = arith.cmpi eq, %arg0, %eq3A_207 : i32
    %jit3A = arith.constant 120 : i32
    %jit3A_209 = arith.constant 40 : i32
    %select_n3A_210 = arith.select %eq3A_208, %jit3A, %jit3A_209 : i32
    %jit3A_211 = arith.constant 2 : i32
    %div3A = arith.divsi %select_n3A_210, %jit3A_211 : i32
    %sign3A = arith.constant 0 : i32
    %sign3A_212 = arith.cmpi sgt, %select_n3A_210, %sign3A : i32
    %sign3A_213 = arith.extui %sign3A_212 : i1 to i32
    %sign3A_214 = arith.constant 0 : i32
    %sign3A_215 = arith.cmpi slt, %select_n3A_210, %sign3A_214 : i32
    %sign3A_216 = arith.extui %sign3A_215 : i1 to i32
    %sign3A_217 = arith.subi %sign3A_213, %sign3A_216 : i32
    %sign3A_218 = arith.constant 0 : i32
    %sign3A_219 = arith.cmpi sgt, %jit3A_211, %sign3A_218 : i32
    %sign3A_220 = arith.extui %sign3A_219 : i1 to i32
    %sign3A_221 = arith.constant 0 : i32
    %sign3A_222 = arith.cmpi slt, %jit3A_211, %sign3A_221 : i32
    %sign3A_223 = arith.extui %sign3A_222 : i1 to i32
    %sign3A_224 = arith.subi %sign3A_220, %sign3A_223 : i32
    %ne3A = arith.cmpi ne, %sign3A_217, %sign3A_224 : i32
    %rem3A = arith.remsi %select_n3A_210, %jit3A_211 : i32
    %ne3A_225 = arith.constant 0 : i32
    %ne3A_226 = arith.cmpi ne, %rem3A, %ne3A_225 : i32
    %and3A = arith.andi %ne3A, %ne3A_226 : i1
    %sub3A = arith.constant 1 : i32
    %sub3A_227 = arith.subi %div3A, %sub3A : i32
    %select_n3A_228 = arith.select %and3A, %sub3A_227, %div3A : i32
    %while3A = arith.constant 0 : i32
    %while3A_229 = arith.constant 0 : i32
    %while3A_230 = arith.subi %select_n3A_228, %while3A_229 : i32
    %while3A_231 = arith.addi %while3A_229, %while3A_230 : i32
    %while3A_232 = arith.constant 1 : i32
    %while3A_233 = arith.divsi %while3A_230, %while3A_232 : i32
    %while3A_234 = arith.muli %while3A_233, %while3A_232 : i32
    %while3A_235 = arith.addi %while3A_229, %while3A_234 : i32
    %while3A_236 = arith.constant 1 : i32
    scf.for %while3A_248 = %while3A_229 to %while3A_235 step %while3A_236  : i32 {
      %mul3A_249 = arith.constant 2 : i32
      %mul3A_250 = arith.muli %mul3A_249, %while3A_248 : i32
      %add3A_251 = arith.constant 1 : i32
      %add3A_252 = arith.addi %mul3A_250, %add3A_251 : i32
      %dma_start3A = arith.constant 0 : i32
      %dma_start3A_253 = arith.constant 0 : i32
      %dma_start3A_254 = arith.constant 0 : i32
      %dma_start3A_255 = tpu.memref_slice %arg8[%dma_start3A, %dma_start3A_253, %dma_start3A_254] : memref<2x128x64xbf16, #tpu.memory_space<vmem>> -> memref<1x128x64xbf16, #tpu.memory_space<vmem>>
      %dma_start3A_256 = tpu.memref_squeeze %dma_start3A_255 : memref<1x128x64xbf16, #tpu.memory_space<vmem>> -> memref<128x64xbf16, #tpu.memory_space<vmem>>
      %dma_start3A_257 = arith.constant 0 : i32
      %dma_start3A_258 = tpu.memref_slice %arg6[%mul3A_250, %dma_start3A_257] : memref<120x128xi32, #tpu.memory_space<vmem>> -> memref<1x128xi32, #tpu.memory_space<vmem>>
      %dma_start3A_259 = tpu.memref_squeeze %dma_start3A_258 : memref<1x128xi32, #tpu.memory_space<vmem>> -> memref<128xi32, #tpu.memory_space<vmem>>
      %dma_start3A_260 = arith.constant 0 : i32
      %dma_start3A_261 = arith.constant 0 : i32
      %dma_start3A_262 = tpu.memref_slice %arg2[%dma_start3A_260, %dma_start3A_261] : memref<10000x64xbf16, #tpu.memory_space<hbm>> -> memref<10000x64xbf16, #tpu.memory_space<hbm>>
      tpu.enqueue_indirect_dma source(%dma_start3A_262 : memref<10000x64xbf16, #tpu.memory_space<hbm>>) target(%dma_start3A_256 : memref<128x64xbf16, #tpu.memory_space<vmem>>) offsets(%dma_start3A_259 : memref<128xi32, #tpu.memory_space<vmem>>) semaphore(%arg11 : memref<!tpu.dma_semaphore, #tpu.memory_space<semaphore_mem>>)
      %dma_start3A_263 = arith.constant 1 : i32
      %dma_start3A_264 = arith.constant 0 : i32
      %dma_start3A_265 = arith.constant 0 : i32
      %dma_start3A_266 = tpu.memref_slice %arg8[%dma_start3A_263, %dma_start3A_264, %dma_start3A_265] : memref<2x128x64xbf16, #tpu.memory_space<vmem>> -> memref<1x128x64xbf16, #tpu.memory_space<vmem>>
      %dma_start3A_267 = tpu.memref_squeeze %dma_start3A_266 : memref<1x128x64xbf16, #tpu.memory_space<vmem>> -> memref<128x64xbf16, #tpu.memory_space<vmem>>
      %dma_start3A_268 = arith.constant 0 : i32
      %dma_start3A_269 = tpu.memref_slice %arg6[%add3A_252, %dma_start3A_268] : memref<120x128xi32, #tpu.memory_space<vmem>> -> memref<1x128xi32, #tpu.memory_space<vmem>>
      %dma_start3A_270 = tpu.memref_squeeze %dma_start3A_269 : memref<1x128xi32, #tpu.memory_space<vmem>> -> memref<128xi32, #tpu.memory_space<vmem>>
      %dma_start3A_271 = arith.constant 0 : i32
      %dma_start3A_272 = arith.constant 0 : i32
      %dma_start3A_273 = tpu.memref_slice %arg2[%dma_start3A_271, %dma_start3A_272] : memref<10000x64xbf16, #tpu.memory_space<hbm>> -> memref<10000x64xbf16, #tpu.memory_space<hbm>>
      tpu.enqueue_indirect_dma source(%dma_start3A_273 : memref<10000x64xbf16, #tpu.memory_space<hbm>>) target(%dma_start3A_267 : memref<128x64xbf16, #tpu.memory_space<vmem>>) offsets(%dma_start3A_270 : memref<128xi32, #tpu.memory_space<vmem>>) semaphore(%arg12 : memref<!tpu.dma_semaphore, #tpu.memory_space<semaphore_mem>>)
      %dma_wait3A = arith.constant 0 : i32
      %dma_wait3A_274 = arith.constant 0 : i32
      %dma_wait3A_275 = arith.constant 0 : i32
      %dma_wait3A_276 = tpu.memref_slice %arg8[%dma_wait3A, %dma_wait3A_274, %dma_wait3A_275] : memref<2x128x64xbf16, #tpu.memory_space<vmem>> -> memref<1x128x64xbf16, #tpu.memory_space<vmem>>
      %dma_wait3A_277 = tpu.memref_squeeze %dma_wait3A_276 : memref<1x128x64xbf16, #tpu.memory_space<vmem>> -> memref<128x64xbf16, #tpu.memory_space<vmem>>
      %dma_wait3A_278 = arith.constant 0 : i32
      %dma_wait3A_279 = tpu.memref_slice %arg6[%mul3A_250, %dma_wait3A_278] : memref<120x128xi32, #tpu.memory_space<vmem>> -> memref<1x128xi32, #tpu.memory_space<vmem>>
      %dma_wait3A_280 = tpu.memref_squeeze %dma_wait3A_279 : memref<1x128xi32, #tpu.memory_space<vmem>> -> memref<128xi32, #tpu.memory_space<vmem>>
      %dma_wait3A_281 = arith.constant 0 : i32
      %dma_wait3A_282 = arith.constant 0 : i32
      %dma_wait3A_283 = tpu.memref_slice %arg2[%dma_wait3A_281, %dma_wait3A_282] : memref<10000x64xbf16, #tpu.memory_space<hbm>> -> memref<10000x64xbf16, #tpu.memory_space<hbm>>
      tpu.wait_indirect_dma semaphore(%arg11 : memref<!tpu.dma_semaphore, #tpu.memory_space<semaphore_mem>>) src(%dma_wait3A_283 : memref<10000x64xbf16, #tpu.memory_space<hbm>>) dst(%dma_wait3A_277 : memref<128x64xbf16, #tpu.memory_space<vmem>>)
      %run_scoped3A_284 = arith.constant 0 : i32
      "tpu.region"() ({
        %run_scoped3A_297 = tpu.sem_alloc : memref<!tpu.dma_semaphore, #tpu.memory_space<semaphore_mem>>
        %dma_start3A_298 = arith.constant 0 : i32
        %dma_start3A_299 = arith.constant 0 : i32
        %dma_start3A_300 = tpu.memref_slice %arg8[%run_scoped3A_284, %dma_start3A_298, %dma_start3A_299] : memref<2x128x64xbf16, #tpu.memory_space<vmem>> -> memref<1x128x64xbf16, #tpu.memory_space<vmem>>
        %dma_start3A_301 = tpu.memref_squeeze %dma_start3A_300 : memref<1x128x64xbf16, #tpu.memory_space<vmem>> -> memref<128x64xbf16, #tpu.memory_space<vmem>>
        %dma_start3A_302 = arith.constant 0 : i32
        %dma_start3A_303 = tpu.memref_slice %arg7[%mul3A_250, %dma_start3A_302] : memref<120x128xi32, #tpu.memory_space<vmem>> -> memref<1x128xi32, #tpu.memory_space<vmem>>
        %dma_start3A_304 = tpu.memref_squeeze %dma_start3A_303 : memref<1x128xi32, #tpu.memory_space<vmem>> -> memref<128xi32, #tpu.memory_space<vmem>>
        %dma_start3A_305 = arith.constant 0 : i32
        %dma_start3A_306 = arith.constant 0 : i32
        %dma_start3A_307 = tpu.memref_slice %arg10[%dma_start3A_305, %dma_start3A_306] : memref<10112x64xbf16, #tpu.memory_space<vmem_shared>> -> memref<10112x64xbf16, #tpu.memory_space<vmem_shared>>
        tpu.enqueue_indirect_dma source(%dma_start3A_301 : memref<128x64xbf16, #tpu.memory_space<vmem>>) target(%dma_start3A_307 : memref<10112x64xbf16, #tpu.memory_space<vmem_shared>>) offsets(%dma_start3A_304 : memref<128xi32, #tpu.memory_space<vmem>>) semaphore(%run_scoped3A_297 : memref<!tpu.dma_semaphore, #tpu.memory_space<semaphore_mem>>) {add = true}
        %dma_wait3A_308 = arith.constant 0 : i32
        %dma_wait3A_309 = arith.constant 0 : i32
        %dma_wait3A_310 = tpu.memref_slice %arg8[%run_scoped3A_284, %dma_wait3A_308, %dma_wait3A_309] : memref<2x128x64xbf16, #tpu.memory_space<vmem>> -> memref<1x128x64xbf16, #tpu.memory_space<vmem>>
        %dma_wait3A_311 = tpu.memref_squeeze %dma_wait3A_310 : memref<1x128x64xbf16, #tpu.memory_space<vmem>> -> memref<128x64xbf16, #tpu.memory_space<vmem>>
        %dma_wait3A_312 = arith.constant 0 : i32
        %dma_wait3A_313 = tpu.memref_slice %arg7[%mul3A_250, %dma_wait3A_312] : memref<120x128xi32, #tpu.memory_space<vmem>> -> memref<1x128xi32, #tpu.memory_space<vmem>>
        %dma_wait3A_314 = tpu.memref_squeeze %dma_wait3A_313 : memref<1x128xi32, #tpu.memory_space<vmem>> -> memref<128xi32, #tpu.memory_space<vmem>>
        %dma_wait3A_315 = arith.constant 0 : i32
        %dma_wait3A_316 = arith.constant 0 : i32
        %dma_wait3A_317 = tpu.memref_slice %arg10[%dma_wait3A_315, %dma_wait3A_316] : memref<10112x64xbf16, #tpu.memory_space<vmem_shared>> -> memref<10112x64xbf16, #tpu.memory_space<vmem_shared>>
        tpu.wait_indirect_dma semaphore(%run_scoped3A_297 : memref<!tpu.dma_semaphore, #tpu.memory_space<semaphore_mem>>) src(%dma_wait3A_311 : memref<128x64xbf16, #tpu.memory_space<vmem>>) dst(%dma_wait3A_317 : memref<10112x64xbf16, #tpu.memory_space<vmem_shared>>)
        tpu.yield
      }) : () -> ()
      %dma_wait3A_285 = arith.constant 1 : i32
      %dma_wait3A_286 = arith.constant 0 : i32
      %dma_wait3A_287 = arith.constant 0 : i32
      %dma_wait3A_288 = tpu.memref_slice %arg8[%dma_wait3A_285, %dma_wait3A_286, %dma_wait3A_287] : memref<2x128x64xbf16, #tpu.memory_space<vmem>> -> memref<1x128x64xbf16, #tpu.memory_space<vmem>>
      %dma_wait3A_289 = tpu.memref_squeeze %dma_wait3A_288 : memref<1x128x64xbf16, #tpu.memory_space<vmem>> -> memref<128x64xbf16, #tpu.memory_space<vmem>>
      %dma_wait3A_290 = arith.constant 0 : i32
      %dma_wait3A_291 = tpu.memref_slice %arg6[%add3A_252, %dma_wait3A_290] : memref<120x128xi32, #tpu.memory_space<vmem>> -> memref<1x128xi32, #tpu.memory_space<vmem>>
      %dma_wait3A_292 = tpu.memref_squeeze %dma_wait3A_291 : memref<1x128xi32, #tpu.memory_space<vmem>> -> memref<128xi32, #tpu.memory_space<vmem>>
      %dma_wait3A_293 = arith.constant 0 : i32
      %dma_wait3A_294 = arith.constant 0 : i32
      %dma_wait3A_295 = tpu.memref_slice %arg2[%dma_wait3A_293, %dma_wait3A_294] : memref<10000x64xbf16, #tpu.memory_space<hbm>> -> memref<10000x64xbf16, #tpu.memory_space<hbm>>
      tpu.wait_indirect_dma semaphore(%arg12 : memref<!tpu.dma_semaphore, #tpu.memory_space<semaphore_mem>>) src(%dma_wait3A_295 : memref<10000x64xbf16, #tpu.memory_space<hbm>>) dst(%dma_wait3A_289 : memref<128x64xbf16, #tpu.memory_space<vmem>>)
      %run_scoped3A_296 = arith.constant 1 : i32
      "tpu.region"() ({
        %run_scoped3A_297 = tpu.sem_alloc : memref<!tpu.dma_semaphore, #tpu.memory_space<semaphore_mem>>
        %dma_start3A_298 = arith.constant 0 : i32
        %dma_start3A_299 = arith.constant 0 : i32
        %dma_start3A_300 = tpu.memref_slice %arg8[%run_scoped3A_296, %dma_start3A_298, %dma_start3A_299] : memref<2x128x64xbf16, #tpu.memory_space<vmem>> -> memref<1x128x64xbf16, #tpu.memory_space<vmem>>
        %dma_start3A_301 = tpu.memref_squeeze %dma_start3A_300 : memref<1x128x64xbf16, #tpu.memory_space<vmem>> -> memref<128x64xbf16, #tpu.memory_space<vmem>>
        %dma_start3A_302 = arith.constant 0 : i32
        %dma_start3A_303 = tpu.memref_slice %arg7[%add3A_252, %dma_start3A_302] : memref<120x128xi32, #tpu.memory_space<vmem>> -> memref<1x128xi32, #tpu.memory_space<vmem>>
        %dma_start3A_304 = tpu.memref_squeeze %dma_start3A_303 : memref<1x128xi32, #tpu.memory_space<vmem>> -> memref<128xi32, #tpu.memory_space<vmem>>
        %dma_start3A_305 = arith.constant 0 : i32
        %dma_start3A_306 = arith.constant 0 : i32
        %dma_start3A_307 = tpu.memref_slice %arg10[%dma_start3A_305, %dma_start3A_306] : memref<10112x64xbf16, #tpu.memory_space<vmem_shared>> -> memref<10112x64xbf16, #tpu.memory_space<vmem_shared>>
        tpu.enqueue_indirect_dma source(%dma_start3A_301 : memref<128x64xbf16, #tpu.memory_space<vmem>>) target(%dma_start3A_307 : memref<10112x64xbf16, #tpu.memory_space<vmem_shared>>) offsets(%dma_start3A_304 : memref<128xi32, #tpu.memory_space<vmem>>) semaphore(%run_scoped3A_297 : memref<!tpu.dma_semaphore, #tpu.memory_space<semaphore_mem>>) {add = true}
        %dma_wait3A_308 = arith.constant 0 : i32
        %dma_wait3A_309 = arith.constant 0 : i32
        %dma_wait3A_310 = tpu.memref_slice %arg8[%run_scoped3A_296, %dma_wait3A_308, %dma_wait3A_309] : memref<2x128x64xbf16, #tpu.memory_space<vmem>> -> memref<1x128x64xbf16, #tpu.memory_space<vmem>>
        %dma_wait3A_311 = tpu.memref_squeeze %dma_wait3A_310 : memref<1x128x64xbf16, #tpu.memory_space<vmem>> -> memref<128x64xbf16, #tpu.memory_space<vmem>>
        %dma_wait3A_312 = arith.constant 0 : i32
        %dma_wait3A_313 = tpu.memref_slice %arg7[%add3A_252, %dma_wait3A_312] : memref<120x128xi32, #tpu.memory_space<vmem>> -> memref<1x128xi32, #tpu.memory_space<vmem>>
        %dma_wait3A_314 = tpu.memref_squeeze %dma_wait3A_313 : memref<1x128xi32, #tpu.memory_space<vmem>> -> memref<128xi32, #tpu.memory_space<vmem>>
        %dma_wait3A_315 = arith.constant 0 : i32
        %dma_wait3A_316 = arith.constant 0 : i32
        %dma_wait3A_317 = tpu.memref_slice %arg10[%dma_wait3A_315, %dma_wait3A_316] : memref<10112x64xbf16, #tpu.memory_space<vmem_shared>> -> memref<10112x64xbf16, #tpu.memory_space<vmem_shared>>
        tpu.wait_indirect_dma semaphore(%run_scoped3A_297 : memref<!tpu.dma_semaphore, #tpu.memory_space<semaphore_mem>>) src(%dma_wait3A_311 : memref<128x64xbf16, #tpu.memory_space<vmem>>) dst(%dma_wait3A_317 : memref<10112x64xbf16, #tpu.memory_space<vmem_shared>>)
        tpu.yield
      }) : () -> ()
    }
    %while3A_237 = arith.constant 1 : i32
    scf.for %while3A_248 = %while3A_235 to %while3A_231 step %while3A_237  : i32 {
      %mul3A_249 = arith.constant 2 : i32
      %mul3A_250 = arith.muli %mul3A_249, %while3A_248 : i32
      %add3A_251 = arith.constant 1 : i32
      %add3A_252 = arith.addi %mul3A_250, %add3A_251 : i32
      %dma_start3A = arith.constant 0 : i32
      %dma_start3A_253 = arith.constant 0 : i32
      %dma_start3A_254 = arith.constant 0 : i32
      %dma_start3A_255 = tpu.memref_slice %arg8[%dma_start3A, %dma_start3A_253, %dma_start3A_254] : memref<2x128x64xbf16, #tpu.memory_space<vmem>> -> memref<1x128x64xbf16, #tpu.memory_space<vmem>>
      %dma_start3A_256 = tpu.memref_squeeze %dma_start3A_255 : memref<1x128x64xbf16, #tpu.memory_space<vmem>> -> memref<128x64xbf16, #tpu.memory_space<vmem>>
      %dma_start3A_257 = arith.constant 0 : i32
      %dma_start3A_258 = tpu.memref_slice %arg6[%mul3A_250, %dma_start3A_257] : memref<120x128xi32, #tpu.memory_space<vmem>> -> memref<1x128xi32, #tpu.memory_space<vmem>>
      %dma_start3A_259 = tpu.memref_squeeze %dma_start3A_258 : memref<1x128xi32, #tpu.memory_space<vmem>> -> memref<128xi32, #tpu.memory_space<vmem>>
      %dma_start3A_260 = arith.constant 0 : i32
      %dma_start3A_261 = arith.constant 0 : i32
      %dma_start3A_262 = tpu.memref_slice %arg2[%dma_start3A_260, %dma_start3A_261] : memref<10000x64xbf16, #tpu.memory_space<hbm>> -> memref<10000x64xbf16, #tpu.memory_space<hbm>>
      tpu.enqueue_indirect_dma source(%dma_start3A_262 : memref<10000x64xbf16, #tpu.memory_space<hbm>>) target(%dma_start3A_256 : memref<128x64xbf16, #tpu.memory_space<vmem>>) offsets(%dma_start3A_259 : memref<128xi32, #tpu.memory_space<vmem>>) semaphore(%arg11 : memref<!tpu.dma_semaphore, #tpu.memory_space<semaphore_mem>>)
      %dma_start3A_263 = arith.constant 1 : i32
      %dma_start3A_264 = arith.constant 0 : i32
      %dma_start3A_265 = arith.constant 0 : i32
      %dma_start3A_266 = tpu.memref_slice %arg8[%dma_start3A_263, %dma_start3A_264, %dma_start3A_265] : memref<2x128x64xbf16, #tpu.memory_space<vmem>> -> memref<1x128x64xbf16, #tpu.memory_space<vmem>>
      %dma_start3A_267 = tpu.memref_squeeze %dma_start3A_266 : memref<1x128x64xbf16, #tpu.memory_space<vmem>> -> memref<128x64xbf16, #tpu.memory_space<vmem>>
      %dma_start3A_268 = arith.constant 0 : i32
      %dma_start3A_269 = tpu.memref_slice %arg6[%add3A_252, %dma_start3A_268] : memref<120x128xi32, #tpu.memory_space<vmem>> -> memref<1x128xi32, #tpu.memory_space<vmem>>
      %dma_start3A_270 = tpu.memref_squeeze %dma_start3A_269 : memref<1x128xi32, #tpu.memory_space<vmem>> -> memref<128xi32, #tpu.memory_space<vmem>>
      %dma_start3A_271 = arith.constant 0 : i32
      %dma_start3A_272 = arith.constant 0 : i32
      %dma_start3A_273 = tpu.memref_slice %arg2[%dma_start3A_271, %dma_start3A_272] : memref<10000x64xbf16, #tpu.memory_space<hbm>> -> memref<10000x64xbf16, #tpu.memory_space<hbm>>
      tpu.enqueue_indirect_dma source(%dma_start3A_273 : memref<10000x64xbf16, #tpu.memory_space<hbm>>) target(%dma_start3A_267 : memref<128x64xbf16, #tpu.memory_space<vmem>>) offsets(%dma_start3A_270 : memref<128xi32, #tpu.memory_space<vmem>>) semaphore(%arg12 : memref<!tpu.dma_semaphore, #tpu.memory_space<semaphore_mem>>)
      %dma_wait3A = arith.constant 0 : i32
      %dma_wait3A_274 = arith.constant 0 : i32
      %dma_wait3A_275 = arith.constant 0 : i32
      %dma_wait3A_276 = tpu.memref_slice %arg8[%dma_wait3A, %dma_wait3A_274, %dma_wait3A_275] : memref<2x128x64xbf16, #tpu.memory_space<vmem>> -> memref<1x128x64xbf16, #tpu.memory_space<vmem>>
      %dma_wait3A_277 = tpu.memref_squeeze %dma_wait3A_276 : memref<1x128x64xbf16, #tpu.memory_space<vmem>> -> memref<128x64xbf16, #tpu.memory_space<vmem>>
      %dma_wait3A_278 = arith.constant 0 : i32
      %dma_wait3A_279 = tpu.memref_slice %arg6[%mul3A_250, %dma_wait3A_278] : memref<120x128xi32, #tpu.memory_space<vmem>> -> memref<1x128xi32, #tpu.memory_space<vmem>>
      %dma_wait3A_280 = tpu.memref_squeeze %dma_wait3A_279 : memref<1x128xi32, #tpu.memory_space<vmem>> -> memref<128xi32, #tpu.memory_space<vmem>>
      %dma_wait3A_281 = arith.constant 0 : i32
      %dma_wait3A_282 = arith.constant 0 : i32
      %dma_wait3A_283 = tpu.memref_slice %arg2[%dma_wait3A_281, %dma_wait3A_282] : memref<10000x64xbf16, #tpu.memory_space<hbm>> -> memref<10000x64xbf16, #tpu.memory_space<hbm>>
      tpu.wait_indirect_dma semaphore(%arg11 : memref<!tpu.dma_semaphore, #tpu.memory_space<semaphore_mem>>) src(%dma_wait3A_283 : memref<10000x64xbf16, #tpu.memory_space<hbm>>) dst(%dma_wait3A_277 : memref<128x64xbf16, #tpu.memory_space<vmem>>)
      %run_scoped3A_284 = arith.constant 0 : i32
      "tpu.region"() ({
        %run_scoped3A_297 = tpu.sem_alloc : memref<!tpu.dma_semaphore, #tpu.memory_space<semaphore_mem>>
        %dma_start3A_298 = arith.constant 0 : i32
        %dma_start3A_299 = arith.constant 0 : i32
        %dma_start3A_300 = tpu.memref_slice %arg8[%run_scoped3A_284, %dma_start3A_298, %dma_start3A_299] : memref<2x128x64xbf16, #tpu.memory_space<vmem>> -> memref<1x128x64xbf16, #tpu.memory_space<vmem>>
        %dma_start3A_301 = tpu.memref_squeeze %dma_start3A_300 : memref<1x128x64xbf16, #tpu.memory_space<vmem>> -> memref<128x64xbf16, #tpu.memory_space<vmem>>
        %dma_start3A_302 = arith.constant 0 : i32
        %dma_start3A_303 = tpu.memref_slice %arg7[%mul3A_250, %dma_start3A_302] : memref<120x128xi32, #tpu.memory_space<vmem>> -> memref<1x128xi32, #tpu.memory_space<vmem>>
        %dma_start3A_304 = tpu.memref_squeeze %dma_start3A_303 : memref<1x128xi32, #tpu.memory_space<vmem>> -> memref<128xi32, #tpu.memory_space<vmem>>
        %dma_start3A_305 = arith.constant 0 : i32
        %dma_start3A_306 = arith.constant 0 : i32
        %dma_start3A_307 = tpu.memref_slice %arg10[%dma_start3A_305, %dma_start3A_306] : memref<10112x64xbf16, #tpu.memory_space<vmem_shared>> -> memref<10112x64xbf16, #tpu.memory_space<vmem_shared>>
        tpu.enqueue_indirect_dma source(%dma_start3A_301 : memref<128x64xbf16, #tpu.memory_space<vmem>>) target(%dma_start3A_307 : memref<10112x64xbf16, #tpu.memory_space<vmem_shared>>) offsets(%dma_start3A_304 : memref<128xi32, #tpu.memory_space<vmem>>) semaphore(%run_scoped3A_297 : memref<!tpu.dma_semaphore, #tpu.memory_space<semaphore_mem>>) {add = true}
        %dma_wait3A_308 = arith.constant 0 : i32
        %dma_wait3A_309 = arith.constant 0 : i32
        %dma_wait3A_310 = tpu.memref_slice %arg8[%run_scoped3A_284, %dma_wait3A_308, %dma_wait3A_309] : memref<2x128x64xbf16, #tpu.memory_space<vmem>> -> memref<1x128x64xbf16, #tpu.memory_space<vmem>>
        %dma_wait3A_311 = tpu.memref_squeeze %dma_wait3A_310 : memref<1x128x64xbf16, #tpu.memory_space<vmem>> -> memref<128x64xbf16, #tpu.memory_space<vmem>>
        %dma_wait3A_312 = arith.constant 0 : i32
        %dma_wait3A_313 = tpu.memref_slice %arg7[%mul3A_250, %dma_wait3A_312] : memref<120x128xi32, #tpu.memory_space<vmem>> -> memref<1x128xi32, #tpu.memory_space<vmem>>
        %dma_wait3A_314 = tpu.memref_squeeze %dma_wait3A_313 : memref<1x128xi32, #tpu.memory_space<vmem>> -> memref<128xi32, #tpu.memory_space<vmem>>
        %dma_wait3A_315 = arith.constant 0 : i32
        %dma_wait3A_316 = arith.constant 0 : i32
        %dma_wait3A_317 = tpu.memref_slice %arg10[%dma_wait3A_315, %dma_wait3A_316] : memref<10112x64xbf16, #tpu.memory_space<vmem_shared>> -> memref<10112x64xbf16, #tpu.memory_space<vmem_shared>>
        tpu.wait_indirect_dma semaphore(%run_scoped3A_297 : memref<!tpu.dma_semaphore, #tpu.memory_space<semaphore_mem>>) src(%dma_wait3A_311 : memref<128x64xbf16, #tpu.memory_space<vmem>>) dst(%dma_wait3A_317 : memref<10112x64xbf16, #tpu.memory_space<vmem_shared>>)
        tpu.yield
      }) : () -> ()
      %dma_wait3A_285 = arith.constant 1 : i32
      %dma_wait3A_286 = arith.constant 0 : i32
      %dma_wait3A_287 = arith.constant 0 : i32
      %dma_wait3A_288 = tpu.memref_slice %arg8[%dma_wait3A_285, %dma_wait3A_286, %dma_wait3A_287] : memref<2x128x64xbf16, #tpu.memory_space<vmem>> -> memref<1x128x64xbf16, #tpu.memory_space<vmem>>
      %dma_wait3A_289 = tpu.memref_squeeze %dma_wait3A_288 : memref<1x128x64xbf16, #tpu.memory_space<vmem>> -> memref<128x64xbf16, #tpu.memory_space<vmem>>
      %dma_wait3A_290 = arith.constant 0 : i32
      %dma_wait3A_291 = tpu.memref_slice %arg6[%add3A_252, %dma_wait3A_290] : memref<120x128xi32, #tpu.memory_space<vmem>> -> memref<1x128xi32, #tpu.memory_space<vmem>>
      %dma_wait3A_292 = tpu.memref_squeeze %dma_wait3A_291 : memref<1x128xi32, #tpu.memory_space<vmem>> -> memref<128xi32, #tpu.memory_space<vmem>>
      %dma_wait3A_293 = arith.constant 0 : i32
      %dma_wait3A_294 = arith.constant 0 : i32
      %dma_wait3A_295 = tpu.memref_slice %arg2[%dma_wait3A_293, %dma_wait3A_294] : memref<10000x64xbf16, #tpu.memory_space<hbm>> -> memref<10000x64xbf16, #tpu.memory_space<hbm>>
      tpu.wait_indirect_dma semaphore(%arg12 : memref<!tpu.dma_semaphore, #tpu.memory_space<semaphore_mem>>) src(%dma_wait3A_295 : memref<10000x64xbf16, #tpu.memory_space<hbm>>) dst(%dma_wait3A_289 : memref<128x64xbf16, #tpu.memory_space<vmem>>)
      %run_scoped3A_296 = arith.constant 1 : i32
      "tpu.region"() ({
        %run_scoped3A_297 = tpu.sem_alloc : memref<!tpu.dma_semaphore, #tpu.memory_space<semaphore_mem>>
        %dma_start3A_298 = arith.constant 0 : i32
        %dma_start3A_299 = arith.constant 0 : i32
        %dma_start3A_300 = tpu.memref_slice %arg8[%run_scoped3A_296, %dma_start3A_298, %dma_start3A_299] : memref<2x128x64xbf16, #tpu.memory_space<vmem>> -> memref<1x128x64xbf16, #tpu.memory_space<vmem>>
        %dma_start3A_301 = tpu.memref_squeeze %dma_start3A_300 : memref<1x128x64xbf16, #tpu.memory_space<vmem>> -> memref<128x64xbf16, #tpu.memory_space<vmem>>
        %dma_start3A_302 = arith.constant 0 : i32
        %dma_start3A_303 = tpu.memref_slice %arg7[%add3A_252, %dma_start3A_302] : memref<120x128xi32, #tpu.memory_space<vmem>> -> memref<1x128xi32, #tpu.memory_space<vmem>>
        %dma_start3A_304 = tpu.memref_squeeze %dma_start3A_303 : memref<1x128xi32, #tpu.memory_space<vmem>> -> memref<128xi32, #tpu.memory_space<vmem>>
        %dma_start3A_305 = arith.constant 0 : i32
        %dma_start3A_306 = arith.constant 0 : i32
        %dma_start3A_307 = tpu.memref_slice %arg10[%dma_start3A_305, %dma_start3A_306] : memref<10112x64xbf16, #tpu.memory_space<vmem_shared>> -> memref<10112x64xbf16, #tpu.memory_space<vmem_shared>>
        tpu.enqueue_indirect_dma source(%dma_start3A_301 : memref<128x64xbf16, #tpu.memory_space<vmem>>) target(%dma_start3A_307 : memref<10112x64xbf16, #tpu.memory_space<vmem_shared>>) offsets(%dma_start3A_304 : memref<128xi32, #tpu.memory_space<vmem>>) semaphore(%run_scoped3A_297 : memref<!tpu.dma_semaphore, #tpu.memory_space<semaphore_mem>>) {add = true}
        %dma_wait3A_308 = arith.constant 0 : i32
        %dma_wait3A_309 = arith.constant 0 : i32
        %dma_wait3A_310 = tpu.memref_slice %arg8[%run_scoped3A_296, %dma_wait3A_308, %dma_wait3A_309] : memref<2x128x64xbf16, #tpu.memory_space<vmem>> -> memref<1x128x64xbf16, #tpu.memory_space<vmem>>
        %dma_wait3A_311 = tpu.memref_squeeze %dma_wait3A_310 : memref<1x128x64xbf16, #tpu.memory_space<vmem>> -> memref<128x64xbf16, #tpu.memory_space<vmem>>
        %dma_wait3A_312 = arith.constant 0 : i32
        %dma_wait3A_313 = tpu.memref_slice %arg7[%add3A_252, %dma_wait3A_312] : memref<120x128xi32, #tpu.memory_space<vmem>> -> memref<1x128xi32, #tpu.memory_space<vmem>>
        %dma_wait3A_314 = tpu.memref_squeeze %dma_wait3A_313 : memref<1x128xi32, #tpu.memory_space<vmem>> -> memref<128xi32, #tpu.memory_space<vmem>>
        %dma_wait3A_315 = arith.constant 0 : i32
        %dma_wait3A_316 = arith.constant 0 : i32
        %dma_wait3A_317 = tpu.memref_slice %arg10[%dma_wait3A_315, %dma_wait3A_316] : memref<10112x64xbf16, #tpu.memory_space<vmem_shared>> -> memref<10112x64xbf16, #tpu.memory_space<vmem_shared>>
        tpu.wait_indirect_dma semaphore(%run_scoped3A_297 : memref<!tpu.dma_semaphore, #tpu.memory_space<semaphore_mem>>) src(%dma_wait3A_311 : memref<128x64xbf16, #tpu.memory_space<vmem>>) dst(%dma_wait3A_317 : memref<10112x64xbf16, #tpu.memory_space<vmem_shared>>)
        tpu.yield
      }) : () -> ()
    }
    %barrier3A_238 = arith.constant 0 : index
    tpu.barrier barrier_id(%barrier3A_238)
    %scan3A_239 = arith.constant 0 : i32
    %scan3A_240 = arith.constant 0 : i32
    %scan3A_241 = arith.constant 4 : i32
    %scan3A_242 = arith.addi %scan3A_240, %scan3A_241 : i32
    %scan3A_243 = arith.constant 1 : i32
    scf.for %scan3A_248 = %scan3A_240 to %scan3A_242 step %scan3A_243  : i32 {
      %mul3A_249 = arith.constant 128 : i32
      %mul3A_250 = arith.muli %scan3A_248, %mul3A_249 : i32
      %add3A_251 = arith.addi %multiple_of3A, %mul3A_250 : i32
      %run_scoped3A_252 = arith.constant 0 : i32
      "tpu.region"() ({
        %run_scoped3A_257 = tpu.sem_alloc : memref<!tpu.dma_semaphore, #tpu.memory_space<semaphore_mem>>
        %dma_start3A = arith.constant 0 : i32
        %dma_start3A_258 = arith.constant 0 : i32
        %dma_start3A_259 = tpu.memref_slice %arg8[%run_scoped3A_252, %dma_start3A, %dma_start3A_258] : memref<2x128x64xbf16, #tpu.memory_space<vmem>> -> memref<1x128x64xbf16, #tpu.memory_space<vmem>>
        %dma_start3A_260 = tpu.memref_squeeze %dma_start3A_259 : memref<1x128x64xbf16, #tpu.memory_space<vmem>> -> memref<128x64xbf16, #tpu.memory_space<vmem>>
        %dma_start3A_261 = arith.constant 0 : i32
        %dma_start3A_262 = tpu.memref_slice %arg10[%add3A_251, %dma_start3A_261] : memref<10112x64xbf16, #tpu.memory_space<vmem_shared>> -> memref<128x64xbf16, #tpu.memory_space<vmem_shared>>
        %dma_start3A_263 = arith.constant 0 : i32
        %dma_start3A_264 = arith.constant 0 : i32
        %dma_start3A_265 = tpu.memref_slice %arg8[%run_scoped3A_252, %dma_start3A_263, %dma_start3A_264] : memref<2x128x64xbf16, #tpu.memory_space<vmem>> -> memref<1x128x64xbf16, #tpu.memory_space<vmem>>
        %dma_start3A_266 = tpu.memref_squeeze %dma_start3A_265 : memref<1x128x64xbf16, #tpu.memory_space<vmem>> -> memref<128x64xbf16, #tpu.memory_space<vmem>>
        %dma_start3A_267 = arith.constant 0 : i32
        %dma_start3A_268 = tpu.memref_slice %arg10[%add3A_251, %dma_start3A_267] : memref<10112x64xbf16, #tpu.memory_space<vmem_shared>> -> memref<128x64xbf16, #tpu.memory_space<vmem_shared>>
        tpu.enqueue_dma source(%dma_start3A_268 : memref<128x64xbf16, #tpu.memory_space<vmem_shared>>) target(%dma_start3A_266 : memref<128x64xbf16, #tpu.memory_space<vmem>>) target_semaphore(%run_scoped3A_257 : memref<!tpu.dma_semaphore, #tpu.memory_space<semaphore_mem>>)
        %dma_wait3A = arith.constant 0 : i32
        %dma_wait3A_269 = arith.constant 0 : i32
        %dma_wait3A_270 = tpu.memref_slice %arg8[%run_scoped3A_252, %dma_wait3A, %dma_wait3A_269] : memref<2x128x64xbf16, #tpu.memory_space<vmem>> -> memref<1x128x64xbf16, #tpu.memory_space<vmem>>
        %dma_wait3A_271 = tpu.memref_squeeze %dma_wait3A_270 : memref<1x128x64xbf16, #tpu.memory_space<vmem>> -> memref<128x64xbf16, #tpu.memory_space<vmem>>
        %dma_wait3A_272 = arith.constant 0 : i32
        %dma_wait3A_273 = tpu.memref_slice %arg10[%add3A_251, %dma_wait3A_272] : memref<10112x64xbf16, #tpu.memory_space<vmem_shared>> -> memref<128x64xbf16, #tpu.memory_space<vmem_shared>>
        %dma_wait3A_274 = arith.constant 0 : i32
        %dma_wait3A_275 = arith.constant 0 : i32
        %dma_wait3A_276 = tpu.memref_slice %arg8[%run_scoped3A_252, %dma_wait3A_274, %dma_wait3A_275] : memref<2x128x64xbf16, #tpu.memory_space<vmem>> -> memref<1x128x64xbf16, #tpu.memory_space<vmem>>
        %dma_wait3A_277 = tpu.memref_squeeze %dma_wait3A_276 : memref<1x128x64xbf16, #tpu.memory_space<vmem>> -> memref<128x64xbf16, #tpu.memory_space<vmem>>
        %dma_wait3A_278 = arith.constant 0 : i32
        %dma_wait3A_279 = tpu.memref_slice %arg10[%add3A_251, %dma_wait3A_278] : memref<10112x64xbf16, #tpu.memory_space<vmem_shared>> -> memref<128x64xbf16, #tpu.memory_space<vmem_shared>>
        tpu.wait_dma2 semaphore(%run_scoped3A_257 : memref<!tpu.dma_semaphore, #tpu.memory_space<semaphore_mem>>) src(%dma_wait3A_279 : memref<128x64xbf16, #tpu.memory_space<vmem_shared>>) dst(%dma_wait3A_277 : memref<128x64xbf16, #tpu.memory_space<vmem>>)
        tpu.yield
      }) : () -> ()
      %mul3A_253 = arith.constant 128 : i32
      %mul3A_254 = arith.muli %scan3A_248, %mul3A_253 : i32
      %add3A_255 = arith.addi %multiple_of3A, %mul3A_254 : i32
      %run_scoped3A_256 = arith.constant 0 : i32
      "tpu.region"() ({
        %run_scoped3A_257 = tpu.sem_alloc : memref<!tpu.dma_semaphore, #tpu.memory_space<semaphore_mem>>
        %dma_start3A = arith.constant 0 : i32
        %dma_start3A_258 = arith.constant 0 : i32
        %dma_start3A_259 = tpu.memref_slice %arg8[%run_scoped3A_256, %dma_start3A, %dma_start3A_258] : memref<2x128x64xbf16, #tpu.memory_space<vmem>> -> memref<1x128x64xbf16, #tpu.memory_space<vmem>>
        %dma_start3A_260 = tpu.memref_squeeze %dma_start3A_259 : memref<1x128x64xbf16, #tpu.memory_space<vmem>> -> memref<128x64xbf16, #tpu.memory_space<vmem>>
        %dma_start3A_261 = arith.constant 0 : i32
        %dma_start3A_262 = tpu.memref_slice %arg5[%arg0, %add3A_255, %dma_start3A_261] : memref<2x10112x64xbf16, #tpu.memory_space<hbm>> -> memref<1x128x64xbf16, #tpu.memory_space<hbm>>
        %dma_start3A_263 = tpu.memref_squeeze %dma_start3A_262 : memref<1x128x64xbf16, #tpu.memory_space<hbm>> -> memref<128x64xbf16, #tpu.memory_space<hbm>>
        %dma_start3A_264 = arith.constant 0 : i32
        %dma_start3A_265 = tpu.memref_slice %arg5[%arg0, %add3A_255, %dma_start3A_264] : memref<2x10112x64xbf16, #tpu.memory_space<hbm>> -> memref<1x128x64xbf16, #tpu.memory_space<hbm>>
        %dma_start3A_266 = tpu.memref_squeeze %dma_start3A_265 : memref<1x128x64xbf16, #tpu.memory_space<hbm>> -> memref<128x64xbf16, #tpu.memory_space<hbm>>
        %dma_start3A_267 = arith.constant 0 : i32
        %dma_start3A_268 = arith.constant 0 : i32
        %dma_start3A_269 = tpu.memref_slice %arg8[%run_scoped3A_256, %dma_start3A_267, %dma_start3A_268] : memref<2x128x64xbf16, #tpu.memory_space<vmem>> -> memref<1x128x64xbf16, #tpu.memory_space<vmem>>
        %dma_start3A_270 = tpu.memref_squeeze %dma_start3A_269 : memref<1x128x64xbf16, #tpu.memory_space<vmem>> -> memref<128x64xbf16, #tpu.memory_space<vmem>>
        tpu.enqueue_dma source(%dma_start3A_270 : memref<128x64xbf16, #tpu.memory_space<vmem>>) target(%dma_start3A_266 : memref<128x64xbf16, #tpu.memory_space<hbm>>) target_semaphore(%run_scoped3A_257 : memref<!tpu.dma_semaphore, #tpu.memory_space<semaphore_mem>>)
        %dma_wait3A = arith.constant 0 : i32
        %dma_wait3A_271 = arith.constant 0 : i32
        %dma_wait3A_272 = tpu.memref_slice %arg8[%run_scoped3A_256, %dma_wait3A, %dma_wait3A_271] : memref<2x128x64xbf16, #tpu.memory_space<vmem>> -> memref<1x128x64xbf16, #tpu.memory_space<vmem>>
        %dma_wait3A_273 = tpu.memref_squeeze %dma_wait3A_272 : memref<1x128x64xbf16, #tpu.memory_space<vmem>> -> memref<128x64xbf16, #tpu.memory_space<vmem>>
        %dma_wait3A_274 = arith.constant 0 : i32
        %dma_wait3A_275 = tpu.memref_slice %arg5[%arg0, %add3A_255, %dma_wait3A_274] : memref<2x10112x64xbf16, #tpu.memory_space<hbm>> -> memref<1x128x64xbf16, #tpu.memory_space<hbm>>
        %dma_wait3A_276 = tpu.memref_squeeze %dma_wait3A_275 : memref<1x128x64xbf16, #tpu.memory_space<hbm>> -> memref<128x64xbf16, #tpu.memory_space<hbm>>
        %dma_wait3A_277 = arith.constant 0 : i32
        %dma_wait3A_278 = tpu.memref_slice %arg5[%arg0, %add3A_255, %dma_wait3A_277] : memref<2x10112x64xbf16, #tpu.memory_space<hbm>> -> memref<1x128x64xbf16, #tpu.memory_space<hbm>>
        %dma_wait3A_279 = tpu.memref_squeeze %dma_wait3A_278 : memref<1x128x64xbf16, #tpu.memory_space<hbm>> -> memref<128x64xbf16, #tpu.memory_space<hbm>>
        %dma_wait3A_280 = arith.constant 0 : i32
        %dma_wait3A_281 = arith.constant 0 : i32
        %dma_wait3A_282 = tpu.memref_slice %arg8[%run_scoped3A_256, %dma_wait3A_280, %dma_wait3A_281] : memref<2x128x64xbf16, #tpu.memory_space<vmem>> -> memref<1x128x64xbf16, #tpu.memory_space<vmem>>
        %dma_wait3A_283 = tpu.memref_squeeze %dma_wait3A_282 : memref<1x128x64xbf16, #tpu.memory_space<vmem>> -> memref<128x64xbf16, #tpu.memory_space<vmem>>
        tpu.wait_dma2 semaphore(%run_scoped3A_257 : memref<!tpu.dma_semaphore, #tpu.memory_space<semaphore_mem>>) src(%dma_wait3A_283 : memref<128x64xbf16, #tpu.memory_space<vmem>>) dst(%dma_wait3A_279 : memref<128x64xbf16, #tpu.memory_space<hbm>>)
        tpu.yield
      }) : () -> ()
    }
    %scan3A_244 = arith.constant 4 : i32
    %add3A_245 = arith.constant 512 : i32
    %add3A_246 = arith.addi %multiple_of3A, %add3A_245 : i32
    %run_scoped3A = arith.constant 0 : i32
    "tpu.region"() ({
      %run_scoped3A_248 = tpu.sem_alloc : memref<!tpu.dma_semaphore, #tpu.memory_space<semaphore_mem>>
      %dma_start3A = arith.constant 0 : i32
      %dma_start3A_249 = arith.constant 0 : i32
      %dma_start3A_250 = tpu.memref_slice %arg8[%run_scoped3A, %dma_start3A, %dma_start3A_249] : memref<2x128x64xbf16, #tpu.memory_space<vmem>> -> memref<1x120x64xbf16, #tpu.memory_space<vmem>>
      %dma_start3A_251 = tpu.memref_squeeze %dma_start3A_250 : memref<1x120x64xbf16, #tpu.memory_space<vmem>> -> memref<120x64xbf16, #tpu.memory_space<vmem>>
      %dma_start3A_252 = arith.constant 0 : i32
      %dma_start3A_253 = tpu.memref_slice %arg10[%add3A_246, %dma_start3A_252] : memref<10112x64xbf16, #tpu.memory_space<vmem_shared>> -> memref<120x64xbf16, #tpu.memory_space<vmem_shared>>
      %dma_start3A_254 = arith.constant 0 : i32
      %dma_start3A_255 = arith.constant 0 : i32
      %dma_start3A_256 = tpu.memref_slice %arg8[%run_scoped3A, %dma_start3A_254, %dma_start3A_255] : memref<2x128x64xbf16, #tpu.memory_space<vmem>> -> memref<1x120x64xbf16, #tpu.memory_space<vmem>>
      %dma_start3A_257 = tpu.memref_squeeze %dma_start3A_256 : memref<1x120x64xbf16, #tpu.memory_space<vmem>> -> memref<120x64xbf16, #tpu.memory_space<vmem>>
      %dma_start3A_258 = arith.constant 0 : i32
      %dma_start3A_259 = tpu.memref_slice %arg10[%add3A_246, %dma_start3A_258] : memref<10112x64xbf16, #tpu.memory_space<vmem_shared>> -> memref<120x64xbf16, #tpu.memory_space<vmem_shared>>
      tpu.enqueue_dma source(%dma_start3A_259 : memref<120x64xbf16, #tpu.memory_space<vmem_shared>>) target(%dma_start3A_257 : memref<120x64xbf16, #tpu.memory_space<vmem>>) target_semaphore(%run_scoped3A_248 : memref<!tpu.dma_semaphore, #tpu.memory_space<semaphore_mem>>)
      %dma_wait3A = arith.constant 0 : i32
      %dma_wait3A_260 = arith.constant 0 : i32
      %dma_wait3A_261 = tpu.memref_slice %arg8[%run_scoped3A, %dma_wait3A, %dma_wait3A_260] : memref<2x128x64xbf16, #tpu.memory_space<vmem>> -> memref<1x120x64xbf16, #tpu.memory_space<vmem>>
      %dma_wait3A_262 = tpu.memref_squeeze %dma_wait3A_261 : memref<1x120x64xbf16, #tpu.memory_space<vmem>> -> memref<120x64xbf16, #tpu.memory_space<vmem>>
      %dma_wait3A_263 = arith.constant 0 : i32
      %dma_wait3A_264 = tpu.memref_slice %arg10[%add3A_246, %dma_wait3A_263] : memref<10112x64xbf16, #tpu.memory_space<vmem_shared>> -> memref<120x64xbf16, #tpu.memory_space<vmem_shared>>
      %dma_wait3A_265 = arith.constant 0 : i32
      %dma_wait3A_266 = arith.constant 0 : i32
      %dma_wait3A_267 = tpu.memref_slice %arg8[%run_scoped3A, %dma_wait3A_265, %dma_wait3A_266] : memref<2x128x64xbf16, #tpu.memory_space<vmem>> -> memref<1x120x64xbf16, #tpu.memory_space<vmem>>
      %dma_wait3A_268 = tpu.memref_squeeze %dma_wait3A_267 : memref<1x120x64xbf16, #tpu.memory_space<vmem>> -> memref<120x64xbf16, #tpu.memory_space<vmem>>
      %dma_wait3A_269 = arith.constant 0 : i32
      %dma_wait3A_270 = tpu.memref_slice %arg10[%add3A_246, %dma_wait3A_269] : memref<10112x64xbf16, #tpu.memory_space<vmem_shared>> -> memref<120x64xbf16, #tpu.memory_space<vmem_shared>>
      tpu.wait_dma2 semaphore(%run_scoped3A_248 : memref<!tpu.dma_semaphore, #tpu.memory_space<semaphore_mem>>) src(%dma_wait3A_270 : memref<120x64xbf16, #tpu.memory_space<vmem_shared>>) dst(%dma_wait3A_268 : memref<120x64xbf16, #tpu.memory_space<vmem>>)
      tpu.yield
    }) : () -> ()
    %run_scoped3A_247 = arith.constant 0 : i32
    "tpu.region"() ({
      %run_scoped3A_248 = tpu.sem_alloc : memref<!tpu.dma_semaphore, #tpu.memory_space<semaphore_mem>>
      %dma_start3A = arith.constant 0 : i32
      %dma_start3A_249 = arith.constant 0 : i32
      %dma_start3A_250 = tpu.memref_slice %arg8[%run_scoped3A_247, %dma_start3A, %dma_start3A_249] : memref<2x128x64xbf16, #tpu.memory_space<vmem>> -> memref<1x120x64xbf16, #tpu.memory_space<vmem>>
      %dma_start3A_251 = tpu.memref_squeeze %dma_start3A_250 : memref<1x120x64xbf16, #tpu.memory_space<vmem>> -> memref<120x64xbf16, #tpu.memory_space<vmem>>
      %dma_start3A_252 = arith.constant 0 : i32
      %dma_start3A_253 = tpu.memref_slice %arg5[%arg0, %add3A_246, %dma_start3A_252] : memref<2x10112x64xbf16, #tpu.memory_space<hbm>> -> memref<1x120x64xbf16, #tpu.memory_space<hbm>>
      %dma_start3A_254 = tpu.memref_squeeze %dma_start3A_253 : memref<1x120x64xbf16, #tpu.memory_space<hbm>> -> memref<120x64xbf16, #tpu.memory_space<hbm>>
      %dma_start3A_255 = arith.constant 0 : i32
      %dma_start3A_256 = tpu.memref_slice %arg5[%arg0, %add3A_246, %dma_start3A_255] : memref<2x10112x64xbf16, #tpu.memory_space<hbm>> -> memref<1x120x64xbf16, #tpu.memory_space<hbm>>
      %dma_start3A_257 = tpu.memref_squeeze %dma_start3A_256 : memref<1x120x64xbf16, #tpu.memory_space<hbm>> -> memref<120x64xbf16, #tpu.memory_space<hbm>>
      %dma_start3A_258 = arith.constant 0 : i32
      %dma_start3A_259 = arith.constant 0 : i32
      %dma_start3A_260 = tpu.memref_slice %arg8[%run_scoped3A_247, %dma_start3A_258, %dma_start3A_259] : memref<2x128x64xbf16, #tpu.memory_space<vmem>> -> memref<1x120x64xbf16, #tpu.memory_space<vmem>>
      %dma_start3A_261 = tpu.memref_squeeze %dma_start3A_260 : memref<1x120x64xbf16, #tpu.memory_space<vmem>> -> memref<120x64xbf16, #tpu.memory_space<vmem>>
      tpu.enqueue_dma source(%dma_start3A_261 : memref<120x64xbf16, #tpu.memory_space<vmem>>) target(%dma_start3A_257 : memref<120x64xbf16, #tpu.memory_space<hbm>>) target_semaphore(%run_scoped3A_248 : memref<!tpu.dma_semaphore, #tpu.memory_space<semaphore_mem>>)
      %dma_wait3A = arith.constant 0 : i32
      %dma_wait3A_262 = arith.constant 0 : i32
      %dma_wait3A_263 = tpu.memref_slice %arg8[%run_scoped3A_247, %dma_wait3A, %dma_wait3A_262] : memref<2x128x64xbf16, #tpu.memory_space<vmem>> -> memref<1x120x64xbf16, #tpu.memory_space<vmem>>
      %dma_wait3A_264 = tpu.memref_squeeze %dma_wait3A_263 : memref<1x120x64xbf16, #tpu.memory_space<vmem>> -> memref<120x64xbf16, #tpu.memory_space<vmem>>
      %dma_wait3A_265 = arith.constant 0 : i32
      %dma_wait3A_266 = tpu.memref_slice %arg5[%arg0, %add3A_246, %dma_wait3A_265] : memref<2x10112x64xbf16, #tpu.memory_space<hbm>> -> memref<1x120x64xbf16, #tpu.memory_space<hbm>>
      %dma_wait3A_267 = tpu.memref_squeeze %dma_wait3A_266 : memref<1x120x64xbf16, #tpu.memory_space<hbm>> -> memref<120x64xbf16, #tpu.memory_space<hbm>>
      %dma_wait3A_268 = arith.constant 0 : i32
      %dma_wait3A_269 = tpu.memref_slice %arg5[%arg0, %add3A_246, %dma_wait3A_268] : memref<2x10112x64xbf16, #tpu.memory_space<hbm>> -> memref<1x120x64xbf16, #tpu.memory_space<hbm>>
      %dma_wait3A_270 = tpu.memref_squeeze %dma_wait3A_269 : memref<1x120x64xbf16, #tpu.memory_space<hbm>> -> memref<120x64xbf16, #tpu.memory_space<hbm>>
      %dma_wait3A_271 = arith.constant 0 : i32
      %dma_wait3A_272 = arith.constant 0 : i32
      %dma_wait3A_273 = tpu.memref_slice %arg8[%run_scoped3A_247, %dma_wait3A_271, %dma_wait3A_272] : memref<2x128x64xbf16, #tpu.memory_space<vmem>> -> memref<1x120x64xbf16, #tpu.memory_space<vmem>>
      %dma_wait3A_274 = tpu.memref_squeeze %dma_wait3A_273 : memref<1x120x64xbf16, #tpu.memory_space<vmem>> -> memref<120x64xbf16, #tpu.memory_space<vmem>>
      tpu.wait_dma2 semaphore(%run_scoped3A_248 : memref<!tpu.dma_semaphore, #tpu.memory_space<semaphore_mem>>) src(%dma_wait3A_274 : memref<120x64xbf16, #tpu.memory_space<vmem>>) dst(%dma_wait3A_270 : memref<120x64xbf16, #tpu.memory_space<hbm>>)
      tpu.yield
    }) : () -> ()
    return
  }
}

#map = affine_map<(d0, d1) -> (0, 0)>
module attributes {stable_mosaic.version = 14 : i64} {
  func.func @_deg_body(%arg0: i32, %arg1: i32, %arg2: memref<2640x128xi32, #tpu.memory_space<hbm>>, %arg3: memref<2x10112xf32, #tpu.memory_space<hbm>>, %arg4: memref<120x128xi32, #tpu.memory_space<vmem>>, %arg5: memref<128xf32, #tpu.memory_space<vmem>>, %arg6: memref<640xf32, #tpu.memory_space<vmem>>, %arg7: memref<10112xf32, #tpu.memory_space<vmem_shared>>) attributes {dimension_semantics = [#tpu.dimension_semantics<core_parallel>, #tpu.dimension_semantics<subcore_parallel>], iteration_bounds = array<i64: 2, 16>, scalar_prefetch = 0 : i64, scratch_operands = 4 : i64, tpu.core_type = #tpu.core_type<sc_vector_subcore>, window_params = [{transform_indices = #map}, {transform_indices = #map}]} {
    %eq3A = arith.constant 1 : i32
    %eq3A_0 = arith.cmpi eq, %arg0, %eq3A : i32
    %mul3A = arith.constant 120 : i32
    %mul3A_1 = arith.muli %arg1, %mul3A : i32
    %mul3A_2 = arith.constant 40 : i32
    %mul3A_3 = arith.muli %arg1, %mul3A_2 : i32
    %add3A = arith.constant 1920 : i32
    %add3A_4 = arith.addi %add3A, %mul3A_3 : i32
    %select_n3A = arith.select %eq3A_0, %mul3A_1, %add3A_4 : i32
    %multiple_of3A = tpu.assume_multiple %select_n3A, 8 : i32
    "tpu.region"() ({
      %run_scoped3A = tpu.sem_alloc : memref<!tpu.dma_semaphore, #tpu.memory_space<semaphore_mem>>
      %dma_start3A = arith.constant 0 : i32
      %dma_start3A_216 = tpu.memref_slice %arg2[%multiple_of3A, %dma_start3A] : memref<2640x128xi32, #tpu.memory_space<hbm>> -> memref<120x128xi32, #tpu.memory_space<hbm>>
      %dma_start3A_217 = arith.constant 0 : i32
      %dma_start3A_218 = tpu.memref_slice %arg2[%multiple_of3A, %dma_start3A_217] : memref<2640x128xi32, #tpu.memory_space<hbm>> -> memref<120x128xi32, #tpu.memory_space<hbm>>
      tpu.enqueue_dma source(%dma_start3A_218 : memref<120x128xi32, #tpu.memory_space<hbm>>) target(%arg4 : memref<120x128xi32, #tpu.memory_space<vmem>>) target_semaphore(%run_scoped3A : memref<!tpu.dma_semaphore, #tpu.memory_space<semaphore_mem>>)
      %dma_wait3A = arith.constant 0 : i32
      %dma_wait3A_219 = tpu.memref_slice %arg2[%multiple_of3A, %dma_wait3A] : memref<2640x128xi32, #tpu.memory_space<hbm>> -> memref<120x128xi32, #tpu.memory_space<hbm>>
      %dma_wait3A_220 = arith.constant 0 : i32
      %dma_wait3A_221 = tpu.memref_slice %arg2[%multiple_of3A, %dma_wait3A_220] : memref<2640x128xi32, #tpu.memory_space<hbm>> -> memref<120x128xi32, #tpu.memory_space<hbm>>
      tpu.wait_dma2 semaphore(%run_scoped3A : memref<!tpu.dma_semaphore, #tpu.memory_space<semaphore_mem>>) src(%dma_wait3A_221 : memref<120x128xi32, #tpu.memory_space<hbm>>) dst(%arg4 : memref<120x128xi32, #tpu.memory_space<vmem>>)
      tpu.yield
    }) : () -> ()
    %broadcast_in_dim3A = arith.constant 1.000000e+00 : f32
    %broadcast_in_dim3A_5 = vector.broadcast %broadcast_in_dim3A : f32 to vector<16xf32>
    %broadcast_in_dim3A_6 = arith.constant 0.000000e+00 : f32
    %broadcast_in_dim3A_7 = vector.broadcast %broadcast_in_dim3A_6 : f32 to vector<16xf32>
    %swap3A = arith.constant 0 : index
    %swap3A_8 = tpu.vector_load %arg5[%swap3A] {strides = array<i32>} : memref<128xf32, #tpu.memory_space<vmem>>, vector<16xf32>,
    %swap3A_9 = vector.shape_cast %swap3A_8 : vector<16xf32> to vector<16xf32>
    %swap3A_10 = vector.shape_cast %broadcast_in_dim3A_5 : vector<16xf32> to vector<16xf32>
    tpu.vector_store %arg5[%swap3A], %swap3A_10 {strides = array<i32>} : memref<128xf32, #tpu.memory_space<vmem>>, vector<16xf32>,
    %swap3A_11 = arith.constant 16 : index
    %swap3A_12 = tpu.vector_load %arg5[%swap3A_11] {strides = array<i32>} : memref<128xf32, #tpu.memory_space<vmem>>, vector<16xf32>,
    %swap3A_13 = vector.shape_cast %swap3A_12 : vector<16xf32> to vector<16xf32>
    %swap3A_14 = vector.shape_cast %broadcast_in_dim3A_5 : vector<16xf32> to vector<16xf32>
    tpu.vector_store %arg5[%swap3A_11], %swap3A_14 {strides = array<i32>} : memref<128xf32, #tpu.memory_space<vmem>>, vector<16xf32>,
    %swap3A_15 = arith.constant 32 : index
    %swap3A_16 = tpu.vector_load %arg5[%swap3A_15] {strides = array<i32>} : memref<128xf32, #tpu.memory_space<vmem>>, vector<16xf32>,
    %swap3A_17 = vector.shape_cast %swap3A_16 : vector<16xf32> to vector<16xf32>
    %swap3A_18 = vector.shape_cast %broadcast_in_dim3A_5 : vector<16xf32> to vector<16xf32>
    tpu.vector_store %arg5[%swap3A_15], %swap3A_18 {strides = array<i32>} : memref<128xf32, #tpu.memory_space<vmem>>, vector<16xf32>,
    %swap3A_19 = arith.constant 48 : index
    %swap3A_20 = tpu.vector_load %arg5[%swap3A_19] {strides = array<i32>} : memref<128xf32, #tpu.memory_space<vmem>>, vector<16xf32>,
    %swap3A_21 = vector.shape_cast %swap3A_20 : vector<16xf32> to vector<16xf32>
    %swap3A_22 = vector.shape_cast %broadcast_in_dim3A_5 : vector<16xf32> to vector<16xf32>
    tpu.vector_store %arg5[%swap3A_19], %swap3A_22 {strides = array<i32>} : memref<128xf32, #tpu.memory_space<vmem>>, vector<16xf32>,
    %swap3A_23 = arith.constant 64 : index
    %swap3A_24 = tpu.vector_load %arg5[%swap3A_23] {strides = array<i32>} : memref<128xf32, #tpu.memory_space<vmem>>, vector<16xf32>,
    %swap3A_25 = vector.shape_cast %swap3A_24 : vector<16xf32> to vector<16xf32>
    %swap3A_26 = vector.shape_cast %broadcast_in_dim3A_5 : vector<16xf32> to vector<16xf32>
    tpu.vector_store %arg5[%swap3A_23], %swap3A_26 {strides = array<i32>} : memref<128xf32, #tpu.memory_space<vmem>>, vector<16xf32>,
    %swap3A_27 = arith.constant 80 : index
    %swap3A_28 = tpu.vector_load %arg5[%swap3A_27] {strides = array<i32>} : memref<128xf32, #tpu.memory_space<vmem>>, vector<16xf32>,
    %swap3A_29 = vector.shape_cast %swap3A_28 : vector<16xf32> to vector<16xf32>
    %swap3A_30 = vector.shape_cast %broadcast_in_dim3A_5 : vector<16xf32> to vector<16xf32>
    tpu.vector_store %arg5[%swap3A_27], %swap3A_30 {strides = array<i32>} : memref<128xf32, #tpu.memory_space<vmem>>, vector<16xf32>,
    %swap3A_31 = arith.constant 96 : index
    %swap3A_32 = tpu.vector_load %arg5[%swap3A_31] {strides = array<i32>} : memref<128xf32, #tpu.memory_space<vmem>>, vector<16xf32>,
    %swap3A_33 = vector.shape_cast %swap3A_32 : vector<16xf32> to vector<16xf32>
    %swap3A_34 = vector.shape_cast %broadcast_in_dim3A_5 : vector<16xf32> to vector<16xf32>
    tpu.vector_store %arg5[%swap3A_31], %swap3A_34 {strides = array<i32>} : memref<128xf32, #tpu.memory_space<vmem>>, vector<16xf32>,
    %swap3A_35 = arith.constant 112 : index
    %swap3A_36 = tpu.vector_load %arg5[%swap3A_35] {strides = array<i32>} : memref<128xf32, #tpu.memory_space<vmem>>, vector<16xf32>,
    %swap3A_37 = vector.shape_cast %swap3A_36 : vector<16xf32> to vector<16xf32>
    %swap3A_38 = vector.shape_cast %broadcast_in_dim3A_5 : vector<16xf32> to vector<16xf32>
    tpu.vector_store %arg5[%swap3A_35], %swap3A_38 {strides = array<i32>} : memref<128xf32, #tpu.memory_space<vmem>>, vector<16xf32>,
    %swap3A_39 = arith.constant 0 : index
    %swap3A_40 = tpu.vector_load %arg6[%swap3A_39] {strides = array<i32>} : memref<640xf32, #tpu.memory_space<vmem>>, vector<16xf32>,
    %swap3A_41 = vector.shape_cast %swap3A_40 : vector<16xf32> to vector<16xf32>
    %swap3A_42 = vector.shape_cast %broadcast_in_dim3A_7 : vector<16xf32> to vector<16xf32>
    tpu.vector_store %arg6[%swap3A_39], %swap3A_42 {strides = array<i32>} : memref<640xf32, #tpu.memory_space<vmem>>, vector<16xf32>,
    %swap3A_43 = arith.constant 16 : index
    %swap3A_44 = tpu.vector_load %arg6[%swap3A_43] {strides = array<i32>} : memref<640xf32, #tpu.memory_space<vmem>>, vector<16xf32>,
    %swap3A_45 = vector.shape_cast %swap3A_44 : vector<16xf32> to vector<16xf32>
    %swap3A_46 = vector.shape_cast %broadcast_in_dim3A_7 : vector<16xf32> to vector<16xf32>
    tpu.vector_store %arg6[%swap3A_43], %swap3A_46 {strides = array<i32>} : memref<640xf32, #tpu.memory_space<vmem>>, vector<16xf32>,
    %swap3A_47 = arith.constant 32 : index
    %swap3A_48 = tpu.vector_load %arg6[%swap3A_47] {strides = array<i32>} : memref<640xf32, #tpu.memory_space<vmem>>, vector<16xf32>,
    %swap3A_49 = vector.shape_cast %swap3A_48 : vector<16xf32> to vector<16xf32>
    %swap3A_50 = vector.shape_cast %broadcast_in_dim3A_7 : vector<16xf32> to vector<16xf32>
    tpu.vector_store %arg6[%swap3A_47], %swap3A_50 {strides = array<i32>} : memref<640xf32, #tpu.memory_space<vmem>>, vector<16xf32>,
    %swap3A_51 = arith.constant 48 : index
    %swap3A_52 = tpu.vector_load %arg6[%swap3A_51] {strides = array<i32>} : memref<640xf32, #tpu.memory_space<vmem>>, vector<16xf32>,
    %swap3A_53 = vector.shape_cast %swap3A_52 : vector<16xf32> to vector<16xf32>
    %swap3A_54 = vector.shape_cast %broadcast_in_dim3A_7 : vector<16xf32> to vector<16xf32>
    tpu.vector_store %arg6[%swap3A_51], %swap3A_54 {strides = array<i32>} : memref<640xf32, #tpu.memory_space<vmem>>, vector<16xf32>,
    %swap3A_55 = arith.constant 64 : index
    %swap3A_56 = tpu.vector_load %arg6[%swap3A_55] {strides = array<i32>} : memref<640xf32, #tpu.memory_space<vmem>>, vector<16xf32>,
    %swap3A_57 = vector.shape_cast %swap3A_56 : vector<16xf32> to vector<16xf32>
    %swap3A_58 = vector.shape_cast %broadcast_in_dim3A_7 : vector<16xf32> to vector<16xf32>
    tpu.vector_store %arg6[%swap3A_55], %swap3A_58 {strides = array<i32>} : memref<640xf32, #tpu.memory_space<vmem>>, vector<16xf32>,
    %swap3A_59 = arith.constant 80 : index
    %swap3A_60 = tpu.vector_load %arg6[%swap3A_59] {strides = array<i32>} : memref<640xf32, #tpu.memory_space<vmem>>, vector<16xf32>,
    %swap3A_61 = vector.shape_cast %swap3A_60 : vector<16xf32> to vector<16xf32>
    %swap3A_62 = vector.shape_cast %broadcast_in_dim3A_7 : vector<16xf32> to vector<16xf32>
    tpu.vector_store %arg6[%swap3A_59], %swap3A_62 {strides = array<i32>} : memref<640xf32, #tpu.memory_space<vmem>>, vector<16xf32>,
    %swap3A_63 = arith.constant 96 : index
    %swap3A_64 = tpu.vector_load %arg6[%swap3A_63] {strides = array<i32>} : memref<640xf32, #tpu.memory_space<vmem>>, vector<16xf32>,
    %swap3A_65 = vector.shape_cast %swap3A_64 : vector<16xf32> to vector<16xf32>
    %swap3A_66 = vector.shape_cast %broadcast_in_dim3A_7 : vector<16xf32> to vector<16xf32>
    tpu.vector_store %arg6[%swap3A_63], %swap3A_66 {strides = array<i32>} : memref<640xf32, #tpu.memory_space<vmem>>, vector<16xf32>,
    %swap3A_67 = arith.constant 112 : index
    %swap3A_68 = tpu.vector_load %arg6[%swap3A_67] {strides = array<i32>} : memref<640xf32, #tpu.memory_space<vmem>>, vector<16xf32>,
    %swap3A_69 = vector.shape_cast %swap3A_68 : vector<16xf32> to vector<16xf32>
    %swap3A_70 = vector.shape_cast %broadcast_in_dim3A_7 : vector<16xf32> to vector<16xf32>
    tpu.vector_store %arg6[%swap3A_67], %swap3A_70 {strides = array<i32>} : memref<640xf32, #tpu.memory_space<vmem>>, vector<16xf32>,
    %swap3A_71 = arith.constant 128 : index
    %swap3A_72 = tpu.vector_load %arg6[%swap3A_71] {strides = array<i32>} : memref<640xf32, #tpu.memory_space<vmem>>, vector<16xf32>,
    %swap3A_73 = vector.shape_cast %swap3A_72 : vector<16xf32> to vector<16xf32>
    %swap3A_74 = vector.shape_cast %broadcast_in_dim3A_7 : vector<16xf32> to vector<16xf32>
    tpu.vector_store %arg6[%swap3A_71], %swap3A_74 {strides = array<i32>} : memref<640xf32, #tpu.memory_space<vmem>>, vector<16xf32>,
    %swap3A_75 = arith.constant 144 : index
    %swap3A_76 = tpu.vector_load %arg6[%swap3A_75] {strides = array<i32>} : memref<640xf32, #tpu.memory_space<vmem>>, vector<16xf32>,
    %swap3A_77 = vector.shape_cast %swap3A_76 : vector<16xf32> to vector<16xf32>
    %swap3A_78 = vector.shape_cast %broadcast_in_dim3A_7 : vector<16xf32> to vector<16xf32>
    tpu.vector_store %arg6[%swap3A_75], %swap3A_78 {strides = array<i32>} : memref<640xf32, #tpu.memory_space<vmem>>, vector<16xf32>,
    %swap3A_79 = arith.constant 160 : index
    %swap3A_80 = tpu.vector_load %arg6[%swap3A_79] {strides = array<i32>} : memref<640xf32, #tpu.memory_space<vmem>>, vector<16xf32>,
    %swap3A_81 = vector.shape_cast %swap3A_80 : vector<16xf32> to vector<16xf32>
    %swap3A_82 = vector.shape_cast %broadcast_in_dim3A_7 : vector<16xf32> to vector<16xf32>
    tpu.vector_store %arg6[%swap3A_79], %swap3A_82 {strides = array<i32>} : memref<640xf32, #tpu.memory_space<vmem>>, vector<16xf32>,
    %swap3A_83 = arith.constant 176 : index
    %swap3A_84 = tpu.vector_load %arg6[%swap3A_83] {strides = array<i32>} : memref<640xf32, #tpu.memory_space<vmem>>, vector<16xf32>,
    %swap3A_85 = vector.shape_cast %swap3A_84 : vector<16xf32> to vector<16xf32>
    %swap3A_86 = vector.shape_cast %broadcast_in_dim3A_7 : vector<16xf32> to vector<16xf32>
    tpu.vector_store %arg6[%swap3A_83], %swap3A_86 {strides = array<i32>} : memref<640xf32, #tpu.memory_space<vmem>>, vector<16xf32>,
    %swap3A_87 = arith.constant 192 : index
    %swap3A_88 = tpu.vector_load %arg6[%swap3A_87] {strides = array<i32>} : memref<640xf32, #tpu.memory_space<vmem>>, vector<16xf32>,
    %swap3A_89 = vector.shape_cast %swap3A_88 : vector<16xf32> to vector<16xf32>
    %swap3A_90 = vector.shape_cast %broadcast_in_dim3A_7 : vector<16xf32> to vector<16xf32>
    tpu.vector_store %arg6[%swap3A_87], %swap3A_90 {strides = array<i32>} : memref<640xf32, #tpu.memory_space<vmem>>, vector<16xf32>,
    %swap3A_91 = arith.constant 208 : index
    %swap3A_92 = tpu.vector_load %arg6[%swap3A_91] {strides = array<i32>} : memref<640xf32, #tpu.memory_space<vmem>>, vector<16xf32>,
    %swap3A_93 = vector.shape_cast %swap3A_92 : vector<16xf32> to vector<16xf32>
    %swap3A_94 = vector.shape_cast %broadcast_in_dim3A_7 : vector<16xf32> to vector<16xf32>
    tpu.vector_store %arg6[%swap3A_91], %swap3A_94 {strides = array<i32>} : memref<640xf32, #tpu.memory_space<vmem>>, vector<16xf32>,
    %swap3A_95 = arith.constant 224 : index
    %swap3A_96 = tpu.vector_load %arg6[%swap3A_95] {strides = array<i32>} : memref<640xf32, #tpu.memory_space<vmem>>, vector<16xf32>,
    %swap3A_97 = vector.shape_cast %swap3A_96 : vector<16xf32> to vector<16xf32>
    %swap3A_98 = vector.shape_cast %broadcast_in_dim3A_7 : vector<16xf32> to vector<16xf32>
    tpu.vector_store %arg6[%swap3A_95], %swap3A_98 {strides = array<i32>} : memref<640xf32, #tpu.memory_space<vmem>>, vector<16xf32>,
    %swap3A_99 = arith.constant 240 : index
    %swap3A_100 = tpu.vector_load %arg6[%swap3A_99] {strides = array<i32>} : memref<640xf32, #tpu.memory_space<vmem>>, vector<16xf32>,
    %swap3A_101 = vector.shape_cast %swap3A_100 : vector<16xf32> to vector<16xf32>
    %swap3A_102 = vector.shape_cast %broadcast_in_dim3A_7 : vector<16xf32> to vector<16xf32>
    tpu.vector_store %arg6[%swap3A_99], %swap3A_102 {strides = array<i32>} : memref<640xf32, #tpu.memory_space<vmem>>, vector<16xf32>,
    %swap3A_103 = arith.constant 256 : index
    %swap3A_104 = tpu.vector_load %arg6[%swap3A_103] {strides = array<i32>} : memref<640xf32, #tpu.memory_space<vmem>>, vector<16xf32>,
    %swap3A_105 = vector.shape_cast %swap3A_104 : vector<16xf32> to vector<16xf32>
    %swap3A_106 = vector.shape_cast %broadcast_in_dim3A_7 : vector<16xf32> to vector<16xf32>
    tpu.vector_store %arg6[%swap3A_103], %swap3A_106 {strides = array<i32>} : memref<640xf32, #tpu.memory_space<vmem>>, vector<16xf32>,
    %swap3A_107 = arith.constant 272 : index
    %swap3A_108 = tpu.vector_load %arg6[%swap3A_107] {strides = array<i32>} : memref<640xf32, #tpu.memory_space<vmem>>, vector<16xf32>,
    %swap3A_109 = vector.shape_cast %swap3A_108 : vector<16xf32> to vector<16xf32>
    %swap3A_110 = vector.shape_cast %broadcast_in_dim3A_7 : vector<16xf32> to vector<16xf32>
    tpu.vector_store %arg6[%swap3A_107], %swap3A_110 {strides = array<i32>} : memref<640xf32, #tpu.memory_space<vmem>>, vector<16xf32>,
    %swap3A_111 = arith.constant 288 : index
    %swap3A_112 = tpu.vector_load %arg6[%swap3A_111] {strides = array<i32>} : memref<640xf32, #tpu.memory_space<vmem>>, vector<16xf32>,
    %swap3A_113 = vector.shape_cast %swap3A_112 : vector<16xf32> to vector<16xf32>
    %swap3A_114 = vector.shape_cast %broadcast_in_dim3A_7 : vector<16xf32> to vector<16xf32>
    tpu.vector_store %arg6[%swap3A_111], %swap3A_114 {strides = array<i32>} : memref<640xf32, #tpu.memory_space<vmem>>, vector<16xf32>,
    %swap3A_115 = arith.constant 304 : index
    %swap3A_116 = tpu.vector_load %arg6[%swap3A_115] {strides = array<i32>} : memref<640xf32, #tpu.memory_space<vmem>>, vector<16xf32>,
    %swap3A_117 = vector.shape_cast %swap3A_116 : vector<16xf32> to vector<16xf32>
    %swap3A_118 = vector.shape_cast %broadcast_in_dim3A_7 : vector<16xf32> to vector<16xf32>
    tpu.vector_store %arg6[%swap3A_115], %swap3A_118 {strides = array<i32>} : memref<640xf32, #tpu.memory_space<vmem>>, vector<16xf32>,
    %swap3A_119 = arith.constant 320 : index
    %swap3A_120 = tpu.vector_load %arg6[%swap3A_119] {strides = array<i32>} : memref<640xf32, #tpu.memory_space<vmem>>, vector<16xf32>,
    %swap3A_121 = vector.shape_cast %swap3A_120 : vector<16xf32> to vector<16xf32>
    %swap3A_122 = vector.shape_cast %broadcast_in_dim3A_7 : vector<16xf32> to vector<16xf32>
    tpu.vector_store %arg6[%swap3A_119], %swap3A_122 {strides = array<i32>} : memref<640xf32, #tpu.memory_space<vmem>>, vector<16xf32>,
    %swap3A_123 = arith.constant 336 : index
    %swap3A_124 = tpu.vector_load %arg6[%swap3A_123] {strides = array<i32>} : memref<640xf32, #tpu.memory_space<vmem>>, vector<16xf32>,
    %swap3A_125 = vector.shape_cast %swap3A_124 : vector<16xf32> to vector<16xf32>
    %swap3A_126 = vector.shape_cast %broadcast_in_dim3A_7 : vector<16xf32> to vector<16xf32>
    tpu.vector_store %arg6[%swap3A_123], %swap3A_126 {strides = array<i32>} : memref<640xf32, #tpu.memory_space<vmem>>, vector<16xf32>,
    %swap3A_127 = arith.constant 352 : index
    %swap3A_128 = tpu.vector_load %arg6[%swap3A_127] {strides = array<i32>} : memref<640xf32, #tpu.memory_space<vmem>>, vector<16xf32>,
    %swap3A_129 = vector.shape_cast %swap3A_128 : vector<16xf32> to vector<16xf32>
    %swap3A_130 = vector.shape_cast %broadcast_in_dim3A_7 : vector<16xf32> to vector<16xf32>
    tpu.vector_store %arg6[%swap3A_127], %swap3A_130 {strides = array<i32>} : memref<640xf32, #tpu.memory_space<vmem>>, vector<16xf32>,
    %swap3A_131 = arith.constant 368 : index
    %swap3A_132 = tpu.vector_load %arg6[%swap3A_131] {strides = array<i32>} : memref<640xf32, #tpu.memory_space<vmem>>, vector<16xf32>,
    %swap3A_133 = vector.shape_cast %swap3A_132 : vector<16xf32> to vector<16xf32>
    %swap3A_134 = vector.shape_cast %broadcast_in_dim3A_7 : vector<16xf32> to vector<16xf32>
    tpu.vector_store %arg6[%swap3A_131], %swap3A_134 {strides = array<i32>} : memref<640xf32, #tpu.memory_space<vmem>>, vector<16xf32>,
    %swap3A_135 = arith.constant 384 : index
    %swap3A_136 = tpu.vector_load %arg6[%swap3A_135] {strides = array<i32>} : memref<640xf32, #tpu.memory_space<vmem>>, vector<16xf32>,
    %swap3A_137 = vector.shape_cast %swap3A_136 : vector<16xf32> to vector<16xf32>
    %swap3A_138 = vector.shape_cast %broadcast_in_dim3A_7 : vector<16xf32> to vector<16xf32>
    tpu.vector_store %arg6[%swap3A_135], %swap3A_138 {strides = array<i32>} : memref<640xf32, #tpu.memory_space<vmem>>, vector<16xf32>,
    %swap3A_139 = arith.constant 400 : index
    %swap3A_140 = tpu.vector_load %arg6[%swap3A_139] {strides = array<i32>} : memref<640xf32, #tpu.memory_space<vmem>>, vector<16xf32>,
    %swap3A_141 = vector.shape_cast %swap3A_140 : vector<16xf32> to vector<16xf32>
    %swap3A_142 = vector.shape_cast %broadcast_in_dim3A_7 : vector<16xf32> to vector<16xf32>
    tpu.vector_store %arg6[%swap3A_139], %swap3A_142 {strides = array<i32>} : memref<640xf32, #tpu.memory_space<vmem>>, vector<16xf32>,
    %swap3A_143 = arith.constant 416 : index
    %swap3A_144 = tpu.vector_load %arg6[%swap3A_143] {strides = array<i32>} : memref<640xf32, #tpu.memory_space<vmem>>, vector<16xf32>,
    %swap3A_145 = vector.shape_cast %swap3A_144 : vector<16xf32> to vector<16xf32>
    %swap3A_146 = vector.shape_cast %broadcast_in_dim3A_7 : vector<16xf32> to vector<16xf32>
    tpu.vector_store %arg6[%swap3A_143], %swap3A_146 {strides = array<i32>} : memref<640xf32, #tpu.memory_space<vmem>>, vector<16xf32>,
    %swap3A_147 = arith.constant 432 : index
    %swap3A_148 = tpu.vector_load %arg6[%swap3A_147] {strides = array<i32>} : memref<640xf32, #tpu.memory_space<vmem>>, vector<16xf32>,
    %swap3A_149 = vector.shape_cast %swap3A_148 : vector<16xf32> to vector<16xf32>
    %swap3A_150 = vector.shape_cast %broadcast_in_dim3A_7 : vector<16xf32> to vector<16xf32>
    tpu.vector_store %arg6[%swap3A_147], %swap3A_150 {strides = array<i32>} : memref<640xf32, #tpu.memory_space<vmem>>, vector<16xf32>,
    %swap3A_151 = arith.constant 448 : index
    %swap3A_152 = tpu.vector_load %arg6[%swap3A_151] {strides = array<i32>} : memref<640xf32, #tpu.memory_space<vmem>>, vector<16xf32>,
    %swap3A_153 = vector.shape_cast %swap3A_152 : vector<16xf32> to vector<16xf32>
    %swap3A_154 = vector.shape_cast %broadcast_in_dim3A_7 : vector<16xf32> to vector<16xf32>
    tpu.vector_store %arg6[%swap3A_151], %swap3A_154 {strides = array<i32>} : memref<640xf32, #tpu.memory_space<vmem>>, vector<16xf32>,
    %swap3A_155 = arith.constant 464 : index
    %swap3A_156 = tpu.vector_load %arg6[%swap3A_155] {strides = array<i32>} : memref<640xf32, #tpu.memory_space<vmem>>, vector<16xf32>,
    %swap3A_157 = vector.shape_cast %swap3A_156 : vector<16xf32> to vector<16xf32>
    %swap3A_158 = vector.shape_cast %broadcast_in_dim3A_7 : vector<16xf32> to vector<16xf32>
    tpu.vector_store %arg6[%swap3A_155], %swap3A_158 {strides = array<i32>} : memref<640xf32, #tpu.memory_space<vmem>>, vector<16xf32>,
    %swap3A_159 = arith.constant 480 : index
    %swap3A_160 = tpu.vector_load %arg6[%swap3A_159] {strides = array<i32>} : memref<640xf32, #tpu.memory_space<vmem>>, vector<16xf32>,
    %swap3A_161 = vector.shape_cast %swap3A_160 : vector<16xf32> to vector<16xf32>
    %swap3A_162 = vector.shape_cast %broadcast_in_dim3A_7 : vector<16xf32> to vector<16xf32>
    tpu.vector_store %arg6[%swap3A_159], %swap3A_162 {strides = array<i32>} : memref<640xf32, #tpu.memory_space<vmem>>, vector<16xf32>,
    %swap3A_163 = arith.constant 496 : index
    %swap3A_164 = tpu.vector_load %arg6[%swap3A_163] {strides = array<i32>} : memref<640xf32, #tpu.memory_space<vmem>>, vector<16xf32>,
    %swap3A_165 = vector.shape_cast %swap3A_164 : vector<16xf32> to vector<16xf32>
    %swap3A_166 = vector.shape_cast %broadcast_in_dim3A_7 : vector<16xf32> to vector<16xf32>
    tpu.vector_store %arg6[%swap3A_163], %swap3A_166 {strides = array<i32>} : memref<640xf32, #tpu.memory_space<vmem>>, vector<16xf32>,
    %swap3A_167 = arith.constant 512 : index
    %swap3A_168 = tpu.vector_load %arg6[%swap3A_167] {strides = array<i32>} : memref<640xf32, #tpu.memory_space<vmem>>, vector<16xf32>,
    %swap3A_169 = vector.shape_cast %swap3A_168 : vector<16xf32> to vector<16xf32>
    %swap3A_170 = vector.shape_cast %broadcast_in_dim3A_7 : vector<16xf32> to vector<16xf32>
    tpu.vector_store %arg6[%swap3A_167], %swap3A_170 {strides = array<i32>} : memref<640xf32, #tpu.memory_space<vmem>>, vector<16xf32>,
    %swap3A_171 = arith.constant 528 : index
    %swap3A_172 = tpu.vector_load %arg6[%swap3A_171] {strides = array<i32>} : memref<640xf32, #tpu.memory_space<vmem>>, vector<16xf32>,
    %swap3A_173 = vector.shape_cast %swap3A_172 : vector<16xf32> to vector<16xf32>
    %swap3A_174 = vector.shape_cast %broadcast_in_dim3A_7 : vector<16xf32> to vector<16xf32>
    tpu.vector_store %arg6[%swap3A_171], %swap3A_174 {strides = array<i32>} : memref<640xf32, #tpu.memory_space<vmem>>, vector<16xf32>,
    %swap3A_175 = arith.constant 544 : index
    %swap3A_176 = tpu.vector_load %arg6[%swap3A_175] {strides = array<i32>} : memref<640xf32, #tpu.memory_space<vmem>>, vector<16xf32>,
    %swap3A_177 = vector.shape_cast %swap3A_176 : vector<16xf32> to vector<16xf32>
    %swap3A_178 = vector.shape_cast %broadcast_in_dim3A_7 : vector<16xf32> to vector<16xf32>
    tpu.vector_store %arg6[%swap3A_175], %swap3A_178 {strides = array<i32>} : memref<640xf32, #tpu.memory_space<vmem>>, vector<16xf32>,
    %swap3A_179 = arith.constant 560 : index
    %swap3A_180 = tpu.vector_load %arg6[%swap3A_179] {strides = array<i32>} : memref<640xf32, #tpu.memory_space<vmem>>, vector<16xf32>,
    %swap3A_181 = vector.shape_cast %swap3A_180 : vector<16xf32> to vector<16xf32>
    %swap3A_182 = vector.shape_cast %broadcast_in_dim3A_7 : vector<16xf32> to vector<16xf32>
    tpu.vector_store %arg6[%swap3A_179], %swap3A_182 {strides = array<i32>} : memref<640xf32, #tpu.memory_space<vmem>>, vector<16xf32>,
    %swap3A_183 = arith.constant 576 : index
    %swap3A_184 = tpu.vector_load %arg6[%swap3A_183] {strides = array<i32>} : memref<640xf32, #tpu.memory_space<vmem>>, vector<16xf32>,
    %swap3A_185 = vector.shape_cast %swap3A_184 : vector<16xf32> to vector<16xf32>
    %swap3A_186 = vector.shape_cast %broadcast_in_dim3A_7 : vector<16xf32> to vector<16xf32>
    tpu.vector_store %arg6[%swap3A_183], %swap3A_186 {strides = array<i32>} : memref<640xf32, #tpu.memory_space<vmem>>, vector<16xf32>,
    %swap3A_187 = arith.constant 592 : index
    %swap3A_188 = tpu.vector_load %arg6[%swap3A_187] {strides = array<i32>} : memref<640xf32, #tpu.memory_space<vmem>>, vector<16xf32>,
    %swap3A_189 = vector.shape_cast %swap3A_188 : vector<16xf32> to vector<16xf32>
    %swap3A_190 = vector.shape_cast %broadcast_in_dim3A_7 : vector<16xf32> to vector<16xf32>
    tpu.vector_store %arg6[%swap3A_187], %swap3A_190 {strides = array<i32>} : memref<640xf32, #tpu.memory_space<vmem>>, vector<16xf32>,
    %swap3A_191 = arith.constant 608 : index
    %swap3A_192 = tpu.vector_load %arg6[%swap3A_191] {strides = array<i32>} : memref<640xf32, #tpu.memory_space<vmem>>, vector<16xf32>,
    %swap3A_193 = vector.shape_cast %swap3A_192 : vector<16xf32> to vector<16xf32>
    %swap3A_194 = vector.shape_cast %broadcast_in_dim3A_7 : vector<16xf32> to vector<16xf32>
    tpu.vector_store %arg6[%swap3A_191], %swap3A_194 {strides = array<i32>} : memref<640xf32, #tpu.memory_space<vmem>>, vector<16xf32>,
    %swap3A_195 = arith.constant 624 : index
    %swap3A_196 = tpu.vector_load %arg6[%swap3A_195] {strides = array<i32>} : memref<640xf32, #tpu.memory_space<vmem>>, vector<16xf32>,
    %swap3A_197 = vector.shape_cast %swap3A_196 : vector<16xf32> to vector<16xf32>
    %swap3A_198 = vector.shape_cast %broadcast_in_dim3A_7 : vector<16xf32> to vector<16xf32>
    tpu.vector_store %arg6[%swap3A_195], %swap3A_198 {strides = array<i32>} : memref<640xf32, #tpu.memory_space<vmem>>, vector<16xf32>,
    %mul3A_199 = arith.constant 632 : i32
    %mul3A_200 = arith.muli %arg1, %mul3A_199 : i32
    %multiple_of3A_201 = tpu.assume_multiple %mul3A_200, 8 : i32
    "tpu.region"() ({
      %run_scoped3A = tpu.sem_alloc : memref<!tpu.dma_semaphore, #tpu.memory_space<semaphore_mem>>
      %dma_start3A = arith.constant 0 : i32
      %dma_start3A_216 = tpu.memref_slice %arg6[%dma_start3A] : memref<640xf32, #tpu.memory_space<vmem>> -> memref<632xf32, #tpu.memory_space<vmem>>
      %dma_start3A_217 = tpu.memref_slice %arg7[%multiple_of3A_201] : memref<10112xf32, #tpu.memory_space<vmem_shared>> -> memref<632xf32, #tpu.memory_space<vmem_shared>>
      %dma_start3A_218 = tpu.memref_slice %arg7[%multiple_of3A_201] : memref<10112xf32, #tpu.memory_space<vmem_shared>> -> memref<632xf32, #tpu.memory_space<vmem_shared>>
      %dma_start3A_219 = arith.constant 0 : i32
      %dma_start3A_220 = tpu.memref_slice %arg6[%dma_start3A_219] : memref<640xf32, #tpu.memory_space<vmem>> -> memref<632xf32, #tpu.memory_space<vmem>>
      tpu.enqueue_dma source(%dma_start3A_220 : memref<632xf32, #tpu.memory_space<vmem>>) target(%dma_start3A_218 : memref<632xf32, #tpu.memory_space<vmem_shared>>) target_semaphore(%run_scoped3A : memref<!tpu.dma_semaphore, #tpu.memory_space<semaphore_mem>>)
      %dma_wait3A = arith.constant 0 : i32
      %dma_wait3A_221 = tpu.memref_slice %arg6[%dma_wait3A] : memref<640xf32, #tpu.memory_space<vmem>> -> memref<632xf32, #tpu.memory_space<vmem>>
      %dma_wait3A_222 = tpu.memref_slice %arg7[%multiple_of3A_201] : memref<10112xf32, #tpu.memory_space<vmem_shared>> -> memref<632xf32, #tpu.memory_space<vmem_shared>>
      %dma_wait3A_223 = tpu.memref_slice %arg7[%multiple_of3A_201] : memref<10112xf32, #tpu.memory_space<vmem_shared>> -> memref<632xf32, #tpu.memory_space<vmem_shared>>
      %dma_wait3A_224 = arith.constant 0 : i32
      %dma_wait3A_225 = tpu.memref_slice %arg6[%dma_wait3A_224] : memref<640xf32, #tpu.memory_space<vmem>> -> memref<632xf32, #tpu.memory_space<vmem>>
      tpu.wait_dma2 semaphore(%run_scoped3A : memref<!tpu.dma_semaphore, #tpu.memory_space<semaphore_mem>>) src(%dma_wait3A_225 : memref<632xf32, #tpu.memory_space<vmem>>) dst(%dma_wait3A_223 : memref<632xf32, #tpu.memory_space<vmem_shared>>)
      tpu.yield
    }) : () -> ()
    %barrier3A = arith.constant 0 : index
    tpu.barrier barrier_id(%barrier3A)
    %eq3A_202 = arith.constant 1 : i32
    %eq3A_203 = arith.cmpi eq, %arg0, %eq3A_202 : i32
    %jit3A = arith.constant 120 : i32
    %jit3A_204 = arith.constant 40 : i32
    %select_n3A_205 = arith.select %eq3A_203, %jit3A, %jit3A_204 : i32
    %while3A = arith.constant 0 : i32
    %while3A_206 = arith.constant 0 : i32
    %while3A_207 = arith.subi %select_n3A_205, %while3A_206 : i32
    %while3A_208 = arith.addi %while3A_206, %while3A_207 : i32
    %while3A_209 = arith.constant 1 : i32
    %while3A_210 = arith.divsi %while3A_207, %while3A_209 : i32
    %while3A_211 = arith.muli %while3A_210, %while3A_209 : i32
    %while3A_212 = arith.addi %while3A_206, %while3A_211 : i32
    %while3A_213 = arith.constant 1 : i32
    scf.for %while3A_216 = %while3A_206 to %while3A_212 step %while3A_213  : i32 {
      "tpu.region"() ({
        %run_scoped3A = tpu.sem_alloc : memref<!tpu.dma_semaphore, #tpu.memory_space<semaphore_mem>>
        %dma_start3A = arith.constant 0 : i32
        %dma_start3A_217 = tpu.memref_slice %arg4[%while3A_216, %dma_start3A] : memref<120x128xi32, #tpu.memory_space<vmem>> -> memref<1x128xi32, #tpu.memory_space<vmem>>
        %dma_start3A_218 = tpu.memref_squeeze %dma_start3A_217 : memref<1x128xi32, #tpu.memory_space<vmem>> -> memref<128xi32, #tpu.memory_space<vmem>>
        %dma_start3A_219 = arith.constant 0 : i32
        %dma_start3A_220 = tpu.memref_slice %arg7[%dma_start3A_219] : memref<10112xf32, #tpu.memory_space<vmem_shared>> -> memref<10112xf32, #tpu.memory_space<vmem_shared>>
        tpu.enqueue_indirect_dma source(%arg5 : memref<128xf32, #tpu.memory_space<vmem>>) target(%dma_start3A_220 : memref<10112xf32, #tpu.memory_space<vmem_shared>>) offsets(%dma_start3A_218 : memref<128xi32, #tpu.memory_space<vmem>>) semaphore(%run_scoped3A : memref<!tpu.dma_semaphore, #tpu.memory_space<semaphore_mem>>) {add = true}
        %dma_wait3A = arith.constant 0 : i32
        %dma_wait3A_221 = tpu.memref_slice %arg4[%while3A_216, %dma_wait3A] : memref<120x128xi32, #tpu.memory_space<vmem>> -> memref<1x128xi32, #tpu.memory_space<vmem>>
        %dma_wait3A_222 = tpu.memref_squeeze %dma_wait3A_221 : memref<1x128xi32, #tpu.memory_space<vmem>> -> memref<128xi32, #tpu.memory_space<vmem>>
        %dma_wait3A_223 = arith.constant 0 : i32
        %dma_wait3A_224 = tpu.memref_slice %arg7[%dma_wait3A_223] : memref<10112xf32, #tpu.memory_space<vmem_shared>> -> memref<10112xf32, #tpu.memory_space<vmem_shared>>
        tpu.wait_indirect_dma semaphore(%run_scoped3A : memref<!tpu.dma_semaphore, #tpu.memory_space<semaphore_mem>>) src(%arg5 : memref<128xf32, #tpu.memory_space<vmem>>) dst(%dma_wait3A_224 : memref<10112xf32, #tpu.memory_space<vmem_shared>>)
        tpu.yield
      }) : () -> ()
    }
    %while3A_214 = arith.constant 1 : i32
    scf.for %while3A_216 = %while3A_212 to %while3A_208 step %while3A_214  : i32 {
      "tpu.region"() ({
        %run_scoped3A = tpu.sem_alloc : memref<!tpu.dma_semaphore, #tpu.memory_space<semaphore_mem>>
        %dma_start3A = arith.constant 0 : i32
        %dma_start3A_217 = tpu.memref_slice %arg4[%while3A_216, %dma_start3A] : memref<120x128xi32, #tpu.memory_space<vmem>> -> memref<1x128xi32, #tpu.memory_space<vmem>>
        %dma_start3A_218 = tpu.memref_squeeze %dma_start3A_217 : memref<1x128xi32, #tpu.memory_space<vmem>> -> memref<128xi32, #tpu.memory_space<vmem>>
        %dma_start3A_219 = arith.constant 0 : i32
        %dma_start3A_220 = tpu.memref_slice %arg7[%dma_start3A_219] : memref<10112xf32, #tpu.memory_space<vmem_shared>> -> memref<10112xf32, #tpu.memory_space<vmem_shared>>
        tpu.enqueue_indirect_dma source(%arg5 : memref<128xf32, #tpu.memory_space<vmem>>) target(%dma_start3A_220 : memref<10112xf32, #tpu.memory_space<vmem_shared>>) offsets(%dma_start3A_218 : memref<128xi32, #tpu.memory_space<vmem>>) semaphore(%run_scoped3A : memref<!tpu.dma_semaphore, #tpu.memory_space<semaphore_mem>>) {add = true}
        %dma_wait3A = arith.constant 0 : i32
        %dma_wait3A_221 = tpu.memref_slice %arg4[%while3A_216, %dma_wait3A] : memref<120x128xi32, #tpu.memory_space<vmem>> -> memref<1x128xi32, #tpu.memory_space<vmem>>
        %dma_wait3A_222 = tpu.memref_squeeze %dma_wait3A_221 : memref<1x128xi32, #tpu.memory_space<vmem>> -> memref<128xi32, #tpu.memory_space<vmem>>
        %dma_wait3A_223 = arith.constant 0 : i32
        %dma_wait3A_224 = tpu.memref_slice %arg7[%dma_wait3A_223] : memref<10112xf32, #tpu.memory_space<vmem_shared>> -> memref<10112xf32, #tpu.memory_space<vmem_shared>>
        tpu.wait_indirect_dma semaphore(%run_scoped3A : memref<!tpu.dma_semaphore, #tpu.memory_space<semaphore_mem>>) src(%arg5 : memref<128xf32, #tpu.memory_space<vmem>>) dst(%dma_wait3A_224 : memref<10112xf32, #tpu.memory_space<vmem_shared>>)
        tpu.yield
      }) : () -> ()
    }
    %barrier3A_215 = arith.constant 0 : index
    tpu.barrier barrier_id(%barrier3A_215)
    "tpu.region"() ({
      %run_scoped3A = tpu.sem_alloc : memref<!tpu.dma_semaphore, #tpu.memory_space<semaphore_mem>>
      %dma_start3A = arith.constant 0 : i32
      %dma_start3A_216 = tpu.memref_slice %arg6[%dma_start3A] : memref<640xf32, #tpu.memory_space<vmem>> -> memref<632xf32, #tpu.memory_space<vmem>>
      %dma_start3A_217 = tpu.memref_slice %arg7[%multiple_of3A_201] : memref<10112xf32, #tpu.memory_space<vmem_shared>> -> memref<632xf32, #tpu.memory_space<vmem_shared>>
      %dma_start3A_218 = arith.constant 0 : i32
      %dma_start3A_219 = tpu.memref_slice %arg6[%dma_start3A_218] : memref<640xf32, #tpu.memory_space<vmem>> -> memref<632xf32, #tpu.memory_space<vmem>>
      %dma_start3A_220 = tpu.memref_slice %arg7[%multiple_of3A_201] : memref<10112xf32, #tpu.memory_space<vmem_shared>> -> memref<632xf32, #tpu.memory_space<vmem_shared>>
      tpu.enqueue_dma source(%dma_start3A_220 : memref<632xf32, #tpu.memory_space<vmem_shared>>) target(%dma_start3A_219 : memref<632xf32, #tpu.memory_space<vmem>>) target_semaphore(%run_scoped3A : memref<!tpu.dma_semaphore, #tpu.memory_space<semaphore_mem>>)
      %dma_wait3A = arith.constant 0 : i32
      %dma_wait3A_221 = tpu.memref_slice %arg6[%dma_wait3A] : memref<640xf32, #tpu.memory_space<vmem>> -> memref<632xf32, #tpu.memory_space<vmem>>
      %dma_wait3A_222 = tpu.memref_slice %arg7[%multiple_of3A_201] : memref<10112xf32, #tpu.memory_space<vmem_shared>> -> memref<632xf32, #tpu.memory_space<vmem_shared>>
      %dma_wait3A_223 = arith.constant 0 : i32
      %dma_wait3A_224 = tpu.memref_slice %arg6[%dma_wait3A_223] : memref<640xf32, #tpu.memory_space<vmem>> -> memref<632xf32, #tpu.memory_space<vmem>>
      %dma_wait3A_225 = tpu.memref_slice %arg7[%multiple_of3A_201] : memref<10112xf32, #tpu.memory_space<vmem_shared>> -> memref<632xf32, #tpu.memory_space<vmem_shared>>
      tpu.wait_dma2 semaphore(%run_scoped3A : memref<!tpu.dma_semaphore, #tpu.memory_space<semaphore_mem>>) src(%dma_wait3A_225 : memref<632xf32, #tpu.memory_space<vmem_shared>>) dst(%dma_wait3A_224 : memref<632xf32, #tpu.memory_space<vmem>>)
      tpu.yield
    }) : () -> ()
    "tpu.region"() ({
      %run_scoped3A = tpu.sem_alloc : memref<!tpu.dma_semaphore, #tpu.memory_space<semaphore_mem>>
      %dma_start3A = arith.constant 0 : i32
      %dma_start3A_216 = tpu.memref_slice %arg6[%dma_start3A] : memref<640xf32, #tpu.memory_space<vmem>> -> memref<632xf32, #tpu.memory_space<vmem>>
      %dma_start3A_217 = tpu.memref_slice %arg3[%arg0, %multiple_of3A_201] : memref<2x10112xf32, #tpu.memory_space<hbm>> -> memref<1x632xf32, #tpu.memory_space<hbm>>
      %dma_start3A_218 = tpu.memref_squeeze %dma_start3A_217 : memref<1x632xf32, #tpu.memory_space<hbm>> -> memref<632xf32, #tpu.memory_space<hbm>>
      %dma_start3A_219 = tpu.memref_slice %arg3[%arg0, %multiple_of3A_201] : memref<2x10112xf32, #tpu.memory_space<hbm>> -> memref<1x632xf32, #tpu.memory_space<hbm>>
      %dma_start3A_220 = tpu.memref_squeeze %dma_start3A_219 : memref<1x632xf32, #tpu.memory_space<hbm>> -> memref<632xf32, #tpu.memory_space<hbm>>
      %dma_start3A_221 = arith.constant 0 : i32
      %dma_start3A_222 = tpu.memref_slice %arg6[%dma_start3A_221] : memref<640xf32, #tpu.memory_space<vmem>> -> memref<632xf32, #tpu.memory_space<vmem>>
      tpu.enqueue_dma source(%dma_start3A_222 : memref<632xf32, #tpu.memory_space<vmem>>) target(%dma_start3A_220 : memref<632xf32, #tpu.memory_space<hbm>>) target_semaphore(%run_scoped3A : memref<!tpu.dma_semaphore, #tpu.memory_space<semaphore_mem>>)
      %dma_wait3A = arith.constant 0 : i32
      %dma_wait3A_223 = tpu.memref_slice %arg6[%dma_wait3A] : memref<640xf32, #tpu.memory_space<vmem>> -> memref<632xf32, #tpu.memory_space<vmem>>
      %dma_wait3A_224 = tpu.memref_slice %arg3[%arg0, %multiple_of3A_201] : memref<2x10112xf32, #tpu.memory_space<hbm>> -> memref<1x632xf32, #tpu.memory_space<hbm>>
      %dma_wait3A_225 = tpu.memref_squeeze %dma_wait3A_224 : memref<1x632xf32, #tpu.memory_space<hbm>> -> memref<632xf32, #tpu.memory_space<hbm>>
      %dma_wait3A_226 = tpu.memref_slice %arg3[%arg0, %multiple_of3A_201] : memref<2x10112xf32, #tpu.memory_space<hbm>> -> memref<1x632xf32, #tpu.memory_space<hbm>>
      %dma_wait3A_227 = tpu.memref_squeeze %dma_wait3A_226 : memref<1x632xf32, #tpu.memory_space<hbm>> -> memref<632xf32, #tpu.memory_space<hbm>>
      %dma_wait3A_228 = arith.constant 0 : i32
      %dma_wait3A_229 = tpu.memref_slice %arg6[%dma_wait3A_228] : memref<640xf32, #tpu.memory_space<vmem>> -> memref<632xf32, #tpu.memory_space<vmem>>
      tpu.wait_dma2 semaphore(%run_scoped3A : memref<!tpu.dma_semaphore, #tpu.memory_space<semaphore_mem>>) src(%dma_wait3A_229 : memref<632xf32, #tpu.memory_space<vmem>>) dst(%dma_wait3A_227 : memref<632xf32, #tpu.memory_space<hbm>>)
      tpu.yield
    }) : () -> ()
    return
  }
}

module attributes {stable_mosaic.version = 14 : i64} {
  func.func @_t0_body(%arg0: memref<2x10112xf32, #tpu.memory_space<vmem>>, %arg1: memref<1x10112xf32, #tpu.memory_space<vmem>>) attributes {dimension_semantics = [], scalar_prefetch = 0 : i64, scratch_operands = 0 : i64, tpu.core_type = #tpu.core_type<tc>} {
    %get3A = arith.constant 0 : index
    %get3A_0 = arith.constant 0 : index
    %get3A_1 = vector.load %arg0[%get3A, %get3A_0] : memref<2x10112xf32, #tpu.memory_space<vmem>>, vector<1x10112xf32>
    %get3A_2 = arith.constant 1 : index
    %get3A_3 = arith.constant 0 : index
    %get3A_4 = vector.load %arg0[%get3A_2, %get3A_3] : memref<2x10112xf32, #tpu.memory_space<vmem>>, vector<1x10112xf32>
    %add3A = arith.addf %get3A_1, %get3A_4 : vector<1x10112xf32>
    %add3A_5 = arith.constant 1.000000e+00 : f32
    %add3A_6 = vector.broadcast %add3A_5 : f32 to vector<1x10112xf32>
    %add3A_7 = arith.addf %add3A, %add3A_6 : vector<1x10112xf32>
    %rsqrt3A = math.rsqrt %add3A_7 : vector<1x10112xf32>
    %swap3A = arith.constant 0 : index
    %swap3A_8 = arith.constant 0 : index
    %swap3A_9 = vector.load %arg1[%swap3A, %swap3A_8] : memref<1x10112xf32, #tpu.memory_space<vmem>>, vector<1x10112xf32>
    tpu.vector_store %arg1[%swap3A, %swap3A_8], %rsqrt3A {strides = array<i32>} : memref<1x10112xf32, #tpu.memory_space<vmem>>, vector<1x10112xf32>,
    return
  }
}

module attributes {stable_mosaic.version = 14 : i64} {
  func.func @_t1_body(%arg0: i32, %arg1: memref<1000x128xf32, #tpu.memory_space<vmem>>, %arg2: memref<128x128xf32, #tpu.memory_space<vmem>>, %arg3: memref<1000x1xf32, #tpu.memory_space<vmem>>, %arg4: memref<1000x128xbf16, #tpu.memory_space<vmem>>) attributes {dimension_semantics = [#tpu.dimension_semantics<arbitrary>], iteration_bounds = array<i64: 10>, scalar_prefetch = 0 : i64, scratch_operands = 0 : i64, tpu.core_type = #tpu.core_type<tc>, window_params = [{transform_indices = @transform_0, window_bounds = array<i64: 1000, 128>}, {pipeline_mode = #tpu.pipeline_mode<synchronous>, transform_indices = @transform_1, window_bounds = array<i64: 128, 128>}, {transform_indices = @transform_2, window_bounds = array<i64: 1000, 1>}, {transform_indices = @transform_3, window_bounds = array<i64: 1000, 128>}]} {
    %get3A = arith.constant 0 : index
    %get3A_0 = arith.constant 0 : index
    %get3A_1 = vector.load %arg1[%get3A, %get3A_0] : memref<1000x128xf32, #tpu.memory_space<vmem>>, vector<1000x128xf32>
    %get3A_2 = arith.constant 0 : index
    %get3A_3 = arith.constant 0 : index
    %get3A_4 = vector.load %arg2[%get3A_2, %get3A_3] : memref<128x128xf32, #tpu.memory_space<vmem>>, vector<128x128xf32>
    %dot_general3A = arith.constant dense<0.000000e+00> : vector<1000x128xf32>
    %dot_general3A_5 = tpu.matmul %get3A_1, %get3A_4, %dot_general3A {dimension_numbers = #tpu.dot_dimension_numbers<[1], [0], [0], [1], [0, 0, 1, 1], [], []>, transpose_lhs_hint = false} : vector<1000x128xf32>, vector<128x128xf32>, vector<1000x128xf32> -> vector<1000x128xf32>
    %get3A_6 = arith.constant 0 : index
    %get3A_7 = arith.constant 0 : index
    %get3A_8 = vector.load %arg3[%get3A_6, %get3A_7] : memref<1000x1xf32, #tpu.memory_space<vmem>>, vector<1000x1xf32>
    %mul3A = vector.broadcast %get3A_8 : vector<1000x1xf32> to vector<1000x128xf32>
    %mul3A_9 = arith.mulf %dot_general3A_5, %mul3A : vector<1000x128xf32>
    %convert_element_type3A = arith.truncf %mul3A_9 : vector<1000x128xf32> to vector<1000x128xbf16>
    %swap3A = arith.constant 0 : index
    %swap3A_10 = arith.constant 0 : index
    %swap3A_11 = vector.load %arg4[%swap3A, %swap3A_10] : memref<1000x128xbf16, #tpu.memory_space<vmem>>, vector<1000x128xbf16>
    tpu.vector_store %arg4[%swap3A, %swap3A_10], %convert_element_type3A {strides = array<i32>} : memref<1000x128xbf16, #tpu.memory_space<vmem>>, vector<1000x128xbf16>,
    return
  }
  func.func @transform_0(%arg0: i32) -> (i32, i32) {
    %c0_i32 = arith.constant 0 : i32
    %c0_i32_0 = arith.constant 0 : i32
    return %arg0, %c0_i32 : i32, i32
  }
  func.func @transform_1(%arg0: i32) -> (i32, i32) {
    %c0_i32 = arith.constant 0 : i32
    %c0_i32_0 = arith.constant 0 : i32
    %c0_i32_1 = arith.constant 0 : i32
    return %c0_i32, %c0_i32_0 : i32, i32
  }
  func.func @transform_2(%arg0: i32) -> (i32, i32) {
    %c0_i32 = arith.constant 0 : i32
    %c0_i32_0 = arith.constant 0 : i32
    return %arg0, %c0_i32 : i32, i32
  }
  func.func @transform_3(%arg0: i32) -> (i32, i32) {
    %c0_i32 = arith.constant 0 : i32
    %c0_i32_0 = arith.constant 0 : i32
    return %arg0, %c0_i32 : i32, i32
  }
}

module attributes {stable_mosaic.version = 14 : i64} {
  func.func @_t2_body(%arg0: i32, %arg1: memref<2x1000x128xbf16, #tpu.memory_space<vmem>>, %arg2: memref<1000x128xbf16, #tpu.memory_space<vmem>>, %arg3: memref<1000x1xf32, #tpu.memory_space<vmem>>, %arg4: memref<1x128xf32, #tpu.memory_space<vmem>>, %arg5: memref<128x64xf32, #tpu.memory_space<vmem>>, %arg6: memref<1000x64xbf16, #tpu.memory_space<vmem>>) attributes {dimension_semantics = [#tpu.dimension_semantics<arbitrary>], iteration_bounds = array<i64: 10>, scalar_prefetch = 0 : i64, scratch_operands = 0 : i64, tpu.core_type = #tpu.core_type<tc>, window_params = [{transform_indices = @transform_0, window_bounds = array<i64: 2, 1000, 128>}, {transform_indices = @transform_1, window_bounds = array<i64: 1000, 128>}, {transform_indices = @transform_2, window_bounds = array<i64: 1000, 1>}, {pipeline_mode = #tpu.pipeline_mode<synchronous>, transform_indices = @transform_3, window_bounds = array<i64: 1, 128>}, {pipeline_mode = #tpu.pipeline_mode<synchronous>, transform_indices = @transform_4, window_bounds = array<i64: 128, 64>}, {transform_indices = @transform_5, window_bounds = array<i64: 1000, 64>}]} {
    %get3A = arith.constant 0 : index
    %get3A_0 = arith.constant 0 : index
    %get3A_1 = vector.load %arg3[%get3A, %get3A_0] : memref<1000x1xf32, #tpu.memory_space<vmem>>, vector<1000x1xf32>
    %get3A_2 = arith.constant 0 : index
    %get3A_3 = arith.constant 0 : index
    %get3A_4 = arith.constant 0 : index
    %get3A_5 = vector.load %arg1[%get3A_2, %get3A_3, %get3A_4] : memref<2x1000x128xbf16, #tpu.memory_space<vmem>>, vector<1x1000x128xbf16>
    %get3A_6 = vector.shape_cast %get3A_5 : vector<1x1000x128xbf16> to vector<1000x128xbf16>
    %convert_element_type3A = arith.extf %get3A_6 : vector<1000x128xbf16> to vector<1000x128xf32>
    %get3A_7 = arith.constant 1 : index
    %get3A_8 = arith.constant 0 : index
    %get3A_9 = arith.constant 0 : index
    %get3A_10 = vector.load %arg1[%get3A_7, %get3A_8, %get3A_9] : memref<2x1000x128xbf16, #tpu.memory_space<vmem>>, vector<1x1000x128xbf16>
    %get3A_11 = vector.shape_cast %get3A_10 : vector<1x1000x128xbf16> to vector<1000x128xbf16>
    %convert_element_type3A_12 = arith.extf %get3A_11 : vector<1000x128xbf16> to vector<1000x128xf32>
    %add3A = arith.addf %convert_element_type3A, %convert_element_type3A_12 : vector<1000x128xf32>
    %get3A_13 = arith.constant 0 : index
    %get3A_14 = arith.constant 0 : index
    %get3A_15 = vector.load %arg2[%get3A_13, %get3A_14] : memref<1000x128xbf16, #tpu.memory_space<vmem>>, vector<1000x128xbf16>
    %convert_element_type3A_16 = arith.extf %get3A_15 : vector<1000x128xbf16> to vector<1000x128xf32>
    %add3A_17 = arith.addf %add3A, %convert_element_type3A_16 : vector<1000x128xf32>
    %mul3A = vector.broadcast %get3A_1 : vector<1000x1xf32> to vector<1000x128xf32>
    %mul3A_18 = arith.mulf %mul3A, %add3A_17 : vector<1000x128xf32>
    %get3A_19 = arith.constant 0 : index
    %get3A_20 = arith.constant 0 : index
    %get3A_21 = vector.load %arg4[%get3A_19, %get3A_20] : memref<1x128xf32, #tpu.memory_space<vmem>>, vector<1x128xf32>
    %add3A_22 = vector.broadcast %get3A_21 : vector<1x128xf32> to vector<1000x128xf32>
    %add3A_23 = arith.addf %mul3A_18, %add3A_22 : vector<1000x128xf32>
    %max3A = arith.constant 0.000000e+00 : f32
    %max3A_24 = vector.broadcast %max3A : f32 to vector<1000x128xf32>
    %max3A_25 = arith.maximumf %add3A_23, %max3A_24 : vector<1000x128xf32>
    %get3A_26 = arith.constant 0 : index
    %get3A_27 = arith.constant 0 : index
    %get3A_28 = vector.load %arg5[%get3A_26, %get3A_27] : memref<128x64xf32, #tpu.memory_space<vmem>>, vector<128x64xf32>
    %dot_general3A = arith.constant dense<0.000000e+00> : vector<1000x64xf32>
    %dot_general3A_29 = tpu.matmul %max3A_25, %get3A_28, %dot_general3A {dimension_numbers = #tpu.dot_dimension_numbers<[1], [0], [0], [1], [0, 0, 1, 1], [], []>, transpose_lhs_hint = false} : vector<1000x128xf32>, vector<128x64xf32>, vector<1000x64xf32> -> vector<1000x64xf32>
    %mul3A_30 = vector.broadcast %get3A_1 : vector<1000x1xf32> to vector<1000x64xf32>
    %mul3A_31 = arith.mulf %dot_general3A_29, %mul3A_30 : vector<1000x64xf32>
    %convert_element_type3A_32 = arith.truncf %mul3A_31 : vector<1000x64xf32> to vector<1000x64xbf16>
    %swap3A = arith.constant 0 : index
    %swap3A_33 = arith.constant 0 : index
    %swap3A_34 = vector.load %arg6[%swap3A, %swap3A_33] : memref<1000x64xbf16, #tpu.memory_space<vmem>>, vector<1000x64xbf16>
    tpu.vector_store %arg6[%swap3A, %swap3A_33], %convert_element_type3A_32 {strides = array<i32>} : memref<1000x64xbf16, #tpu.memory_space<vmem>>, vector<1000x64xbf16>,
    return
  }
  func.func @transform_0(%arg0: i32) -> (i32, i32, i32) {
    %c0_i32 = arith.constant 0 : i32
    %c0_i32_0 = arith.constant 0 : i32
    %c0_i32_1 = arith.constant 0 : i32
    return %c0_i32, %arg0, %c0_i32_0 : i32, i32, i32
  }
  func.func @transform_1(%arg0: i32) -> (i32, i32) {
    %c0_i32 = arith.constant 0 : i32
    %c0_i32_0 = arith.constant 0 : i32
    return %arg0, %c0_i32 : i32, i32
  }
  func.func @transform_2(%arg0: i32) -> (i32, i32) {
    %c0_i32 = arith.constant 0 : i32
    %c0_i32_0 = arith.constant 0 : i32
    return %arg0, %c0_i32 : i32, i32
  }
  func.func @transform_3(%arg0: i32) -> (i32, i32) {
    %c0_i32 = arith.constant 0 : i32
    %c0_i32_0 = arith.constant 0 : i32
    %c0_i32_1 = arith.constant 0 : i32
    return %c0_i32, %c0_i32_0 : i32, i32
  }
  func.func @transform_4(%arg0: i32) -> (i32, i32) {
    %c0_i32 = arith.constant 0 : i32
    %c0_i32_0 = arith.constant 0 : i32
    %c0_i32_1 = arith.constant 0 : i32
    return %c0_i32, %c0_i32_0 : i32, i32
  }
  func.func @transform_5(%arg0: i32) -> (i32, i32) {
    %c0_i32 = arith.constant 0 : i32
    %c0_i32_0 = arith.constant 0 : i32
    return %arg0, %c0_i32 : i32, i32
  }
}

module attributes {stable_mosaic.version = 14 : i64} {
  func.func @_t3_body(%arg0: i32, %arg1: memref<2x1000x64xbf16, #tpu.memory_space<vmem>>, %arg2: memref<1000x64xbf16, #tpu.memory_space<vmem>>, %arg3: memref<1000x1xf32, #tpu.memory_space<vmem>>, %arg4: memref<1x64xf32, #tpu.memory_space<vmem>>, %arg5: memref<1000x64xf32, #tpu.memory_space<vmem>>) attributes {dimension_semantics = [#tpu.dimension_semantics<arbitrary>], iteration_bounds = array<i64: 10>, scalar_prefetch = 0 : i64, scratch_operands = 0 : i64, tpu.core_type = #tpu.core_type<tc>, window_params = [{transform_indices = @transform_0, window_bounds = array<i64: 2, 1000, 64>}, {transform_indices = @transform_1, window_bounds = array<i64: 1000, 64>}, {transform_indices = @transform_2, window_bounds = array<i64: 1000, 1>}, {pipeline_mode = #tpu.pipeline_mode<synchronous>, transform_indices = @transform_3, window_bounds = array<i64: 1, 64>}, {transform_indices = @transform_4, window_bounds = array<i64: 1000, 64>}]} {
    %get3A = arith.constant 0 : index
    %get3A_0 = arith.constant 0 : index
    %get3A_1 = arith.constant 0 : index
    %get3A_2 = vector.load %arg1[%get3A, %get3A_0, %get3A_1] : memref<2x1000x64xbf16, #tpu.memory_space<vmem>>, vector<1x1000x64xbf16>
    %get3A_3 = vector.shape_cast %get3A_2 : vector<1x1000x64xbf16> to vector<1000x64xbf16>
    %get3A_4 = arith.constant 1 : index
    %get3A_5 = arith.constant 0 : index
    %get3A_6 = arith.constant 0 : index
    %get3A_7 = vector.load %arg1[%get3A_4, %get3A_5, %get3A_6] : memref<2x1000x64xbf16, #tpu.memory_space<vmem>>, vector<1x1000x64xbf16>
    %get3A_8 = vector.shape_cast %get3A_7 : vector<1x1000x64xbf16> to vector<1000x64xbf16>
    %add3A = arith.addf %get3A_3, %get3A_8 : vector<1000x64xbf16>
    %convert_element_type3A = arith.extf %add3A : vector<1000x64xbf16> to vector<1000x64xf32>
    %get3A_9 = arith.constant 0 : index
    %get3A_10 = arith.constant 0 : index
    %get3A_11 = vector.load %arg3[%get3A_9, %get3A_10] : memref<1000x1xf32, #tpu.memory_space<vmem>>, vector<1000x1xf32>
    %get3A_12 = arith.constant 0 : index
    %get3A_13 = arith.constant 0 : index
    %get3A_14 = vector.load %arg2[%get3A_12, %get3A_13] : memref<1000x64xbf16, #tpu.memory_space<vmem>>, vector<1000x64xbf16>
    %convert_element_type3A_15 = arith.extf %get3A_14 : vector<1000x64xbf16> to vector<1000x64xf32>
    %add3A_16 = arith.addf %convert_element_type3A, %convert_element_type3A_15 : vector<1000x64xf32>
    %mul3A = vector.broadcast %get3A_11 : vector<1000x1xf32> to vector<1000x64xf32>
    %mul3A_17 = arith.mulf %mul3A, %add3A_16 : vector<1000x64xf32>
    %get3A_18 = arith.constant 0 : index
    %get3A_19 = arith.constant 0 : index
    %get3A_20 = vector.load %arg4[%get3A_18, %get3A_19] : memref<1x64xf32, #tpu.memory_space<vmem>>, vector<1x64xf32>
    %add3A_21 = vector.broadcast %get3A_20 : vector<1x64xf32> to vector<1000x64xf32>
    %add3A_22 = arith.addf %mul3A_17, %add3A_21 : vector<1000x64xf32>
    %reduce_max3A = arith.constant dense<0xFF800000> : vector<1000xf32>
    %reduce_max3A_23 = vector.multi_reduction <maximumf>, %add3A_22, %reduce_max3A [1] : vector<1000x64xf32> to vector<1000xf32>
    %broadcast_in_dim3A = vector.shape_cast %reduce_max3A_23 : vector<1000xf32> to vector<1000x1xf32>
    %sub3A = vector.broadcast %broadcast_in_dim3A : vector<1000x1xf32> to vector<1000x64xf32>
    %sub3A_24 = arith.subf %add3A_22, %sub3A : vector<1000x64xf32>
    %exp3A = math.exp %sub3A_24 : vector<1000x64xf32>
    %reduce_sum3A = arith.constant dense<0.000000e+00> : vector<1000xf32>
    %reduce_sum3A_25 = vector.multi_reduction <add>, %exp3A, %reduce_sum3A [1] : vector<1000x64xf32> to vector<1000xf32>
    %broadcast_in_dim3A_26 = vector.shape_cast %reduce_sum3A_25 : vector<1000xf32> to vector<1000x1xf32>
    %log3A = math.log %broadcast_in_dim3A_26 : vector<1000x1xf32>
    %sub3A_27 = vector.broadcast %log3A : vector<1000x1xf32> to vector<1000x64xf32>
    %sub3A_28 = arith.subf %sub3A_24, %sub3A_27 : vector<1000x64xf32>
    %swap3A = arith.constant 0 : index
    %swap3A_29 = arith.constant 0 : index
    %swap3A_30 = vector.load %arg5[%swap3A, %swap3A_29] : memref<1000x64xf32, #tpu.memory_space<vmem>>, vector<1000x64xf32>
    tpu.vector_store %arg5[%swap3A, %swap3A_29], %sub3A_28 {strides = array<i32>} : memref<1000x64xf32, #tpu.memory_space<vmem>>, vector<1000x64xf32>,
    return
  }
  func.func @transform_0(%arg0: i32) -> (i32, i32, i32) {
    %c0_i32 = arith.constant 0 : i32
    %c0_i32_0 = arith.constant 0 : i32
    %c0_i32_1 = arith.constant 0 : i32
    return %c0_i32, %arg0, %c0_i32_0 : i32, i32, i32
  }
  func.func @transform_1(%arg0: i32) -> (i32, i32) {
    %c0_i32 = arith.constant 0 : i32
    %c0_i32_0 = arith.constant 0 : i32
    return %arg0, %c0_i32 : i32, i32
  }
  func.func @transform_2(%arg0: i32) -> (i32, i32) {
    %c0_i32 = arith.constant 0 : i32
    %c0_i32_0 = arith.constant 0 : i32
    return %arg0, %c0_i32 : i32, i32
  }
  func.func @transform_3(%arg0: i32) -> (i32, i32) {
    %c0_i32 = arith.constant 0 : i32
    %c0_i32_0 = arith.constant 0 : i32
    %c0_i32_1 = arith.constant 0 : i32
    return %c0_i32, %c0_i32_0 : i32, i32
  }
  func.func @transform_4(%arg0: i32) -> (i32, i32) {
    %c0_i32 = arith.constant 0 : i32
    %c0_i32_0 = arith.constant 0 : i32
    return %arg0, %c0_i32 : i32, i32
  }
}

</mosaic_0001>

<sc_bundles>
// kernel: kernel.12.cloned.1.call-start
scs
__scs_entry_jumppad:
0x0: {  	(pc) =	sbr.rel $0x88, $3  }
0x1: {  	(tag) =	ssettag $0x0;
	lr =	simm.s32 $0x1  }
0x2: {  	[smem:$0x3F9B] =	sst lr;
	_ =	strace $0xD0000000  }
0x3: {  	_ = 	snop  }
0x4: {  	_ = 	snop  }
0x5: {  	_ = 	snop  }
0x6: {  	_ = 	snop  }
0x7: {  	_ = 	snop  }
__scs_overlays_trampoline_lowered:
0x8: {  	[smem:$0x3FAA] =	sst s0  }
0x9: {  	[smem:$0x3FAB] =	sst s1  }
0xa: {  	[smem:$0x3FAC] =	sst s2  }
0xb: {  	[smem:$0x3FAD] =	sst s3  }
0xc: {  	[smem:$0x3FAE] =	sst s4  }
0xd: {  	[smem:$0x3FAF] =	sst s5  }
0xe: {  	[smem:$0x3FB0] =	sst s6  }
0xf: {  	[smem:$0x3FB1] =	sst s7  }
0x10: {  	[smem:$0x3FB2] =	sst s8  }
0x11: {  	[smem:$0x3FB3] =	sst s9;
	s0 =	simm.s32 @!p0 $0x0  }
0x12: {  	s1 =	sld [smem:$0x3F99];
	s0 =	simm.s32 @p0 $0x1  }
0x13: {  	[smem:$0x3FB4] =	sst s0;
	s0 =	simm.s32 @!p1 $0x0  }
0x14: {  	s2 =	sld [smem:$0x3F98];
	s0 =	simm.s32 @p1 $0x1  }
0x15: {  	[smem:$0x3FB5] =	sst s0;
	s0 =	simm.s32 @!p2 $0x0  }
0x16: {  	s3 =	sld [smem:$0x3FDB];
	s0 =	simm.s32 @p2 $0x1  }
0x17: {  	s4 =	simm.s32 $0x1BF5;
	[smem:$0x3FB7] =	sst s0  }
0x18: {  	s0 =	sld [smem:$0x3F9A];
	_ =	swait.ge [sflag:s4], $0x0  }
0x19: {  	s7 =	sld [smem:$0x3F9B]  }
0x1a: {  	s8 =	sadd.s32 $0xFFFFE003, lr  }
0x1b: {  	s9 =	sadd.s32 $0xFFFFFEF7, lr;
	s5 =	simm.s32 $0xFFFFFFFF;
	p2 =	slt.u32 s8, $0xFFFFF086  }
0x1c: {  	p1 =	slt.u32 s9, $0xF7A;
	s5 =	simm.s32 @!p2 $0x0  }
0x1d: {  	s5 =	simm.s32 @p1 $0x1;
	p0 =	seq.s32 s7, s2  }
0x1e: {  	s7 =	smul.u32 @!p0 $0xF7A, s2;
	p2 =	seq.s32 @!p0 s5, $0x0  }
0x1f: {  	s9 =	smul.u32 $0xF7A, s1;
	s8 =	simm.s32 @!p0 $0x1BF5;
	p2 =	por !p2, p0  }
0x20: {  	[sflag:s8] =	ssyncset.s32 @!p0 $0xFFFFF086;
	s6 =	sadd.s32 @!p0 s3, s7;
	s7 =	simm.s32 @!p0 $0x108  }
0x21: {  	s3 =	sadd.s32 s3, s9;
	s6 =	sadd.s32 @!p0 $0x88, s6;
	s7 =	simm.s32 @p2 $0x1082  }
0x22: {  	[simem:s7], [sflag:s8] =	dma.local @!p0 [hbm:s6], $0xF7A  }
0x23: {  	s9 =	sor.u32 $0xD0000000, s2;
	s6 =	simm.s32 $0x108;
	_ =	swait.ge @!p0 [sflag:s8], $0x0  }
0x24: {  	s3 =	sadd.s32 $0x88, s3;
	s6 =	simm.s32 @!p1 $0x1082;
	[sflag:s4] =	ssyncset.s32 $0xFFFFF086  }
0x25: {  	[simem:s6], [sflag:s4] =	dma.local [hbm:s3], $0xF7A  }
0x26: {  	[smem:$0x3F9B] =	sst s1;
	(tag) =	ssettag s2;
	_ =	strace s9  }
0x27: {  	s1 =	sld [smem:$0x3FAB]  }
0x28: {  	s2 =	sld [smem:$0x3FAC]  }
0x29: {  	s4 =	sld [smem:$0x3FAE]  }
0x2a: {  	p0 =	seq.s32 s5, $0x0;
	s5 =	sld [smem:$0x3FAF]  }
0x2b: {  	s6 =	sld [smem:$0x3FB0]  }
0x2c: {  	s7 =	sld [smem:$0x3FB1]  }
0x2d: {  	s3 =	simm.s32 $0x108;
	s8 =	sld [smem:$0x3FB2]  }
0x2e: {  	s3 =	simm.s32 @!p0 $0x1082;
	s9 =	sld [smem:$0x3FB3]  }
0x2f: {  	lr =	sadd.s32 s0, s3;
	s0 =	sld [smem:$0x3FAA]  }
0x30: {  	s3 =	sld [smem:$0x3FAD]  }
0x31: {  	[smem:$0x3FB6] =	sst s10  }
0x32: {  	s10 =	sld [smem:$0x3FB4];
	_ =	sdelay $0x3  }
0x33: {  	p0 =	seq.s32 s10, $0x1;
	s10 =	sld [smem:$0x3FB6];
	_ =	sdelay $0x3  }
0x34: {  	[smem:$0x3FB6] =	sst s10  }
0x35: {  	s10 =	sld [smem:$0x3FB5];
	_ =	sdelay $0x3  }
0x36: {  	p1 =	seq.s32 s10, $0x1;
	s10 =	sld [smem:$0x3FB6];
	_ =	sdelay $0x3  }
0x37: {  	[smem:$0x3FB6] =	sst s10  }
0x38: {  	s10 =	sld [smem:$0x3FB7]  }
0x39: {  	_ = 	snop;
	(pc) =	sbr.ind lr, $3  }
0x3a: {  	_ = 	snop  }
0x3b: {  	_ = 	snop  }
0x3c: {  	p2 =	seq.s32 s10, $0x1;
	s10 =	sld [smem:$0x3FB6]  }
0x3d: {  	_ =	shalt  }
0x3e: {  	_ =	shalt  }
0x3f: {  	_ =	shalt  }
0x40: {  	_ =	shalt  }
0x41: {  	_ =	shalt  }
0x42: {  	_ =	shalt  }
0x43: {  	_ =	shalt  }
0x44: {  	_ =	shalt  }
0x45: {  	_ =	shalt  }
0x46: {  	_ =	shalt  }
0x47: {  	_ =	shalt  }
0x48: {  	_ =	shalt  }
0x49: {  	_ =	shalt  }
0x4a: {  	_ =	shalt  }
0x4b: {  	_ =	shalt  }
0x4c: {  	_ =	shalt  }
0x4d: {  	_ =	shalt  }
0x4e: {  	_ =	shalt  }
0x4f: {  	_ =	shalt  }
0x50: {  	_ =	shalt  }
0x51: {  	_ =	shalt  }
0x52: {  	_ =	shalt  }
0x53: {  	_ =	shalt  }
0x54: {  	_ =	shalt  }
0x55: {  	_ =	shalt  }
0x56: {  	_ =	shalt  }
0x57: {  	_ =	shalt  }
0x58: {  	_ =	shalt  }
0x59: {  	_ =	shalt  }
0x5a: {  	_ =	shalt  }
0x5b: {  	_ =	shalt  }
0x5c: {  	_ =	shalt  }
0x5d: {  	_ =	shalt  }
0x5e: {  	_ =	shalt  }
0x5f: {  	_ =	shalt  }
0x60: {  	_ =	shalt  }
0x61: {  	_ =	shalt  }
0x62: {  	_ =	shalt  }
0x63: {  	_ =	shalt  }
0x64: {  	_ =	shalt  }
0x65: {  	_ =	shalt  }
0x66: {  	_ =	shalt  }
0x67: {  	_ =	shalt  }
0x68: {  	_ =	shalt  }
0x69: {  	_ =	shalt  }
0x6a: {  	_ =	shalt  }
0x6b: {  	_ =	shalt  }
0x6c: {  	_ =	shalt  }
0x6d: {  	_ =	shalt  }
0x6e: {  	_ =	shalt  }
0x6f: {  	_ =	shalt  }
0x70: {  	_ =	shalt  }
0x71: {  	_ =	shalt  }
0x72: {  	_ =	shalt  }
0x73: {  	_ =	shalt  }
0x74: {  	_ =	shalt  }
0x75: {  	_ =	shalt  }
0x76: {  	_ =	shalt  }
0x77: {  	_ =	shalt  }
0x78: {  	_ =	shalt  }
0x79: {  	_ =	shalt  }
0x7a: {  	_ =	shalt  }
0x7b: {  	_ =	shalt  }
0x7c: {  	_ =	shalt  }
0x7d: {  	_ =	shalt  }
0x7e: {  	_ =	shalt  }
0x7f: {  	_ =	shalt  }
0x80: {  	_ =	shalt  }
0x81: {  	_ =	shalt  }
0x82: {  	_ =	shalt  }
0x83: {  	_ =	shalt  }
0x84: {  	_ =	shalt  }
0x85: {  	_ =	shalt  }
0x86: {  	_ =	shalt  }
0x87: {  	_ =	shalt  }
.Lfunc_end0:
.L_simem_size_0:
called_computation.1_lowered:
.L_overlay_start_0:
0x88: {  	s2 =	sld [smem:$0x3FD9]  }
0x89: {  	s3 =	sld [smem:$0x3FFE];
	_ =	sdelay $0x1  }
0x8a: {  	s1 =	srdreg.scid  }
0x8b: {  	s0 =	sand.u32 $0x1, s1  }
0x8c: {  	s17 =	sshll.u32 s0, $0xA;
	s2 =	sadd.s32 s3, s2  }
0x8d: {  	s2 =	sadd.s32 s2, s17  }
0x8e: {  	[smem:$0x3FC2] =	sst s2  }
0x8f: {  	_ = 	snop  }
0x90: {  	s2 =	sld [smem:$0x3FD0];
	(tm) =	ssettm $0x1  }
0x91: {  	s18 =	sld [smem:$0x3FFB];
	_ =	sdelay $0x3  }
0x92: {  	_ =	strace s18  }
0x93: {  	s3 =	sld [smem:$0x3FFC];
	_ =	sdelay $0x3  }
0x94: {  	_ =	strace s3  }
0x95: {  	s3 =	sld [smem:$0x3FFD];
	_ =	sdelay $0x3  }
0x96: {  	_ =	strace s3  }
0x97: {  	_ =	strace $0x8FFFFFFF  }
0x98: {  	s19 =	sld [smem:$0x3FDB];
	_ =	sdelay $0x1  }
0x99: {  	s4 =	simm.s32 $_scs_section_size  }
0x9a: {  	s5 =	simm.s32 $_size__tile_overlayer_lowered;
	s6 =	simm.s32 $_tile_overlayer_lowered  }
0x9b: {  	s22 =	simm.s32 $0x1BFF;
	s21 =	sshll.u32 s6, $0x1;
	s3 =	sadd.s32 s4, s19  }
0x9c: {  	s7 =	simm.s32 $0x0;
	s20 =	sshll.u32 s5, $0x1;
	s5 =	sadd.s32 s21, s3  }
0x9d: {  	[timem:s7], [sflag:s22] =	dma.local [hbm:s5], s20  }
0x9e: {  	_ =	swait.ge [sflag:s22], s20  }
0x9f: {  	s4 =	ssub.s32 $0x0, s20;
	[sflag:s22] =	ssyncset.done $0x0  }
0xa0: {  	[sflag:s22] =	ssyncadd.s32 s4;
	_ =	sdelay $0x1  }
0xa1: {  	s23 =	simm.s32 $0x1B8B  }
0xa2: {  	_ =	swait.ge [sflag:s23], $0x1  }
0xa3: {  	[sflag:s23] =	ssyncset.done $0x0  }
0xa4: {  	s25 =	simm.s32 $0x1B8E;
	s24 =	sld [smem:$0x3FFE];
	[sflag:s23] =	ssyncadd.s32 $0xFFFFFFFF  }
0xa5: {  	s26 =	simm.s32 $execute0_lowered;
	[smem:$0x3FD2] =	sst s25  }
0xa6: {  	s5 =	sshll.u32 s26, $0x1;
	_ =	strace $0x80000049;
	[dreg:$0x1] =	wrdreg $0xFFFFFFFF  }
0xa7: {  	s28 =	simm.s32 $_size_execute0_lowered;
	s3 =	sadd.s32 s3, s5;
	[dreg:$0x0] =	wrdreg $0x0  }
0xa8: {  	s5 =	sshll.u32 s28, $0x1;
	[dreg:$0x2] =	wrdreg s3  }
0xa9: {  	[dreg:$0x3] =	wrdreg s5  }
0xaa: {  	[dreg:$0x4] =	wrdreg $0xC0  }
0xab: {  	_ =	task [dreg:s7], $0x5FFFF  }
0xac: {  	[dreg:$0x1] =	wrdreg $0xFFFFFFFF  }
0xad: {  	[dreg:$0x0] =	wrdreg $0x60  }
0xae: {  	[dreg:$0x2] =	wrdreg s2  }
0xaf: {  	[dreg:$0x3] =	wrdreg s24  }
0xb0: {  	[dreg:$0x4] =	wrdreg $0xDC000  }
0xb1: {  	[dreg:$0x5] =	wrdreg $0x9  }
0xb2: {  	_ =	task.clear_ibuf [dreg:s7], $0x6FFFF;
	_ =	strace $0x90000049  }
0xb3: {  	s29 =	simm.s32 $0x9;
	_ =	strace $0x8000004B  }
0xb4: {  	_ =	swait.ge [sflag:s29], $0x1  }
0xb5: {  	[sflag:s29] =	ssyncadd.s32 $0xFFFFFFFF  }
0xb6: {  	_ =	strace $0x9000004B  }
0xb7: {  	_ =	sfence  }
0xb8: {  	s30 =	sld [smem:$0x0];
	_ =	sdelay $0x2  }
0xb9: {  	s31 =	sshll.u32 s1, $0xD;
	s1 =	sshrl.u32 s1, $0x2  }
0xba: {  	s3 =	sand.u32 $0x4000, s31;
	s1 =	sadd.s32 s1, s30  }
0xbb: {  	s0 =	sor.u32 s3, s0;
	s1 =	sshll.u32 s1, $0x11  }
0xbc: {  	s0 =	sor.u32 s1, s0  }
0xbd: {  	s0 =	sadd.s32 $0x8F2B, s0  }
0xbe: {  	[sflag:s0] =	ssyncadd.remote.s32 $0x1  }
0xbf: {  	_ =	sfence.sel $0xFFFF  }
0xc0: {  	[dreg:$0x0] =	wrdreg $0xFFFFFFFF;
	(pc) =	sbr.abs _section_cstart, $3  }
0xc1: {  	[dreg:$0x1] =	wrdreg $0xFFFFFFFF  }
0xc2: {  	_ =	task.clear_ibuf [dreg:s7], $0x2FFFF;
	_ =	strace $0x9FFFFFFF  }
0xc3: {  	(tm) =	ssettm $0x7FFFFFFF  }
tec
execute0_lowered:
.L_overlay_start_1:
0x0: {  	(tag) =	ssettag $0x1  }
0x1: {  	s1 =	rddreg [dreg:$0x0]  }
0x2: {  	s0 =	rddreg [dreg:$0x1]  }
0x3: {  	s3 =	rddreg [dreg:$0x2];
	s4 =	simm.s32 $0x0;
	s2 =	srdreg.scid  }
0x4: {  	s10 =	stileid.u32;
	s28 =	simm.s32 $0x1;
	s29 =	simm.s32 $0x2  }
0x5: {  	s30 =	simm.s32 $0x0;
	s2 =	sand.u32 $0x1, s2;
	s5 =	smul.u32 $0x98, s10  }
0x6: {  	s6 =	sshll.u32 s10, $0x3;
	[smem:$0x7FF] =	sst s4;
	s8 =	smul.u32 $0x27800, s10  }
0x7: {  	s17 =	smul.u32 $0x13C00, s10;
	p0 =	seq.s32 s2, $0x0;
	s6 =	sor.u32 $0x980, s6  }
0x8: {  	_ =	strace $0x8000004A;
	s21 =	ssub.s32 $0x2, s2;
	s2 =	smul.u32 $0x13C000, s2  }
0x9: {  	s5 =	smov.u32 @p0 s6;
	s7 =	sshrl.u32 s21, $0x1;
	s22 =	sshrl.u32 s8, $0x2  }
0xa: {  	s10 =	sadd.s32 $0x10000, s17;
	s24 =	sshrl.u32 s17, $0x1;
	s15 =	sadd.s32 $0x4000, s17  }
0xb: {  	s26 =	sadd.s32 $0x8000, s17;
	s20 =	sadd.s32 $0xC000, s17;
	s5 =	sshll.u32 s5, $0x4  }
0xc: {  	s13 =	ssub.s32 s21, s7;
	s7 =	sadd.s32 s22, s3;
	s11 =	sshrl.u32 s10, $0x1  }
0xd: {  	s12 =	sadd.s32 s2, s10;
	s14 =	sadd.s32 s2, s17;
	s16 =	sshrl.u32 s15, $0x1  }
0xe: {  	s18 =	sadd.s32 s2, s15;
	s19 =	sshrl.u32 s26, $0x1;
	s31 =	sshrl.u32 s20, $0x1  }
0xf: {  	s21 =	simm.s32 $0x3;
	s9 =	sadd.s32 s5, s0;
	s0 =	sadd.s32 $0x2B800, s0  }
0x10: {  	s8 =	sadd.s32 $0x9C00, s7;
	s10 =	sadd.s32 s11, s3;
	s23 =	sshrl.u32 s12, $0x4  }
0x11: {  	s12 =	sadd.s32 s24, s3;
	s13 =	smax.u32 s13, $0x1;
	s14 =	sshrl.u32 s14, $0x4  }
0x12: {  	s15 =	sadd.s32 s16, s3;
	s25 =	sshrl.u32 s18, $0x4;
	s17 =	sadd.s32 s19, s3  }
0x13: {  	s18 =	sadd.s32 s2, s26;
	s2 =	sadd.s32 s2, s20;
	s19 =	sadd.s32 s31, s3  }
0x14: {  	s24 =	simm.s32 $0x80;
	s26 =	simm.s32 $0xB800;
	s5 =	sadd.s32 $0x16400, s9  }
0x15: {  	s6 =	sadd.s32 $0x20E00, s9;
	s9 =	simm.s32 $0x4;
	s11 =	sadd.s32 s0, s23  }
0x16: {  	s14 =	sadd.s32 s0, s14;
	s16 =	sadd.s32 s0, s25;
	s18 =	sshrl.u32 s18, $0x4  }
0x17: {  	s2 =	sshrl.u32 s2, $0x4;
	s23 =	simm.s32 $0xD800;
	s25 =	simm.s32 $0x9800  }
0x18: {  	v0 =	vimm.bf16 $0.0e+00;
	s9 =	simm.s32 @!p0 $0x4C;
	s18 =	sadd.s32 s0, s18;
	s20 =	sadd.s32 s0, s2  }
.LBB2_1:
0x19: {  	[tilespmem:s4], [sflag:$0x3] =	stream.linear.gather [hbm4b:s5+s4], $0x4C00, $0x38;
	[tilespmem:$0x17A00] =	vst v63  }
0x1a: {  	_ =	swait.ge [sflag:s21], $0x4C00  }
0x1b: {  	[sflag:s21] =	ssyncset.done $0x0  }
0x1c: {  	s0 =	simm.s32 $0x4C00;
	[sflag:s21] =	ssyncadd.s32 $0xFFFFB400  }
0x1d: {  	[tilespmem:s0], [sflag:$0x3] =	stream.linear.gather [hbm4b:s6+s4], $0x4C00, $0x38;
	[tilespmem:$0x17A00] =	vst v63  }
0x1e: {  	_ =	swait.ge [sflag:s21], $0x4C00  }
0x1f: {  	[sflag:s21] =	ssyncset.done $0x0  }
0x20: {  	[sflag:s21] =	ssyncadd.s32 $0xFFFFB400  }
0x21: {  	[tilespmem:$0xD800] =	vst v0  }
0x22: {  	[tilespmem:$0xD810] =	vst v0  }
0x23: {  	[tilespmem:$0xD820] =	vst v0  }
0x24: {  	[tilespmem:$0xD830] =	vst v0  }
0x25: {  	[tilespmem:$0xD840] =	vst v0  }
0x26: {  	[tilespmem:$0xD850] =	vst v0  }
0x27: {  	[tilespmem:$0xD860] =	vst v0  }
0x28: {  	[tilespmem:$0xD870] =	vst v0  }
0x29: {  	[tilespmem:$0xD880] =	vst v0  }
0x2a: {  	[tilespmem:$0xD890] =	vst v0  }
0x2b: {  	[tilespmem:$0xD8A0] =	vst v0  }
0x2c: {  	[tilespmem:$0xD8B0] =	vst v0  }
0x2d: {  	[tilespmem:$0xD8C0] =	vst v0  }
0x2e: {  	[tilespmem:$0xD8D0] =	vst v0  }
0x2f: {  	[tilespmem:$0xD8E0] =	vst v0  }
0x30: {  	[tilespmem:$0xD8F0] =	vst v0  }
0x31: {  	[tilespmem:$0xD900] =	vst v0  }
0x32: {  	[tilespmem:$0xD910] =	vst v0  }
0x33: {  	[tilespmem:$0xD920] =	vst v0  }
0x34: {  	[tilespmem:$0xD930] =	vst v0  }
0x35: {  	[tilespmem:$0xD940] =	vst v0  }
0x36: {  	[tilespmem:$0xD950] =	vst v0  }
0x37: {  	[tilespmem:$0xD960] =	vst v0  }
0x38: {  	[tilespmem:$0xD970] =	vst v0  }
0x39: {  	[tilespmem:$0xD980] =	vst v0  }
0x3a: {  	[tilespmem:$0xD990] =	vst v0  }
0x3b: {  	[tilespmem:$0xD9A0] =	vst v0  }
0x3c: {  	[tilespmem:$0xD9B0] =	vst v0  }
0x3d: {  	[tilespmem:$0xD9C0] =	vst v0  }
0x3e: {  	[tilespmem:$0xD9D0] =	vst v0  }
0x3f: {  	[tilespmem:$0xD9E0] =	vst v0  }
0x40: {  	[tilespmem:$0xD9F0] =	vst v0  }
0x41: {  	[tilespmem:$0xDA00] =	vst v0  }
0x42: {  	[tilespmem:$0xDA10] =	vst v0  }
0x43: {  	[tilespmem:$0xDA20] =	vst v0  }
0x44: {  	[tilespmem:$0xDA30] =	vst v0  }
0x45: {  	[tilespmem:$0xDA40] =	vst v0  }
0x46: {  	[tilespmem:$0xDA50] =	vst v0  }
0x47: {  	[tilespmem:$0xDA60] =	vst v0  }
0x48: {  	[tilespmem:$0xDA70] =	vst v0  }
0x49: {  	[tilespmem:$0xDA80] =	vst v0  }
0x4a: {  	[tilespmem:$0xDA90] =	vst v0  }
0x4b: {  	[tilespmem:$0xDAA0] =	vst v0  }
0x4c: {  	[tilespmem:$0xDAB0] =	vst v0  }
0x4d: {  	[tilespmem:$0xDAC0] =	vst v0  }
0x4e: {  	[tilespmem:$0xDAD0] =	vst v0  }
0x4f: {  	[tilespmem:$0xDAE0] =	vst v0  }
0x50: {  	[tilespmem:$0xDAF0] =	vst v0  }
0x51: {  	[tilespmem:$0xDB00] =	vst v0  }
0x52: {  	[tilespmem:$0xDB10] =	vst v0  }
0x53: {  	[tilespmem:$0xDB20] =	vst v0  }
0x54: {  	[tilespmem:$0xDB30] =	vst v0  }
0x55: {  	[tilespmem:$0xDB40] =	vst v0  }
0x56: {  	[tilespmem:$0xDB50] =	vst v0  }
0x57: {  	[tilespmem:$0xDB60] =	vst v0  }
0x58: {  	[tilespmem:$0xDB70] =	vst v0  }
0x59: {  	[tilespmem:$0xDB80] =	vst v0  }
0x5a: {  	[tilespmem:$0xDB90] =	vst v0  }
0x5b: {  	[tilespmem:$0xDBA0] =	vst v0  }
0x5c: {  	[tilespmem:$0xDBB0] =	vst v0  }
0x5d: {  	[tilespmem:$0xDBC0] =	vst v0  }
0x5e: {  	[tilespmem:$0xDBD0] =	vst v0  }
0x5f: {  	[tilespmem:$0xDBE0] =	vst v0  }
0x60: {  	s31 =	sadd.s32 $0x0, s7;
	[tilespmem:$0xDBF0] =	vst v0  }
0x61: {  	[spmem:s31] =	stream.linear.scatter [tilespmem:s23], [sflag:$0x3], $0x400, $0x38;
	[tilespmem:$0x17A00] =	vst v63  }
0x62: {  	s0 =	simm.s32 $0x1000;
	_ =	swait.ge [sflag:s21], $0x400  }
.LBB2_2:
0x63: {  	s2 =	sshra.s32 s0, $0x2;
	[sflag:s21] =	ssyncset.done $0x0;
	p0 =	sne.s32 s0, $0x26000  }
.Ltmp0:
0x64: {  	s2 =	sadd.s32 s2, s7;
	[sflag:s21] =	ssyncadd.s32 $0xFFFFFC00;
	(pc) =	sbr.rel @p0 .LBB2_2-.Ltmp0, $3  }
0x65: {  	[spmem:s2] =	stream.linear.scatter [tilespmem:s23], [sflag:$0x3], $0x400, $0x38;
	[tilespmem:$0x17A00] =	vst v63  }
0x66: {  	s0 =	sadd.s32 $0x1000, s0;
	_ =	sdelay $0x1  }
0x67: {  	_ =	swait.ge [sflag:s21], $0x400  }
0x68: {  	[sflag:s21] =	ssyncset.done $0x0  }
0x69: {  	[sflag:s21] =	ssyncadd.s32 $0xFFFFFC00  }
0x6a: {  	[spmem:s8] =	stream.linear.scatter [tilespmem:s23], [sflag:$0x3], $0x200, $0x38;
	[tilespmem:$0x17A00] =	vst v63  }
0x6b: {  	_ =	swait.ge [sflag:s21], $0x200  }
0x6c: {  	[sflag:s21] =	ssyncset.done $0x0  }
0x6d: {  	[sflag:s21] =	ssyncadd.s32 $0xFFFFFE00  }
0x6e: {  	s31 =	simm.s32 $0x0;
	[bflag:$0x0] =	sbarrier.arrive $0xFFFF  }
0x6f: {  	[tilespmem:s25], [sflag:$0x1] =	stream.indirect.gather [hbm4b:s1+s24], $0x40, s31, s24, $0xb8;
	[tilespmem:$0x17A00] =	vst v63  }
0x70: {  	s0 =	simm.s32 $0x80  }
0x71: {  	[tilespmem:s26], [sflag:$0x2] =	stream.indirect.gather [hbm4b:s1+s24], $0x40, s0, s24, $0xb8;
	[tilespmem:$0x17A00] =	vst v63  }
0x72: {  	_ =	swait.ge [sflag:s28], $0x2000  }
0x73: {  	[sflag:s28] =	ssyncset.done $0x0  }
0x74: {  	s0 =	simm.s32 $0x4C00;
	[sflag:s28] =	ssyncadd.s32 $0xFFFFE000  }
0x75: {  	[spmem:s3] =	stream.indirect.scatter.add.bf16 [tilespmem:s25], [sflag:$0x3], $0x40, s0, s24, $0xb8;
	[tilespmem:$0x17A00] =	vst v63  }
0x76: {  	_ =	swait.ge [sflag:s21], $0x2000  }
0x77: {  	[sflag:s21] =	ssyncset.done $0x0  }
0x78: {  	[sflag:s21] =	ssyncadd.s32 $0xFFFFE000  }
0x79: {  	p0 =	sne.s32 s9, $0x1;
	_ =	swait.ge [sflag:s29], $0x2000  }
.Ltmp1:
0x7a: {  	[sflag:s29] =	ssyncset.done $0x0;
	(pc) =	sbr.rel @!p0 .LBB2_5-.Ltmp1, $4  }
0x7b: {  	s2 =	simm.s32 $0x4C80;
	[sflag:s29] =	ssyncadd.s32 $0xFFFFE000  }
0x7c: {  	[spmem:s3] =	stream.indirect.scatter.add.bf16 [tilespmem:s26], [sflag:$0x3], $0x40, s2, s24, $0xb8;
	[tilespmem:$0x17A00] =	vst v63  }
0x7d: {  	_ =	swait.ge [sflag:s21], $0x2000  }
0x7e: {  	s2 =	sadd.s32 $0xFFFFFFFF, s9;
	[sflag:s21] =	ssyncset.done $0x0  }
.LBB2_4:
0x7f: {  	[sflag:s21] =	ssyncadd.s32 $0xFFFFE000;
	s31 =	sadd.s32 $0x100, s31;
	s0 =	sadd.s32 $0x100, s0  }
0x80: {  	[tilespmem:s25], [sflag:$0x1] =	stream.indirect.gather [hbm4b:s1+s24], $0x40, s31, s24, $0xb8;
	[tilespmem:$0x17A00] =	vst v63  }
0x81: {  	p0 =	sne.s32 s2, $0x1;
	s2 =	sadd.s32 $0xFFFFFFFF, s2;
	s22 =	sadd.s32 $0x80, s31  }
0x82: {  	[tilespmem:s26], [sflag:$0x2] =	stream.indirect.gather [hbm4b:s1+s24], $0x40, s22, s24, $0xb8;
	[tilespmem:$0x17A00] =	vst v63  }
0x83: {  	_ =	swait.ge [sflag:s28], $0x2000  }
0x84: {  	[sflag:s28] =	ssyncset.done $0x0  }
0x85: {  	[sflag:s28] =	ssyncadd.s32 $0xFFFFE000  }
0x86: {  	[spmem:s3] =	stream.indirect.scatter.add.bf16 [tilespmem:s25], [sflag:$0x3], $0x40, s0, s24, $0xb8;
	[tilespmem:$0x17A00] =	vst v63  }
0x87: {  	_ =	swait.ge [sflag:s21], $0x2000  }
0x88: {  	[sflag:s21] =	ssyncset.done $0x0  }
0x89: {  	[sflag:s21] =	ssyncadd.s32 $0xFFFFE000  }
0x8a: {  	_ =	swait.ge [sflag:s29], $0x2000  }
.Ltmp2:
0x8b: {  	[sflag:s29] =	ssyncset.done $0x0;
	(pc) =	sbr.rel @p0 .LBB2_4-.Ltmp2, $4  }
0x8c: {  	s22 =	sadd.s32 $0x80, s0;
	[sflag:s29] =	ssyncadd.s32 $0xFFFFE000  }
0x8d: {  	[spmem:s3] =	stream.indirect.scatter.add.bf16 [tilespmem:s26], [sflag:$0x3], $0x40, s22, s24, $0xb8;
	[tilespmem:$0x17A00] =	vst v63  }
0x8e: {  	_ =	swait.ge [sflag:s21], $0x2000  }
0x8f: {  	[sflag:s21] =	ssyncset.done $0x0  }
.LBB2_5:
0x90: {  	[sflag:s21] =	ssyncadd.s32 $0xFFFFE000  }
0x91: {  	[bflag:$0x0] =	sbarrier.arrive $0xFFFF  }
0x92: {  	[tilespmem:s25], [sflag:$0x3] =	stream.linear.gather [spmem:s12], $0x2000, $0x38;
	[tilespmem:$0x17A00] =	vst v63  }
0x93: {  	_ =	swait.ge [sflag:s21], $0x2000  }
0x94: {  	[sflag:s21] =	ssyncset.done $0x0  }
0x95: {  	[sflag:s21] =	ssyncadd.s32 $0xFFFFE000  }
0x96: {  	[hbm4b:s14+s4] =	stream.linear.scatter [tilespmem:s25], [sflag:$0x3], $0x2000, $0x38;
	[tilespmem:$0x17A00] =	vst v63  }
0x97: {  	_ =	swait.ge [sflag:s21], $0x2000  }
0x98: {  	[sflag:s21] =	ssyncset.done $0x0  }
0x99: {  	[sflag:s21] =	ssyncadd.s32 $0xFFFFE000  }
0x9a: {  	[tilespmem:s25], [sflag:$0x3] =	stream.linear.gather [spmem:s15], $0x2000, $0x38;
	[tilespmem:$0x17A00] =	vst v63  }
0x9b: {  	_ =	swait.ge [sflag:s21], $0x2000  }
0x9c: {  	[sflag:s21] =	ssyncset.done $0x0  }
0x9d: {  	[sflag:s21] =	ssyncadd.s32 $0xFFFFE000  }
0x9e: {  	[hbm4b:s16+s4] =	stream.linear.scatter [tilespmem:s25], [sflag:$0x3], $0x2000, $0x38;
	[tilespmem:$0x17A00] =	vst v63  }
0x9f: {  	_ =	swait.ge [sflag:s21], $0x2000  }
0xa0: {  	[sflag:s21] =	ssyncset.done $0x0  }
0xa1: {  	[sflag:s21] =	ssyncadd.s32 $0xFFFFE000  }
0xa2: {  	[tilespmem:s25], [sflag:$0x3] =	stream.linear.gather [spmem:s17], $0x2000, $0x38;
	[tilespmem:$0x17A00] =	vst v63  }
0xa3: {  	_ =	swait.ge [sflag:s21], $0x2000  }
0xa4: {  	[sflag:s21] =	ssyncset.done $0x0  }
0xa5: {  	[sflag:s21] =	ssyncadd.s32 $0xFFFFE000  }
0xa6: {  	[hbm4b:s18+s4] =	stream.linear.scatter [tilespmem:s25], [sflag:$0x3], $0x2000, $0x38;
	[tilespmem:$0x17A00] =	vst v63  }
0xa7: {  	_ =	swait.ge [sflag:s21], $0x2000  }
0xa8: {  	[sflag:s21] =	ssyncset.done $0x0  }
0xa9: {  	[sflag:s21] =	ssyncadd.s32 $0xFFFFE000  }
0xaa: {  	[tilespmem:s25], [sflag:$0x3] =	stream.linear.gather [spmem:s19], $0x2000, $0x38;
	[tilespmem:$0x17A00] =	vst v63  }
0xab: {  	_ =	swait.ge [sflag:s21], $0x2000  }
0xac: {  	[sflag:s21] =	ssyncset.done $0x0  }
0xad: {  	[sflag:s21] =	ssyncadd.s32 $0xFFFFE000  }
0xae: {  	[hbm4b:s20+s4] =	stream.linear.scatter [tilespmem:s25], [sflag:$0x3], $0x2000, $0x38;
	[tilespmem:$0x17A00] =	vst v63  }
0xaf: {  	_ =	swait.ge [sflag:s21], $0x2000  }
0xb0: {  	[sflag:s21] =	ssyncset.done $0x0  }
0xb1: {  	[sflag:s21] =	ssyncadd.s32 $0xFFFFE000  }
0xb2: {  	[tilespmem:s25], [sflag:$0x3] =	stream.linear.gather [spmem:s10], $0x1E00, $0x38;
	[tilespmem:$0x17A00] =	vst v63  }
0xb3: {  	s30 =	sadd.s32 $0x1, s30;
	_ =	swait.ge [sflag:s21], $0x1E00  }
0xb4: {  	p0 =	sne.s32 s30, s13;
	[sflag:s21] =	ssyncset.done $0x0  }
.Ltmp3:
0xb5: {  	[sflag:s21] =	ssyncadd.s32 $0xFFFFE200;
	(pc) =	sbr.rel @p0 .LBB2_1-.Ltmp3, $4  }
0xb6: {  	[hbm4b:s11+s4] =	stream.linear.scatter [tilespmem:s25], [sflag:$0x3], $0x1E00, $0x38;
	[tilespmem:$0x17A00] =	vst v63  }
0xb7: {  	_ =	swait.ge [sflag:s21], $0x1E00  }
0xb8: {  	[sflag:s21] =	ssyncset.done $0x0  }
0xb9: {  	[sflag:s21] =	ssyncadd.s32 $0xFFFFE200  }
0xba: {  	_ =	sfence.sel $0x180000  }
0xbb: {  	[bflag:$0x0] =	sbarrier.arrive $0xFFFF  }
0xbc: {  	_ =	strace $0x9000004A  }
0xbd: {  	s0 =	stileid.u32;
	[bflag:$0x2] =	sbarrier.arrive $0xFFFF  }
0xbe: {  	p0 =	sne.s32 s0, $0x0;
	s0 =	rddreg [dreg:$0x3]  }
0xbf: {  	s0 =	sadd.s32 @!p0 $0x100000, s0  }
0xc0: {  	[sflag:s0] =	ssyncadd.tile.s32 @!p0 $0x1;
	_ =	shalt  }
.Lfunc_end2:
_tile_overlayer_lowered:
.L_overlay_start_2:
0xc1: {  	(tag) =	ssettag $0x2  }
0xc2: {  	s0 =	rddreg [dreg:$0x0];
	s2 =	stileid.u32  }
0xc3: {  	s1 =	rddreg [dreg:$0x1];
	p0 =	sne.s32 s2, $0x0  }
0xc4: {  	s3 =	rddreg [dreg:$0x2];
	[bflag:$0x3] =	sbarrier.arrive $0xFFFF;
	s2 =	simm.s32 @!p0 $0x1C03  }
0xc5: {  	[timem:s3], [sflag:s2] =	dma.local @!p0 [hbm:s0], s1  }
0xc6: {  	s0 =	simm.s32 @!p0 $0x3  }
0xc7: {  	_ =	swait.ge @!p0 [sflag:s0], s1  }
0xc8: {  	s1 =	ssub.s32 @!p0 $0x0, s1;
	[sflag:s0] =	ssyncset.done @!p0 $0x0  }
0xc9: {  	[sflag:s0] =	ssyncadd.s32 @!p0 s1  }
0xca: {  	[bflag:$0x3] =	sbarrier.arrive $0xFFFF  }
0xcb: {  	_ =	shalt  }

// kernel: kernel.15.cloned.1.call-start
scs
__scs_entry_jumppad:
0x0: {  	(pc) =	sbr.rel $0x88, $3  }
0x1: {  	(tag) =	ssettag $0x0;
	lr =	simm.s32 $0x1  }
0x2: {  	[smem:$0x3F9B] =	sst lr;
	_ =	strace $0xD0000000  }
0x3: {  	_ = 	snop  }
0x4: {  	_ = 	snop  }
0x5: {  	_ = 	snop  }
0x6: {  	_ = 	snop  }
0x7: {  	_ = 	snop  }
__scs_overlays_trampoline_lowered:
0x8: {  	[smem:$0x3FAA] =	sst s0  }
0x9: {  	[smem:$0x3FAB] =	sst s1  }
0xa: {  	[smem:$0x3FAC] =	sst s2  }
0xb: {  	[smem:$0x3FAD] =	sst s3  }
0xc: {  	[smem:$0x3FAE] =	sst s4  }
0xd: {  	[smem:$0x3FAF] =	sst s5  }
0xe: {  	[smem:$0x3FB0] =	sst s6  }
0xf: {  	[smem:$0x3FB1] =	sst s7  }
0x10: {  	[smem:$0x3FB2] =	sst s8  }
0x11: {  	[smem:$0x3FB3] =	sst s9;
	s0 =	simm.s32 @!p0 $0x0  }
0x12: {  	s1 =	sld [smem:$0x3F99];
	s0 =	simm.s32 @p0 $0x1  }
0x13: {  	[smem:$0x3FB4] =	sst s0;
	s0 =	simm.s32 @!p1 $0x0  }
0x14: {  	s2 =	sld [smem:$0x3F98];
	s0 =	simm.s32 @p1 $0x1  }
0x15: {  	[smem:$0x3FB5] =	sst s0;
	s0 =	simm.s32 @!p2 $0x0  }
0x16: {  	s3 =	sld [smem:$0x3FDB];
	s0 =	simm.s32 @p2 $0x1  }
0x17: {  	s4 =	simm.s32 $0x1BF5;
	[smem:$0x3FB7] =	sst s0  }
0x18: {  	s0 =	sld [smem:$0x3F9A];
	_ =	swait.ge [sflag:s4], $0x0  }
0x19: {  	s7 =	sld [smem:$0x3F9B]  }
0x1a: {  	s8 =	sadd.s32 $0xFFFFE003, lr  }
0x1b: {  	s9 =	sadd.s32 $0xFFFFFEF7, lr;
	s5 =	simm.s32 $0xFFFFFFFF;
	p2 =	slt.u32 s8, $0xFFFFF086  }
0x1c: {  	p1 =	slt.u32 s9, $0xF7A;
	s5 =	simm.s32 @!p2 $0x0  }
0x1d: {  	s5 =	simm.s32 @p1 $0x1;
	p0 =	seq.s32 s7, s2  }
0x1e: {  	s7 =	smul.u32 @!p0 $0xF7A, s2;
	p2 =	seq.s32 @!p0 s5, $0x0  }
0x1f: {  	s9 =	smul.u32 $0xF7A, s1;
	s8 =	simm.s32 @!p0 $0x1BF5;
	p2 =	por !p2, p0  }
0x20: {  	[sflag:s8] =	ssyncset.s32 @!p0 $0xFFFFF086;
	s6 =	sadd.s32 @!p0 s3, s7;
	s7 =	simm.s32 @!p0 $0x108  }
0x21: {  	s3 =	sadd.s32 s3, s9;
	s6 =	sadd.s32 @!p0 $0x88, s6;
	s7 =	simm.s32 @p2 $0x1082  }
0x22: {  	[simem:s7], [sflag:s8] =	dma.local @!p0 [hbm:s6], $0xF7A  }
0x23: {  	s9 =	sor.u32 $0xD0000000, s2;
	s6 =	simm.s32 $0x108;
	_ =	swait.ge @!p0 [sflag:s8], $0x0  }
0x24: {  	s3 =	sadd.s32 $0x88, s3;
	s6 =	simm.s32 @!p1 $0x1082;
	[sflag:s4] =	ssyncset.s32 $0xFFFFF086  }
0x25: {  	[simem:s6], [sflag:s4] =	dma.local [hbm:s3], $0xF7A  }
0x26: {  	[smem:$0x3F9B] =	sst s1;
	(tag) =	ssettag s2;
	_ =	strace s9  }
0x27: {  	s1 =	sld [smem:$0x3FAB]  }
0x28: {  	s2 =	sld [smem:$0x3FAC]  }
0x29: {  	s4 =	sld [smem:$0x3FAE]  }
0x2a: {  	p0 =	seq.s32 s5, $0x0;
	s5 =	sld [smem:$0x3FAF]  }
0x2b: {  	s6 =	sld [smem:$0x3FB0]  }
0x2c: {  	s7 =	sld [smem:$0x3FB1]  }
0x2d: {  	s3 =	simm.s32 $0x108;
	s8 =	sld [smem:$0x3FB2]  }
0x2e: {  	s3 =	simm.s32 @!p0 $0x1082;
	s9 =	sld [smem:$0x3FB3]  }
0x2f: {  	lr =	sadd.s32 s0, s3;
	s0 =	sld [smem:$0x3FAA]  }
0x30: {  	s3 =	sld [smem:$0x3FAD]  }
0x31: {  	[smem:$0x3FB6] =	sst s10  }
0x32: {  	s10 =	sld [smem:$0x3FB4];
	_ =	sdelay $0x3  }
0x33: {  	p0 =	seq.s32 s10, $0x1;
	s10 =	sld [smem:$0x3FB6];
	_ =	sdelay $0x3  }
0x34: {  	[smem:$0x3FB6] =	sst s10  }
0x35: {  	s10 =	sld [smem:$0x3FB5];
	_ =	sdelay $0x3  }
0x36: {  	p1 =	seq.s32 s10, $0x1;
	s10 =	sld [smem:$0x3FB6];
	_ =	sdelay $0x3  }
0x37: {  	[smem:$0x3FB6] =	sst s10  }
0x38: {  	s10 =	sld [smem:$0x3FB7]  }
0x39: {  	_ = 	snop;
	(pc) =	sbr.ind lr, $3  }
0x3a: {  	_ = 	snop  }
0x3b: {  	_ = 	snop  }
0x3c: {  	p2 =	seq.s32 s10, $0x1;
	s10 =	sld [smem:$0x3FB6]  }
0x3d: {  	_ =	shalt  }
0x3e: {  	_ =	shalt  }
0x3f: {  	_ =	shalt  }
0x40: {  	_ =	shalt  }
0x41: {  	_ =	shalt  }
0x42: {  	_ =	shalt  }
0x43: {  	_ =	shalt  }
0x44: {  	_ =	shalt  }
0x45: {  	_ =	shalt  }
0x46: {  	_ =	shalt  }
0x47: {  	_ =	shalt  }
0x48: {  	_ =	shalt  }
0x49: {  	_ =	shalt  }
0x4a: {  	_ =	shalt  }
0x4b: {  	_ =	shalt  }
0x4c: {  	_ =	shalt  }
0x4d: {  	_ =	shalt  }
0x4e: {  	_ =	shalt  }
0x4f: {  	_ =	shalt  }
0x50: {  	_ =	shalt  }
0x51: {  	_ =	shalt  }
0x52: {  	_ =	shalt  }
0x53: {  	_ =	shalt  }
0x54: {  	_ =	shalt  }
0x55: {  	_ =	shalt  }
0x56: {  	_ =	shalt  }
0x57: {  	_ =	shalt  }
0x58: {  	_ =	shalt  }
0x59: {  	_ =	shalt  }
0x5a: {  	_ =	shalt  }
0x5b: {  	_ =	shalt  }
0x5c: {  	_ =	shalt  }
0x5d: {  	_ =	shalt  }
0x5e: {  	_ =	shalt  }
0x5f: {  	_ =	shalt  }
0x60: {  	_ =	shalt  }
0x61: {  	_ =	shalt  }
0x62: {  	_ =	shalt  }
0x63: {  	_ =	shalt  }
0x64: {  	_ =	shalt  }
0x65: {  	_ =	shalt  }
0x66: {  	_ =	shalt  }
0x67: {  	_ =	shalt  }
0x68: {  	_ =	shalt  }
0x69: {  	_ =	shalt  }
0x6a: {  	_ =	shalt  }
0x6b: {  	_ =	shalt  }
0x6c: {  	_ =	shalt  }
0x6d: {  	_ =	shalt  }
0x6e: {  	_ =	shalt  }
0x6f: {  	_ =	shalt  }
0x70: {  	_ =	shalt  }
0x71: {  	_ =	shalt  }
0x72: {  	_ =	shalt  }
0x73: {  	_ =	shalt  }
0x74: {  	_ =	shalt  }
0x75: {  	_ =	shalt  }
0x76: {  	_ =	shalt  }
0x77: {  	_ =	shalt  }
0x78: {  	_ =	shalt  }
0x79: {  	_ =	shalt  }
0x7a: {  	_ =	shalt  }
0x7b: {  	_ =	shalt  }
0x7c: {  	_ =	shalt  }
0x7d: {  	_ =	shalt  }
0x7e: {  	_ =	shalt  }
0x7f: {  	_ =	shalt  }
0x80: {  	_ =	shalt  }
0x81: {  	_ =	shalt  }
0x82: {  	_ =	shalt  }
0x83: {  	_ =	shalt  }
0x84: {  	_ =	shalt  }
0x85: {  	_ =	shalt  }
0x86: {  	_ =	shalt  }
0x87: {  	_ =	shalt  }
.Lfunc_end0:
.L_simem_size_0:
called_computation.2_lowered:
.L_overlay_start_0:
0x88: {  	s2 =	sld [smem:$0x3FD9]  }
0x89: {  	s3 =	sld [smem:$0x3FFE];
	_ =	sdelay $0x1  }
0x8a: {  	s1 =	srdreg.scid  }
0x8b: {  	s0 =	sand.u32 $0x1, s1  }
0x8c: {  	s17 =	sshll.u32 s0, $0xA;
	s2 =	sadd.s32 s3, s2  }
0x8d: {  	s2 =	sadd.s32 s2, s17  }
0x8e: {  	[smem:$0x3FC2] =	sst s2  }
0x8f: {  	_ = 	snop  }
0x90: {  	s2 =	sld [smem:$0x3FD0];
	(tm) =	ssettm $0x1  }
0x91: {  	s18 =	sld [smem:$0x3FFB];
	_ =	sdelay $0x3  }
0x92: {  	_ =	strace s18  }
0x93: {  	s3 =	sld [smem:$0x3FFC];
	_ =	sdelay $0x3  }
0x94: {  	_ =	strace s3  }
0x95: {  	s3 =	sld [smem:$0x3FFD];
	_ =	sdelay $0x3  }
0x96: {  	_ =	strace s3  }
0x97: {  	_ =	strace $0x8FFFFFFF  }
0x98: {  	s19 =	sld [smem:$0x3FDB];
	_ =	sdelay $0x1  }
0x99: {  	s4 =	simm.s32 $_scs_section_size  }
0x9a: {  	s5 =	simm.s32 $_size__tile_overlayer_lowered;
	s6 =	simm.s32 $_tile_overlayer_lowered  }
0x9b: {  	s22 =	simm.s32 $0x1BFF;
	s21 =	sshll.u32 s6, $0x1;
	s3 =	sadd.s32 s4, s19  }
0x9c: {  	s7 =	simm.s32 $0x0;
	s20 =	sshll.u32 s5, $0x1;
	s5 =	sadd.s32 s21, s3  }
0x9d: {  	[timem:s7], [sflag:s22] =	dma.local [hbm:s5], s20  }
0x9e: {  	_ =	swait.ge [sflag:s22], s20  }
0x9f: {  	s4 =	ssub.s32 $0x0, s20;
	[sflag:s22] =	ssyncset.done $0x0  }
0xa0: {  	[sflag:s22] =	ssyncadd.s32 s4;
	_ =	sdelay $0x1  }
0xa1: {  	s23 =	simm.s32 $0x1B8B  }
0xa2: {  	_ =	swait.ge [sflag:s23], $0x1  }
0xa3: {  	[sflag:s23] =	ssyncset.done $0x0  }
0xa4: {  	s25 =	simm.s32 $0x1B8E;
	s24 =	sld [smem:$0x3FFE];
	[sflag:s23] =	ssyncadd.s32 $0xFFFFFFFF  }
0xa5: {  	s26 =	simm.s32 $execute0_lowered;
	[smem:$0x3FD2] =	sst s25  }
0xa6: {  	s5 =	sshll.u32 s26, $0x1;
	_ =	strace $0x8000004C;
	[dreg:$0x1] =	wrdreg $0xFFFFFFFF  }
0xa7: {  	s28 =	simm.s32 $_size_execute0_lowered;
	s3 =	sadd.s32 s3, s5;
	[dreg:$0x0] =	wrdreg $0x0  }
0xa8: {  	s5 =	sshll.u32 s28, $0x1;
	[dreg:$0x2] =	wrdreg s3  }
0xa9: {  	[dreg:$0x3] =	wrdreg s5  }
0xaa: {  	[dreg:$0x4] =	wrdreg $0xC0  }
0xab: {  	_ =	task [dreg:s7], $0x5FFFF  }
0xac: {  	[dreg:$0x1] =	wrdreg $0xFFFFFFFF  }
0xad: {  	[dreg:$0x0] =	wrdreg $0x60  }
0xae: {  	[dreg:$0x2] =	wrdreg s24  }
0xaf: {  	[dreg:$0x3] =	wrdreg s2  }
0xb0: {  	[dreg:$0x4] =	wrdreg $0x9A000  }
0xb1: {  	[dreg:$0x5] =	wrdreg $0x9  }
0xb2: {  	_ =	task.clear_ibuf [dreg:s7], $0x6FFFF;
	_ =	strace $0x9000004C  }
0xb3: {  	s29 =	simm.s32 $0x9;
	_ =	strace $0x8000004E  }
0xb4: {  	_ =	swait.ge [sflag:s29], $0x1  }
0xb5: {  	[sflag:s29] =	ssyncadd.s32 $0xFFFFFFFF  }
0xb6: {  	_ =	strace $0x9000004E  }
0xb7: {  	_ =	sfence  }
0xb8: {  	s30 =	sld [smem:$0x0];
	_ =	sdelay $0x2  }
0xb9: {  	s31 =	sshll.u32 s1, $0xD;
	s1 =	sshrl.u32 s1, $0x2  }
0xba: {  	s3 =	sand.u32 $0x4000, s31;
	s1 =	sadd.s32 s1, s30  }
0xbb: {  	s0 =	sor.u32 s3, s0;
	s1 =	sshll.u32 s1, $0x11  }
0xbc: {  	s0 =	sor.u32 s1, s0  }
0xbd: {  	s0 =	sadd.s32 $0x8F2B, s0  }
0xbe: {  	[sflag:s0] =	ssyncadd.remote.s32 $0x1  }
0xbf: {  	_ =	sfence.sel $0xFFFF  }
0xc0: {  	[dreg:$0x0] =	wrdreg $0xFFFFFFFF;
	(pc) =	sbr.abs _section_cstart, $3  }
0xc1: {  	[dreg:$0x1] =	wrdreg $0xFFFFFFFF  }
0xc2: {  	_ =	task.clear_ibuf [dreg:s7], $0x2FFFF;
	_ =	strace $0x9FFFFFFF  }
0xc3: {  	(tm) =	ssettm $0x7FFFFFFF  }
tec
execute0_lowered:
.L_overlay_start_1:
0x0: {  	(tag) =	ssettag $0x1  }
0x1: {  	s0 =	rddreg [dreg:$0x0]  }
0x2: {  	s1 =	rddreg [dreg:$0x1]  }
0x3: {  	s2 =	rddreg [dreg:$0x2]  }
0x4: {  	s10 =	stileid.u32;
	s4 =	srdreg.scid  }
0x5: {  	s3 =	simm.s32 $0x0;
	s28 =	simm.s32 $0x1;
	s5 =	smul.u32 $0x28, s10  }
0x6: {  	s29 =	simm.s32 $0x2;
	s8 =	sand.u32 $0x1, s4;
	s4 =	smul.u32 $0x78, s10  }
0x7: {  	s30 =	simm.s32 $0x0;
	[smem:$0x7FF] =	sst s3;
	s9 =	smul.u32 $0x13C00, s10  }
0x8: {  	s17 =	smul.u32 $0x9E00, s10;
	p0 =	seq.s32 s8, $0x0;
	_ =	strace $0x8000004D  }
0x9: {  	s20 =	ssub.s32 $0x2, s8;
	s22 =	smul.u32 $0x9E000, s8;
	s5 =	sadd.s32 $0x780, s5  }
0xa: {  	s7 =	sshrl.u32 s20, $0x1;
	s21 =	sshrl.u32 s9, $0x2;
	s9 =	simm.s32 $0x14  }
0xb: {  	s10 =	sadd.s32 $0x8000, s17;
	s24 =	sshrl.u32 s17, $0x1;
	s15 =	sadd.s32 $0x2000, s17  }
0xc: {  	s26 =	sadd.s32 $0x4000, s17;
	s4 =	smov.u32 @p0 s5;
	s13 =	ssub.s32 s20, s7  }
0xd: {  	s7 =	sadd.s32 s21, s2;
	s9 =	simm.s32 @!p0 $0x3C;
	s11 =	sshrl.u32 s10, $0x1  }
0xe: {  	s12 =	sadd.s32 s22, s10;
	s14 =	sadd.s32 s22, s17;
	s16 =	sshrl.u32 s15, $0x1  }
0xf: {  	s18 =	sadd.s32 s22, s15;
	s19 =	sshrl.u32 s26, $0x1;
	s20 =	sadd.s32 $0x6000, s17  }
0x10: {  	s21 =	simm.s32 $0x3;
	s6 =	sshll.u32 s4, $0x4;
	s4 =	sadd.s32 $0x16400, s0  }
0x11: {  	s8 =	sadd.s32 $0x4E00, s7;
	s10 =	sadd.s32 s11, s2;
	s23 =	sshrl.u32 s12, $0x4  }
0x12: {  	s12 =	sadd.s32 s24, s2;
	s13 =	smax.u32 s13, $0x1;
	s14 =	sshrl.u32 s14, $0x4  }
0x13: {  	s15 =	sadd.s32 s16, s2;
	s25 =	sshrl.u32 s18, $0x4;
	s17 =	sadd.s32 s19, s2  }
0x14: {  	s18 =	sadd.s32 s22, s26;
	s31 =	sshrl.u32 s20, $0x1;
	s24 =	simm.s32 $0x80  }
0x15: {  	s26 =	simm.s32 $0x8800;
	s0 =	sadd.s32 s6, s0;
	s11 =	sadd.s32 s1, s23  }
0x16: {  	s14 =	sadd.s32 s1, s14;
	s16 =	sadd.s32 s1, s25;
	s18 =	sshrl.u32 s18, $0x4  }
0x17: {  	s5 =	sadd.s32 $0xBE00, s0;
	s6 =	sadd.s32 $0x1800, s0;
	s0 =	sadd.s32 s22, s20  }
0x18: {  	s19 =	sadd.s32 s31, s2;
	s23 =	simm.s32 $0x9800;
	s0 =	sshrl.u32 s0, $0x4  }
0x19: {  	v0 =	vimm.bf16 $0.0e+00;
	s25 =	simm.s32 $0x7800;
	s18 =	sadd.s32 s1, s18;
	s20 =	sadd.s32 s1, s0  }
.LBB2_1:
0x1a: {  	[tilespmem:s3], [sflag:$0x3] =	stream.linear.gather [hbm4b:s5+s3], $0x3C00, $0x38;
	[tilespmem:$0xE900] =	vst v63  }
0x1b: {  	_ =	swait.ge [sflag:s21], $0x3C00  }
0x1c: {  	[sflag:s21] =	ssyncset.done $0x0  }
0x1d: {  	s0 =	simm.s32 $0x3C00;
	[sflag:s21] =	ssyncadd.s32 $0xFFFFC400  }
0x1e: {  	[tilespmem:s0], [sflag:$0x3] =	stream.linear.gather [hbm4b:s6+s3], $0x3C00, $0x38;
	[tilespmem:$0xE900] =	vst v63  }
0x1f: {  	_ =	swait.ge [sflag:s21], $0x3C00  }
0x20: {  	[sflag:s21] =	ssyncset.done $0x0  }
0x21: {  	[sflag:s21] =	ssyncadd.s32 $0xFFFFC400  }
0x22: {  	[tilespmem:$0x9800] =	vst v0  }
0x23: {  	[tilespmem:$0x9810] =	vst v0  }
0x24: {  	[tilespmem:$0x9820] =	vst v0  }
0x25: {  	[tilespmem:$0x9830] =	vst v0  }
0x26: {  	[tilespmem:$0x9840] =	vst v0  }
0x27: {  	[tilespmem:$0x9850] =	vst v0  }
0x28: {  	[tilespmem:$0x9860] =	vst v0  }
0x29: {  	[tilespmem:$0x9870] =	vst v0  }
0x2a: {  	[tilespmem:$0x9880] =	vst v0  }
0x2b: {  	[tilespmem:$0x9890] =	vst v0  }
0x2c: {  	[tilespmem:$0x98A0] =	vst v0  }
0x2d: {  	[tilespmem:$0x98B0] =	vst v0  }
0x2e: {  	[tilespmem:$0x98C0] =	vst v0  }
0x2f: {  	[tilespmem:$0x98D0] =	vst v0  }
0x30: {  	[tilespmem:$0x98E0] =	vst v0  }
0x31: {  	[tilespmem:$0x98F0] =	vst v0  }
0x32: {  	[tilespmem:$0x9900] =	vst v0  }
0x33: {  	[tilespmem:$0x9910] =	vst v0  }
0x34: {  	[tilespmem:$0x9920] =	vst v0  }
0x35: {  	[tilespmem:$0x9930] =	vst v0  }
0x36: {  	[tilespmem:$0x9940] =	vst v0  }
0x37: {  	[tilespmem:$0x9950] =	vst v0  }
0x38: {  	[tilespmem:$0x9960] =	vst v0  }
0x39: {  	[tilespmem:$0x9970] =	vst v0  }
0x3a: {  	[tilespmem:$0x9980] =	vst v0  }
0x3b: {  	[tilespmem:$0x9990] =	vst v0  }
0x3c: {  	[tilespmem:$0x99A0] =	vst v0  }
0x3d: {  	[tilespmem:$0x99B0] =	vst v0  }
0x3e: {  	[tilespmem:$0x99C0] =	vst v0  }
0x3f: {  	[tilespmem:$0x99D0] =	vst v0  }
0x40: {  	[tilespmem:$0x99E0] =	vst v0  }
0x41: {  	s31 =	sadd.s32 $0x0, s7;
	[tilespmem:$0x99F0] =	vst v0  }
0x42: {  	[spmem:s31] =	stream.linear.scatter [tilespmem:s23], [sflag:$0x3], $0x200, $0x38;
	[tilespmem:$0xE900] =	vst v63  }
0x43: {  	s0 =	simm.s32 $0x800;
	_ =	swait.ge [sflag:s21], $0x200  }
.LBB2_2:
0x44: {  	s1 =	sshra.s32 s0, $0x2;
	[sflag:s21] =	ssyncset.done $0x0;
	p0 =	sne.s32 s0, $0x13000  }
.Ltmp0:
0x45: {  	s1 =	sadd.s32 s1, s7;
	[sflag:s21] =	ssyncadd.s32 $0xFFFFFE00;
	(pc) =	sbr.rel @p0 .LBB2_2-.Ltmp0, $3  }
0x46: {  	[spmem:s1] =	stream.linear.scatter [tilespmem:s23], [sflag:$0x3], $0x200, $0x38;
	[tilespmem:$0xE900] =	vst v63  }
0x47: {  	s0 =	sadd.s32 $0x800, s0;
	_ =	sdelay $0x1  }
0x48: {  	_ =	swait.ge [sflag:s21], $0x200  }
0x49: {  	[sflag:s21] =	ssyncset.done $0x0  }
0x4a: {  	[sflag:s21] =	ssyncadd.s32 $0xFFFFFE00  }
0x4b: {  	[spmem:s8] =	stream.linear.scatter [tilespmem:s23], [sflag:$0x3], $0x100, $0x38;
	[tilespmem:$0xE900] =	vst v63  }
0x4c: {  	_ =	swait.ge [sflag:s21], $0x100  }
0x4d: {  	[sflag:s21] =	ssyncset.done $0x0  }
0x4e: {  	[sflag:s21] =	ssyncadd.s32 $0xFFFFFF00  }
0x4f: {  	s31 =	simm.s32 $0x0;
	[bflag:$0x0] =	sbarrier.arrive $0xFFFF  }
0x50: {  	[tilespmem:s25], [sflag:$0x1] =	stream.indirect.gather [hbm4b:s4+s24], $0x20, s31, s24, $0xb8;
	[tilespmem:$0xE900] =	vst v63  }
0x51: {  	s0 =	simm.s32 $0x80  }
0x52: {  	[tilespmem:s26], [sflag:$0x2] =	stream.indirect.gather [hbm4b:s4+s24], $0x20, s0, s24, $0xb8;
	[tilespmem:$0xE900] =	vst v63  }
0x53: {  	_ =	swait.ge [sflag:s28], $0x1000  }
0x54: {  	[sflag:s28] =	ssyncset.done $0x0  }
0x55: {  	s0 =	simm.s32 $0x3C00;
	[sflag:s28] =	ssyncadd.s32 $0xFFFFF000  }
0x56: {  	[spmem:s2] =	stream.indirect.scatter.add.bf16 [tilespmem:s25], [sflag:$0x3], $0x20, s0, s24, $0xb8;
	[tilespmem:$0xE900] =	vst v63  }
0x57: {  	_ =	swait.ge [sflag:s21], $0x1000  }
0x58: {  	[sflag:s21] =	ssyncset.done $0x0  }
0x59: {  	[sflag:s21] =	ssyncadd.s32 $0xFFFFF000  }
0x5a: {  	p0 =	sne.s32 s9, $0x1;
	_ =	swait.ge [sflag:s29], $0x1000  }
.Ltmp1:
0x5b: {  	[sflag:s29] =	ssyncset.done $0x0;
	(pc) =	sbr.rel @!p0 .LBB2_5-.Ltmp1, $4  }
0x5c: {  	s1 =	simm.s32 $0x3C80;
	[sflag:s29] =	ssyncadd.s32 $0xFFFFF000  }
0x5d: {  	[spmem:s2] =	stream.indirect.scatter.add.bf16 [tilespmem:s26], [sflag:$0x3], $0x20, s1, s24, $0xb8;
	[tilespmem:$0xE900] =	vst v63  }
0x5e: {  	_ =	swait.ge [sflag:s21], $0x1000  }
0x5f: {  	s1 =	sadd.s32 $0xFFFFFFFF, s9;
	[sflag:s21] =	ssyncset.done $0x0  }
.LBB2_4:
0x60: {  	[sflag:s21] =	ssyncadd.s32 $0xFFFFF000;
	s31 =	sadd.s32 $0x100, s31;
	s0 =	sadd.s32 $0x100, s0  }
0x61: {  	[tilespmem:s25], [sflag:$0x1] =	stream.indirect.gather [hbm4b:s4+s24], $0x20, s31, s24, $0xb8;
	[tilespmem:$0xE900] =	vst v63  }
0x62: {  	p0 =	sne.s32 s1, $0x1;
	s1 =	sadd.s32 $0xFFFFFFFF, s1;
	s22 =	sadd.s32 $0x80, s31  }
0x63: {  	[tilespmem:s26], [sflag:$0x2] =	stream.indirect.gather [hbm4b:s4+s24], $0x20, s22, s24, $0xb8;
	[tilespmem:$0xE900] =	vst v63  }
0x64: {  	_ =	swait.ge [sflag:s28], $0x1000  }
0x65: {  	[sflag:s28] =	ssyncset.done $0x0  }
0x66: {  	[sflag:s28] =	ssyncadd.s32 $0xFFFFF000  }
0x67: {  	[spmem:s2] =	stream.indirect.scatter.add.bf16 [tilespmem:s25], [sflag:$0x3], $0x20, s0, s24, $0xb8;
	[tilespmem:$0xE900] =	vst v63  }
0x68: {  	_ =	swait.ge [sflag:s21], $0x1000  }
0x69: {  	[sflag:s21] =	ssyncset.done $0x0  }
0x6a: {  	[sflag:s21] =	ssyncadd.s32 $0xFFFFF000  }
0x6b: {  	_ =	swait.ge [sflag:s29], $0x1000  }
.Ltmp2:
0x6c: {  	[sflag:s29] =	ssyncset.done $0x0;
	(pc) =	sbr.rel @p0 .LBB2_4-.Ltmp2, $4  }
0x6d: {  	s22 =	sadd.s32 $0x80, s0;
	[sflag:s29] =	ssyncadd.s32 $0xFFFFF000  }
0x6e: {  	[spmem:s2] =	stream.indirect.scatter.add.bf16 [tilespmem:s26], [sflag:$0x3], $0x20, s22, s24, $0xb8;
	[tilespmem:$0xE900] =	vst v63  }
0x6f: {  	_ =	swait.ge [sflag:s21], $0x1000  }
0x70: {  	[sflag:s21] =	ssyncset.done $0x0  }
.LBB2_5:
0x71: {  	[sflag:s21] =	ssyncadd.s32 $0xFFFFF000  }
0x72: {  	[bflag:$0x0] =	sbarrier.arrive $0xFFFF  }
0x73: {  	[tilespmem:s25], [sflag:$0x3] =	stream.linear.gather [spmem:s12], $0x1000, $0x38;
	[tilespmem:$0xE900] =	vst v63  }
0x74: {  	_ =	swait.ge [sflag:s21], $0x1000  }
0x75: {  	[sflag:s21] =	ssyncset.done $0x0  }
0x76: {  	[sflag:s21] =	ssyncadd.s32 $0xFFFFF000  }
0x77: {  	[hbm4b:s14+s3] =	stream.linear.scatter [tilespmem:s25], [sflag:$0x3], $0x1000, $0x38;
	[tilespmem:$0xE900] =	vst v63  }
0x78: {  	_ =	swait.ge [sflag:s21], $0x1000  }
0x79: {  	[sflag:s21] =	ssyncset.done $0x0  }
0x7a: {  	[sflag:s21] =	ssyncadd.s32 $0xFFFFF000  }
0x7b: {  	[tilespmem:s25], [sflag:$0x3] =	stream.linear.gather [spmem:s15], $0x1000, $0x38;
	[tilespmem:$0xE900] =	vst v63  }
0x7c: {  	_ =	swait.ge [sflag:s21], $0x1000  }
0x7d: {  	[sflag:s21] =	ssyncset.done $0x0  }
0x7e: {  	[sflag:s21] =	ssyncadd.s32 $0xFFFFF000  }
0x7f: {  	[hbm4b:s16+s3] =	stream.linear.scatter [tilespmem:s25], [sflag:$0x3], $0x1000, $0x38;
	[tilespmem:$0xE900] =	vst v63  }
0x80: {  	_ =	swait.ge [sflag:s21], $0x1000  }
0x81: {  	[sflag:s21] =	ssyncset.done $0x0  }
0x82: {  	[sflag:s21] =	ssyncadd.s32 $0xFFFFF000  }
0x83: {  	[tilespmem:s25], [sflag:$0x3] =	stream.linear.gather [spmem:s17], $0x1000, $0x38;
	[tilespmem:$0xE900] =	vst v63  }
0x84: {  	_ =	swait.ge [sflag:s21], $0x1000  }
0x85: {  	[sflag:s21] =	ssyncset.done $0x0  }
0x86: {  	[sflag:s21] =	ssyncadd.s32 $0xFFFFF000  }
0x87: {  	[hbm4b:s18+s3] =	stream.linear.scatter [tilespmem:s25], [sflag:$0x3], $0x1000, $0x38;
	[tilespmem:$0xE900] =	vst v63  }
0x88: {  	_ =	swait.ge [sflag:s21], $0x1000  }
0x89: {  	[sflag:s21] =	ssyncset.done $0x0  }
0x8a: {  	[sflag:s21] =	ssyncadd.s32 $0xFFFFF000  }
0x8b: {  	[tilespmem:s25], [sflag:$0x3] =	stream.linear.gather [spmem:s19], $0x1000, $0x38;
	[tilespmem:$0xE900] =	vst v63  }
0x8c: {  	_ =	swait.ge [sflag:s21], $0x1000  }
0x8d: {  	[sflag:s21] =	ssyncset.done $0x0  }
0x8e: {  	[sflag:s21] =	ssyncadd.s32 $0xFFFFF000  }
0x8f: {  	[hbm4b:s20+s3] =	stream.linear.scatter [tilespmem:s25], [sflag:$0x3], $0x1000, $0x38;
	[tilespmem:$0xE900] =	vst v63  }
0x90: {  	_ =	swait.ge [sflag:s21], $0x1000  }
0x91: {  	[sflag:s21] =	ssyncset.done $0x0  }
0x92: {  	[sflag:s21] =	ssyncadd.s32 $0xFFFFF000  }
0x93: {  	[tilespmem:s25], [sflag:$0x3] =	stream.linear.gather [spmem:s10], $0xF00, $0x38;
	[tilespmem:$0xE900] =	vst v63  }
0x94: {  	s30 =	sadd.s32 $0x1, s30;
	_ =	swait.ge [sflag:s21], $0xF00  }
0x95: {  	p0 =	sne.s32 s30, s13;
	[sflag:s21] =	ssyncset.done $0x0  }
.Ltmp3:
0x96: {  	[sflag:s21] =	ssyncadd.s32 $0xFFFFF100;
	(pc) =	sbr.rel @p0 .LBB2_1-.Ltmp3, $4  }
0x97: {  	[hbm4b:s11+s3] =	stream.linear.scatter [tilespmem:s25], [sflag:$0x3], $0xF00, $0x38;
	[tilespmem:$0xE900] =	vst v63  }
0x98: {  	_ =	swait.ge [sflag:s21], $0xF00  }
0x99: {  	[sflag:s21] =	ssyncset.done $0x0  }
0x9a: {  	[sflag:s21] =	ssyncadd.s32 $0xFFFFF100  }
0x9b: {  	_ =	sfence.sel $0x180000  }
0x9c: {  	[bflag:$0x0] =	sbarrier.arrive $0xFFFF  }
0x9d: {  	_ =	strace $0x9000004D  }
0x9e: {  	s0 =	stileid.u32;
	[bflag:$0x2] =	sbarrier.arrive $0xFFFF  }
0x9f: {  	p0 =	sne.s32 s0, $0x0;
	s0 =	rddreg [dreg:$0x3]  }
0xa0: {  	s0 =	sadd.s32 @!p0 $0x100000, s0  }
0xa1: {  	[sflag:s0] =	ssyncadd.tile.s32 @!p0 $0x1;
	_ =	shalt  }
.Lfunc_end2:
_tile_overlayer_lowered:
.L_overlay_start_2:
0xa2: {  	(tag) =	ssettag $0x2  }
0xa3: {  	s0 =	rddreg [dreg:$0x0];
	s2 =	stileid.u32  }
0xa4: {  	s1 =	rddreg [dreg:$0x1];
	p0 =	sne.s32 s2, $0x0  }
0xa5: {  	s3 =	rddreg [dreg:$0x2];
	[bflag:$0x3] =	sbarrier.arrive $0xFFFF;
	s2 =	simm.s32 @!p0 $0x1C03  }
0xa6: {  	[timem:s3], [sflag:s2] =	dma.local @!p0 [hbm:s0], s1  }
0xa7: {  	s0 =	simm.s32 @!p0 $0x3  }
0xa8: {  	_ =	swait.ge @!p0 [sflag:s0], s1  }
0xa9: {  	s1 =	ssub.s32 @!p0 $0x0, s1;
	[sflag:s0] =	ssyncset.done @!p0 $0x0  }
0xaa: {  	[sflag:s0] =	ssyncadd.s32 @!p0 s1  }
0xab: {  	[bflag:$0x3] =	sbarrier.arrive $0xFFFF  }
0xac: {  	_ =	shalt  }

// kernel: kernel.9.cloned.1.call-start
scs
__scs_entry_jumppad:
0x0: {  	(pc) =	sbr.rel $0x88, $3  }
0x1: {  	(tag) =	ssettag $0x0;
	lr =	simm.s32 $0x1  }
0x2: {  	[smem:$0x3F9B] =	sst lr;
	_ =	strace $0xD0000000  }
0x3: {  	_ = 	snop  }
0x4: {  	_ = 	snop  }
0x5: {  	_ = 	snop  }
0x6: {  	_ = 	snop  }
0x7: {  	_ = 	snop  }
__scs_overlays_trampoline_lowered:
0x8: {  	[smem:$0x3FAA] =	sst s0  }
0x9: {  	[smem:$0x3FAB] =	sst s1  }
0xa: {  	[smem:$0x3FAC] =	sst s2  }
0xb: {  	[smem:$0x3FAD] =	sst s3  }
0xc: {  	[smem:$0x3FAE] =	sst s4  }
0xd: {  	[smem:$0x3FAF] =	sst s5  }
0xe: {  	[smem:$0x3FB0] =	sst s6  }
0xf: {  	[smem:$0x3FB1] =	sst s7  }
0x10: {  	[smem:$0x3FB2] =	sst s8  }
0x11: {  	[smem:$0x3FB3] =	sst s9;
	s0 =	simm.s32 @!p0 $0x0  }
0x12: {  	s1 =	sld [smem:$0x3F99];
	s0 =	simm.s32 @p0 $0x1  }
0x13: {  	[smem:$0x3FB4] =	sst s0;
	s0 =	simm.s32 @!p1 $0x0  }
0x14: {  	s2 =	sld [smem:$0x3F98];
	s0 =	simm.s32 @p1 $0x1  }
0x15: {  	[smem:$0x3FB5] =	sst s0;
	s0 =	simm.s32 @!p2 $0x0  }
0x16: {  	s3 =	sld [smem:$0x3FDB];
	s0 =	simm.s32 @p2 $0x1  }
0x17: {  	s4 =	simm.s32 $0x1BF5;
	[smem:$0x3FB7] =	sst s0  }
0x18: {  	s0 =	sld [smem:$0x3F9A];
	_ =	swait.ge [sflag:s4], $0x0  }
0x19: {  	s7 =	sld [smem:$0x3F9B]  }
0x1a: {  	s8 =	sadd.s32 $0xFFFFE003, lr  }
0x1b: {  	s9 =	sadd.s32 $0xFFFFFEF7, lr;
	s5 =	simm.s32 $0xFFFFFFFF;
	p2 =	slt.u32 s8, $0xFFFFF086  }
0x1c: {  	p1 =	slt.u32 s9, $0xF7A;
	s5 =	simm.s32 @!p2 $0x0  }
0x1d: {  	s5 =	simm.s32 @p1 $0x1;
	p0 =	seq.s32 s7, s2  }
0x1e: {  	s7 =	smul.u32 @!p0 $0xF7A, s2;
	p2 =	seq.s32 @!p0 s5, $0x0  }
0x1f: {  	s9 =	smul.u32 $0xF7A, s1;
	s8 =	simm.s32 @!p0 $0x1BF5;
	p2 =	por !p2, p0  }
0x20: {  	[sflag:s8] =	ssyncset.s32 @!p0 $0xFFFFF086;
	s6 =	sadd.s32 @!p0 s3, s7;
	s7 =	simm.s32 @!p0 $0x108  }
0x21: {  	s3 =	sadd.s32 s3, s9;
	s6 =	sadd.s32 @!p0 $0x88, s6;
	s7 =	simm.s32 @p2 $0x1082  }
0x22: {  	[simem:s7], [sflag:s8] =	dma.local @!p0 [hbm:s6], $0xF7A  }
0x23: {  	s9 =	sor.u32 $0xD0000000, s2;
	s6 =	simm.s32 $0x108;
	_ =	swait.ge @!p0 [sflag:s8], $0x0  }
0x24: {  	s3 =	sadd.s32 $0x88, s3;
	s6 =	simm.s32 @!p1 $0x1082;
	[sflag:s4] =	ssyncset.s32 $0xFFFFF086  }
0x25: {  	[simem:s6], [sflag:s4] =	dma.local [hbm:s3], $0xF7A  }
0x26: {  	[smem:$0x3F9B] =	sst s1;
	(tag) =	ssettag s2;
	_ =	strace s9  }
0x27: {  	s1 =	sld [smem:$0x3FAB]  }
0x28: {  	s2 =	sld [smem:$0x3FAC]  }
0x29: {  	s4 =	sld [smem:$0x3FAE]  }
0x2a: {  	p0 =	seq.s32 s5, $0x0;
	s5 =	sld [smem:$0x3FAF]  }
0x2b: {  	s6 =	sld [smem:$0x3FB0]  }
0x2c: {  	s7 =	sld [smem:$0x3FB1]  }
0x2d: {  	s3 =	simm.s32 $0x108;
	s8 =	sld [smem:$0x3FB2]  }
0x2e: {  	s3 =	simm.s32 @!p0 $0x1082;
	s9 =	sld [smem:$0x3FB3]  }
0x2f: {  	lr =	sadd.s32 s0, s3;
	s0 =	sld [smem:$0x3FAA]  }
0x30: {  	s3 =	sld [smem:$0x3FAD]  }
0x31: {  	[smem:$0x3FB6] =	sst s10  }
0x32: {  	s10 =	sld [smem:$0x3FB4];
	_ =	sdelay $0x3  }
0x33: {  	p0 =	seq.s32 s10, $0x1;
	s10 =	sld [smem:$0x3FB6];
	_ =	sdelay $0x3  }
0x34: {  	[smem:$0x3FB6] =	sst s10  }
0x35: {  	s10 =	sld [smem:$0x3FB5];
	_ =	sdelay $0x3  }
0x36: {  	p1 =	seq.s32 s10, $0x1;
	s10 =	sld [smem:$0x3FB6];
	_ =	sdelay $0x3  }
0x37: {  	[smem:$0x3FB6] =	sst s10  }
0x38: {  	s10 =	sld [smem:$0x3FB7]  }
0x39: {  	_ = 	snop;
	(pc) =	sbr.ind lr, $3  }
0x3a: {  	_ = 	snop  }
0x3b: {  	_ = 	snop  }
0x3c: {  	p2 =	seq.s32 s10, $0x1;
	s10 =	sld [smem:$0x3FB6]  }
0x3d: {  	_ =	shalt  }
0x3e: {  	_ =	shalt  }
0x3f: {  	_ =	shalt  }
0x40: {  	_ =	shalt  }
0x41: {  	_ =	shalt  }
0x42: {  	_ =	shalt  }
0x43: {  	_ =	shalt  }
0x44: {  	_ =	shalt  }
0x45: {  	_ =	shalt  }
0x46: {  	_ =	shalt  }
0x47: {  	_ =	shalt  }
0x48: {  	_ =	shalt  }
0x49: {  	_ =	shalt  }
0x4a: {  	_ =	shalt  }
0x4b: {  	_ =	shalt  }
0x4c: {  	_ =	shalt  }
0x4d: {  	_ =	shalt  }
0x4e: {  	_ =	shalt  }
0x4f: {  	_ =	shalt  }
0x50: {  	_ =	shalt  }
0x51: {  	_ =	shalt  }
0x52: {  	_ =	shalt  }
0x53: {  	_ =	shalt  }
0x54: {  	_ =	shalt  }
0x55: {  	_ =	shalt  }
0x56: {  	_ =	shalt  }
0x57: {  	_ =	shalt  }
0x58: {  	_ =	shalt  }
0x59: {  	_ =	shalt  }
0x5a: {  	_ =	shalt  }
0x5b: {  	_ =	shalt  }
0x5c: {  	_ =	shalt  }
0x5d: {  	_ =	shalt  }
0x5e: {  	_ =	shalt  }
0x5f: {  	_ =	shalt  }
0x60: {  	_ =	shalt  }
0x61: {  	_ =	shalt  }
0x62: {  	_ =	shalt  }
0x63: {  	_ =	shalt  }
0x64: {  	_ =	shalt  }
0x65: {  	_ =	shalt  }
0x66: {  	_ =	shalt  }
0x67: {  	_ =	shalt  }
0x68: {  	_ =	shalt  }
0x69: {  	_ =	shalt  }
0x6a: {  	_ =	shalt  }
0x6b: {  	_ =	shalt  }
0x6c: {  	_ =	shalt  }
0x6d: {  	_ =	shalt  }
0x6e: {  	_ =	shalt  }
0x6f: {  	_ =	shalt  }
0x70: {  	_ =	shalt  }
0x71: {  	_ =	shalt  }
0x72: {  	_ =	shalt  }
0x73: {  	_ =	shalt  }
0x74: {  	_ =	shalt  }
0x75: {  	_ =	shalt  }
0x76: {  	_ =	shalt  }
0x77: {  	_ =	shalt  }
0x78: {  	_ =	shalt  }
0x79: {  	_ =	shalt  }
0x7a: {  	_ =	shalt  }
0x7b: {  	_ =	shalt  }
0x7c: {  	_ =	shalt  }
0x7d: {  	_ =	shalt  }
0x7e: {  	_ =	shalt  }
0x7f: {  	_ =	shalt  }
0x80: {  	_ =	shalt  }
0x81: {  	_ =	shalt  }
0x82: {  	_ =	shalt  }
0x83: {  	_ =	shalt  }
0x84: {  	_ =	shalt  }
0x85: {  	_ =	shalt  }
0x86: {  	_ =	shalt  }
0x87: {  	_ =	shalt  }
.Lfunc_end0:
.L_simem_size_0:
called_computation_lowered:
.L_overlay_start_0:
0x88: {  	s2 =	sld [smem:$0x3FD9]  }
0x89: {  	s3 =	sld [smem:$0x3FFE];
	_ =	sdelay $0x1  }
0x8a: {  	s1 =	srdreg.scid  }
0x8b: {  	s0 =	sand.u32 $0x1, s1  }
0x8c: {  	s17 =	sshll.u32 s0, $0xA;
	s2 =	sadd.s32 s3, s2  }
0x8d: {  	s2 =	sadd.s32 s2, s17  }
0x8e: {  	[smem:$0x3FC2] =	sst s2  }
0x8f: {  	_ = 	snop  }
0x90: {  	s2 =	sld [smem:$0x3FD0];
	(tm) =	ssettm $0x1  }
0x91: {  	s18 =	sld [smem:$0x3FFB];
	_ =	sdelay $0x3  }
0x92: {  	_ =	strace s18  }
0x93: {  	s3 =	sld [smem:$0x3FFC];
	_ =	sdelay $0x3  }
0x94: {  	_ =	strace s3  }
0x95: {  	s3 =	sld [smem:$0x3FFD];
	_ =	sdelay $0x3  }
0x96: {  	_ =	strace s3  }
0x97: {  	_ =	strace $0x8FFFFFFF  }
0x98: {  	s19 =	sld [smem:$0x3FDB];
	_ =	sdelay $0x1  }
0x99: {  	s4 =	simm.s32 $_scs_section_size  }
0x9a: {  	s5 =	simm.s32 $_size__tile_overlayer_lowered;
	s6 =	simm.s32 $_tile_overlayer_lowered  }
0x9b: {  	s22 =	simm.s32 $0x1BFF;
	s21 =	sshll.u32 s6, $0x1;
	s3 =	sadd.s32 s4, s19  }
0x9c: {  	s7 =	simm.s32 $0x0;
	s20 =	sshll.u32 s5, $0x1;
	s5 =	sadd.s32 s21, s3  }
0x9d: {  	[timem:s7], [sflag:s22] =	dma.local [hbm:s5], s20  }
0x9e: {  	_ =	swait.ge [sflag:s22], s20  }
0x9f: {  	s4 =	ssub.s32 $0x0, s20;
	[sflag:s22] =	ssyncset.done $0x0  }
0xa0: {  	[sflag:s22] =	ssyncadd.s32 s4;
	_ =	sdelay $0x1  }
0xa1: {  	s23 =	simm.s32 $0x1B8B  }
0xa2: {  	_ =	swait.ge [sflag:s23], $0x1  }
0xa3: {  	[sflag:s23] =	ssyncset.done $0x0  }
0xa4: {  	s25 =	simm.s32 $0x1B8E;
	s24 =	sld [smem:$0x3FFE];
	[sflag:s23] =	ssyncadd.s32 $0xFFFFFFFF  }
0xa5: {  	s26 =	simm.s32 $execute0_lowered;
	[smem:$0x3FD2] =	sst s25  }
0xa6: {  	s5 =	sshll.u32 s26, $0x1;
	_ =	strace $0x80000046;
	[dreg:$0x1] =	wrdreg $0xFFFFFFFF  }
0xa7: {  	s28 =	simm.s32 $_size_execute0_lowered;
	s3 =	sadd.s32 s3, s5;
	[dreg:$0x0] =	wrdreg $0x0  }
0xa8: {  	s5 =	sshll.u32 s28, $0x1;
	[dreg:$0x2] =	wrdreg s3  }
0xa9: {  	[dreg:$0x3] =	wrdreg s5  }
0xaa: {  	[dreg:$0x4] =	wrdreg $0xC0  }
0xab: {  	_ =	task [dreg:s7], $0x5FFFF  }
0xac: {  	[dreg:$0x1] =	wrdreg $0xFFFFFFFF  }
0xad: {  	[dreg:$0x0] =	wrdreg $0x60  }
0xae: {  	[dreg:$0x2] =	wrdreg s24  }
0xaf: {  	[dreg:$0x3] =	wrdreg s2  }
0xb0: {  	[dreg:$0x4] =	wrdreg $0x3F000  }
0xb1: {  	[dreg:$0x5] =	wrdreg $0x9  }
0xb2: {  	_ =	task.clear_ibuf [dreg:s7], $0x6FFFF;
	_ =	strace $0x90000046  }
0xb3: {  	s29 =	simm.s32 $0x9;
	_ =	strace $0x80000048  }
0xb4: {  	_ =	swait.ge [sflag:s29], $0x1  }
0xb5: {  	[sflag:s29] =	ssyncadd.s32 $0xFFFFFFFF  }
0xb6: {  	_ =	strace $0x90000048  }
0xb7: {  	_ =	sfence  }
0xb8: {  	s30 =	sld [smem:$0x0];
	_ =	sdelay $0x2  }
0xb9: {  	s31 =	sshll.u32 s1, $0xD;
	s1 =	sshrl.u32 s1, $0x2  }
0xba: {  	s3 =	sand.u32 $0x4000, s31;
	s1 =	sadd.s32 s1, s30  }
0xbb: {  	s0 =	sor.u32 s3, s0;
	s1 =	sshll.u32 s1, $0x11  }
0xbc: {  	s0 =	sor.u32 s1, s0  }
0xbd: {  	s0 =	sadd.s32 $0x8F2B, s0  }
0xbe: {  	[sflag:s0] =	ssyncadd.remote.s32 $0x1  }
0xbf: {  	_ =	sfence.sel $0xFFFF  }
0xc0: {  	[dreg:$0x0] =	wrdreg $0xFFFFFFFF;
	(pc) =	sbr.abs _section_cstart, $3  }
0xc1: {  	[dreg:$0x1] =	wrdreg $0xFFFFFFFF  }
0xc2: {  	_ =	task.clear_ibuf [dreg:s7], $0x2FFFF;
	_ =	strace $0x9FFFFFFF  }
0xc3: {  	(tm) =	ssettm $0x7FFFFFFF  }
tec
execute0_lowered:
.L_overlay_start_1:
0x0: {  	(tag) =	ssettag $0x1  }
0x1: {  	s4 =	rddreg [dreg:$0x0]  }
0x2: {  	s7 =	rddreg [dreg:$0x1]  }
0x3: {  	s2 =	rddreg [dreg:$0x2]  }
0x4: {  	s0 =	rddreg [dreg:$0x3];
	s1 =	stileid.u32  }
0x5: {  	s3 =	simm.s32 $0x0;
	s5 =	srdreg.scid;
	s11 =	simm.s32 $0x80  }
0x6: {  	s12 =	simm.s32 $0x3C00;
	s13 =	simm.s32 $0x0;
	s6 =	smul.u32 $0x28, s1  }
0x7: {  	[smem:$0x7FF] =	sst s3;
	s5 =	sand.u32 $0x1, s5;
	s8 =	smul.u32 $0x78, s1  }
0x8: {  	s9 =	smul.u32 $0x278, s1;
	p0 =	seq.s32 s5, $0x0;
	s28 =	ssub.s32 $0x2, s5  }
0x9: {  	s5 =	smul.u32 $0x2780, s5;
	s6 =	sadd.s32 $0x780, s6;
	s10 =	sshrl.u32 s28, $0x1  }
0xa: {  	_ =	strace $0x80000047;
	s8 =	smov.u32 @p0 s6;
	s29 =	ssub.s32 s28, s10  }
0xb: {  	s30 =	sadd.s32 s9, s5;
	s5 =	simm.s32 $0x28;
	s6 =	sadd.s32 s9, s2  }
0xc: {  	s9 =	simm.s32 $0x1;
	s10 =	simm.s32 $0x3C80;
	s8 =	sshll.u32 s8, $0x4  }
0xd: {  	s31 =	sshrl.u32 s30, $0x3;
	s5 =	simm.s32 @!p0 $0x78;
	s4 =	sadd.s32 s8, s4  }
0xe: {  	v0 =	vimm.f32 $1.000000000e+00;
	v1 =	vimm.f32 $0.0e+00;
	s7 =	sadd.s32 s7, s31;
	s8 =	smax.u32 s29, $0x1;
	s4 =	sadd.s32 $0x1800, s4  }
.LBB2_1:
0xf: {  	[tilespmem:s3], [sflag:$0x1] =	stream.linear.gather [hbm4b:s4+s3], $0x3C00, $0x38;
	[tilespmem:$0x4178] =	vst v63  }
0x10: {  	_ =	swait.ge [sflag:s9], $0x3C00  }
0x11: {  	[sflag:s9] =	ssyncset.done $0x0  }
0x12: {  	[sflag:s9] =	ssyncadd.s32 $0xFFFFC400  }
0x13: {  	[tilespmem:$0x3C00] =	vst v0  }
0x14: {  	[tilespmem:$0x3C10] =	vst v0  }
0x15: {  	[tilespmem:$0x3C20] =	vst v0  }
0x16: {  	[tilespmem:$0x3C30] =	vst v0  }
0x17: {  	[tilespmem:$0x3C40] =	vst v0  }
0x18: {  	[tilespmem:$0x3C50] =	vst v0  }
0x19: {  	[tilespmem:$0x3C60] =	vst v0  }
0x1a: {  	[tilespmem:$0x3C70] =	vst v0  }
0x1b: {  	[tilespmem:$0x3C80] =	vst v1  }
0x1c: {  	[tilespmem:$0x3C90] =	vst v1  }
0x1d: {  	[tilespmem:$0x3CA0] =	vst v1  }
0x1e: {  	[tilespmem:$0x3CB0] =	vst v1  }
0x1f: {  	[tilespmem:$0x3CC0] =	vst v1  }
0x20: {  	[tilespmem:$0x3CD0] =	vst v1  }
0x21: {  	[tilespmem:$0x3CE0] =	vst v1  }
0x22: {  	[tilespmem:$0x3CF0] =	vst v1  }
0x23: {  	[tilespmem:$0x3D00] =	vst v1  }
0x24: {  	[tilespmem:$0x3D10] =	vst v1  }
0x25: {  	[tilespmem:$0x3D20] =	vst v1  }
0x26: {  	[tilespmem:$0x3D30] =	vst v1  }
0x27: {  	[tilespmem:$0x3D40] =	vst v1  }
0x28: {  	[tilespmem:$0x3D50] =	vst v1  }
0x29: {  	[tilespmem:$0x3D60] =	vst v1  }
0x2a: {  	[tilespmem:$0x3D70] =	vst v1  }
0x2b: {  	[tilespmem:$0x3D80] =	vst v1  }
0x2c: {  	[tilespmem:$0x3D90] =	vst v1  }
0x2d: {  	[tilespmem:$0x3DA0] =	vst v1  }
0x2e: {  	[tilespmem:$0x3DB0] =	vst v1  }
0x2f: {  	[tilespmem:$0x3DC0] =	vst v1  }
0x30: {  	[tilespmem:$0x3DD0] =	vst v1  }
0x31: {  	[tilespmem:$0x3DE0] =	vst v1  }
0x32: {  	[tilespmem:$0x3DF0] =	vst v1  }
0x33: {  	[tilespmem:$0x3E00] =	vst v1  }
0x34: {  	[tilespmem:$0x3E10] =	vst v1  }
0x35: {  	[tilespmem:$0x3E20] =	vst v1  }
0x36: {  	[tilespmem:$0x3E30] =	vst v1  }
0x37: {  	[tilespmem:$0x3E40] =	vst v1  }
0x38: {  	[tilespmem:$0x3E50] =	vst v1  }
0x39: {  	[tilespmem:$0x3E60] =	vst v1  }
0x3a: {  	[tilespmem:$0x3E70] =	vst v1  }
0x3b: {  	[tilespmem:$0x3E80] =	vst v1  }
0x3c: {  	[tilespmem:$0x3E90] =	vst v1  }
0x3d: {  	[tilespmem:$0x3EA0] =	vst v1  }
0x3e: {  	[tilespmem:$0x3EB0] =	vst v1  }
0x3f: {  	[tilespmem:$0x3EC0] =	vst v1  }
0x40: {  	[tilespmem:$0x3ED0] =	vst v1  }
0x41: {  	[tilespmem:$0x3EE0] =	vst v1  }
0x42: {  	[tilespmem:$0x3EF0] =	vst v1  }
0x43: {  	[spmem:s6] =	stream.linear.scatter [tilespmem:s10], [sflag:$0x1], $0x278, $0x38;
	[tilespmem:$0x4178] =	vst v63  }
0x44: {  	_ =	swait.ge [sflag:s9], $0x278  }
0x45: {  	p0 =	sne.s32 s5, $0x1;
	[sflag:s9] =	ssyncset.done $0x0  }
.Ltmp0:
0x46: {  	[sflag:s9] =	ssyncadd.s32 $0xFFFFFD88;
	(pc) =	sbr.rel @!p0 .LBB2_3-.Ltmp0, $4  }
0x47: {  	[bflag:$0x0] =	sbarrier.arrive $0xFFFF  }
0x48: {  	[spmem:s2] =	stream.indirect.scatter.add.f32 [tilespmem:s12], [sflag:$0x1], $0x1, s3, s11, $0xb8;
	[tilespmem:$0x4178] =	vst v63  }
0x49: {  	_ =	swait.ge [sflag:s9], $0x80  }
0x4a: {  	s14 =	sadd.s32 $0xFFFFFFFF, s5;
	s15 =	simm.s32 $0x0;
	[sflag:s9] =	ssyncset.done $0x0  }
.LBB2_2:
0x4b: {  	p0 =	sne.s32 s14, $0x1;
	[sflag:s9] =	ssyncadd.s32 $0xFFFFFF80;
	s15 =	sadd.s32 $0x80, s15  }
.Ltmp1:
0x4c: {  	s14 =	sadd.s32 $0xFFFFFFFF, s14;
	(pc) =	sbr.rel @p0 .LBB2_2-.Ltmp1, $4  }
0x4d: {  	_ = 	snop  }
0x4e: {  	[spmem:s2] =	stream.indirect.scatter.add.f32 [tilespmem:s12], [sflag:$0x1], $0x1, s15, s11, $0xb8;
	[tilespmem:$0x4178] =	vst v63  }
0x4f: {  	_ =	swait.ge [sflag:s9], $0x80  }
0x50: {  	[sflag:s9] =	ssyncset.done $0x0  }
.LBB2_3:
0x51: {  	[sflag:s9] =	ssyncadd.s32 $0xFFFFFF80  }
0x52: {  	[bflag:$0x0] =	sbarrier.arrive $0xFFFF  }
0x53: {  	[tilespmem:s10], [sflag:$0x1] =	stream.linear.gather [spmem:s6], $0x278, $0x38;
	[tilespmem:$0x4178] =	vst v63  }
0x54: {  	s13 =	sadd.s32 $0x1, s13;
	_ =	swait.ge [sflag:s9], $0x278  }
0x55: {  	p0 =	sne.s32 s13, s8;
	[sflag:s9] =	ssyncset.done $0x0  }
.Ltmp2:
0x56: {  	[sflag:s9] =	ssyncadd.s32 $0xFFFFFD88;
	(pc) =	sbr.rel @p0 .LBB2_1-.Ltmp2, $4  }
0x57: {  	[hbm4b:s7+s3] =	stream.linear.scatter [tilespmem:s10], [sflag:$0x1], $0x278, $0x38;
	[tilespmem:$0x4178] =	vst v63  }
0x58: {  	_ =	swait.ge [sflag:s9], $0x278  }
0x59: {  	[sflag:s9] =	ssyncset.done $0x0  }
0x5a: {  	[sflag:s9] =	ssyncadd.s32 $0xFFFFFD88  }
0x5b: {  	_ =	sfence.sel $0x180000  }
0x5c: {  	[bflag:$0x0] =	sbarrier.arrive $0xFFFF  }
0x5d: {  	p0 =	sne.s32 s1, $0x0;
	_ =	strace $0x90000047  }
0x5e: {  	s0 =	sadd.s32 @!p0 $0x100000, s0;
	[bflag:$0x2] =	sbarrier.arrive $0xFFFF  }
0x5f: {  	[sflag:s0] =	ssyncadd.tile.s32 @!p0 $0x1;
	_ =	shalt  }
.Lfunc_end2:
_tile_overlayer_lowered:
.L_overlay_start_2:
0x60: {  	(tag) =	ssettag $0x2  }
0x61: {  	s0 =	rddreg [dreg:$0x0];
	s2 =	stileid.u32  }
0x62: {  	s1 =	rddreg [dreg:$0x1];
	p0 =	sne.s32 s2, $0x0  }
0x63: {  	s3 =	rddreg [dreg:$0x2];
	[bflag:$0x3] =	sbarrier.arrive $0xFFFF;
	s2 =	simm.s32 @!p0 $0x1C01  }
0x64: {  	[timem:s3], [sflag:s2] =	dma.local @!p0 [hbm:s0], s1  }
0x65: {  	s0 =	simm.s32 @!p0 $0x1  }
0x66: {  	_ =	swait.ge @!p0 [sflag:s0], s1  }
0x67: {  	s1 =	ssub.s32 @!p0 $0x0, s1;
	[sflag:s0] =	ssyncset.done @!p0 $0x0  }
0x68: {  	[sflag:s0] =	ssyncadd.s32 @!p0 s1  }
0x69: {  	[bflag:$0x3] =	sbarrier.arrive $0xFFFF  }
0x6a: {  	_ =	shalt  }

</sc_bundles>
